<compile_context>
chip_gen: v7x
topology: tpu7x:2x2x1
jax: 0.10.2.dev20260603
libtpu: 0.0.44.dev20260713+nightly
codegen_flags: <defaults>
</compile_context>

<pallas_src>
import functools

import jax
import jax.numpy as jnp
from jax import lax
from jax.experimental import pallas as pl
from jax.experimental.pallas import tpu as pltpu
from jax.experimental.pallas import tpu_sc as plsc

N = 10000
E = 160000
T = 4
RNN = 64
N_PAD = 10240
NTAB = 11264
HOLE = NTAB // 2
E_PAD = 163840
TILE_E = 2048
TILE_N = 512
NC = 2
NS = 16
PER_W = E_PAD // (NC * NS)
N_CH = PER_W // 128
ROWS_PT = NTAB // NS


def _sig(x):
    return 0.5 * jnp.tanh(0.5 * x) + 0.5


def _lstm_update(xh, wcat, b, c):
    g = jnp.dot(xh, wcat, preferred_element_type=jnp.float32) + b
    i, f, gg, o = jnp.split(g, 4, axis=-1)
    c_new = _sig(f) * c + _sig(i) * jnp.tanh(gg)
    h_new = _sig(o) * jnp.tanh(c_new)
    return h_new, c_new


def _spatial_body(xs_ref, wenc_ref, benc_ref, wcat_ref, b_ref, out_ref):
    h = jnp.zeros((TILE_E, RNN), jnp.float32)
    c = jnp.zeros((TILE_E, RNN), jnp.float32)
    wenc = wenc_ref[...]
    wcat = wcat_ref[...]
    b = b_ref[...]
    benc = benc_ref[...]
    for t in range(T):
        x = xs_ref[t]
        enc = jnp.maximum(x[:, 0:1] * wenc[0:1, :] + x[:, 1:2] * wenc[1:2, :] + benc, 0.0)
        h, c = _lstm_update(jnp.concatenate([enc, h], axis=1), wcat, b, c)
        out_ref[t] = h


_spatial_call = pl.pallas_call(
    _spatial_body,
    grid=(E_PAD // TILE_E,),
    in_specs=[
        pl.BlockSpec((T, TILE_E, 2), lambda i: (0, i, 0)),
        pl.BlockSpec((2, RNN), lambda i: (0, 0)),
        pl.BlockSpec((1, RNN), lambda i: (0, 0)),
        pl.BlockSpec((2 * RNN, 4 * RNN), lambda i: (0, 0)),
        pl.BlockSpec((1, 4 * RNN), lambda i: (0, 0)),
    ],
    out_specs=pl.BlockSpec((T, TILE_E, RNN), lambda i: (0, i, 0)),
    out_shape=jax.ShapeDtypeStruct((T, E_PAD, RNN), jnp.float32),
)


N_GRP = PER_W // 64


NBUF = 2


def _agg_body(hs_hbm, gidx_hbm, zeros_hbm, out_hbm, *scratch):
    bufs = scratch[0:NBUF]
    idx_ss = scratch[NBUF:2 * NBUF]
    idx_ds = scratch[2 * NBUF:3 * NBUF]
    load_sems = scratch[3 * NBUF:4 * NBUF]
    scat_sems = scratch[4 * NBUF:5 * NBUF]
    table = scratch[5 * NBUF]
    c = lax.axis_index("c")
    s = lax.axis_index("s")
    w = c * NS + s
    base = w * PER_W

    def issue_loads(t, g, k):
        pltpu.async_copy(hs_hbm.at[t].at[pl.ds(base + g * 64, 64)],
                         bufs[k].at[pl.ds(0, 64)], load_sems[k])
        pltpu.async_copy(gidx_hbm.at[w, g, 0], idx_ss[k], load_sems[k])
        pltpu.async_copy(gidx_hbm.at[w, g, 1], idx_ds[k], load_sems[k])

    def wait_loads(t, g, k):
        pltpu.make_async_copy(hs_hbm.at[t].at[pl.ds(base + g * 64, 64)],
                              bufs[k].at[pl.ds(0, 64)], load_sems[k]).wait()
        pltpu.make_async_copy(gidx_hbm.at[w, g, 0], idx_ss[k], load_sems[k]).wait()
        pltpu.make_async_copy(gidx_hbm.at[w, g, 1], idx_ds[k], load_sems[k]).wait()

    def do_scatters(k):
        pltpu.async_copy(bufs[k], table.at[idx_ss[k]], scat_sems[k], add=True)
        pltpu.async_copy(bufs[k], table.at[idx_ds[k]], scat_sems[k], add=True)
        pltpu.make_async_copy(bufs[k], table.at[idx_ss[k]], scat_sems[k]).wait()
        pltpu.make_async_copy(bufs[k], table.at[idx_ds[k]], scat_sems[k]).wait()

    for t in range(T):
        pltpu.sync_copy(zeros_hbm.at[pl.ds(s * ROWS_PT, ROWS_PT)],
                        table.at[pl.ds(s * ROWS_PT, ROWS_PT)])
        plsc.subcore_barrier()

        for k in range(NBUF - 1):
            issue_loads(t, k, k)

        def block(i, carry):
            g0 = i * NBUF
            for k in range(NBUF):
                g = g0 + k
                kr = (k + NBUF - 1) % NBUF
                @pl.when(g + NBUF - 1 < N_GRP)
                def _():
                    issue_loads(t, g + NBUF - 1, kr)
                wait_loads(t, g, k)
                do_scatters(k)
            return carry

        lax.fori_loop(0, N_GRP // NBUF, block, 0)
        plsc.subcore_barrier()
        pltpu.sync_copy(table.at[pl.ds(s * ROWS_PT, ROWS_PT)],
                        out_hbm.at[t, c].at[pl.ds(s * ROWS_PT, ROWS_PT)])
        plsc.subcore_barrier()


@functools.cache
def _get_agg_call():
    scratch = (
        [pltpu.VMEM((128, RNN), jnp.float32) for _ in range(NBUF)]
        + [pltpu.VMEM((128,), jnp.int32) for _ in range(NBUF)]
        + [pltpu.VMEM((128,), jnp.int32) for _ in range(NBUF)]
        + [pltpu.SemaphoreType.DMA for _ in range(NBUF)]
        + [pltpu.SemaphoreType.DMA for _ in range(NBUF)]
        + [pltpu.VMEM_SHARED((NTAB, RNN), jnp.float32)]
    )
    return pl.kernel(
        _agg_body,
        out_type=jax.ShapeDtypeStruct((T, NC, NTAB, RNN), jnp.float32),
        mesh=plsc.VectorSubcoreMesh(core_axis_name="c", subcore_axis_name="s"),
        scratch_types=scratch,
    )


def _agg_run(hs_all, gidx, zeros_tab):
    return _get_agg_call()(hs_all, gidx, zeros_tab)


def _granule_idx(nodes):
    g = jnp.stack([2 * nodes, 2 * nodes + 1], axis=-1)
    return g.reshape(NC * NS, N_GRP, 128)


def _node_body(dte_ref, dn_ref, aggp_ref,
               wenc_t_ref, benc_t_ref, wcat_t_ref, b_t_ref,
               wenc_n_ref, benc_n_ref, wee_ref, bee_ref,
               wcat_n_ref, b_n_ref, wout_ref, bout_ref, out_ref):
    ht = jnp.zeros((TILE_N, RNN), jnp.float32)
    ct = jnp.zeros((TILE_N, RNN), jnp.float32)
    hn = jnp.zeros((TILE_N, RNN), jnp.float32)
    cn = jnp.zeros((TILE_N, RNN), jnp.float32)
    wenc_t = wenc_t_ref[...]
    wenc_n = wenc_n_ref[...]
    wee = wee_ref[...]
    wcat_t = wcat_t_ref[...]
    wcat_n = wcat_n_ref[...]
    for t in range(T):
        xe = dte_ref[t]
        enc_t = jnp.maximum(
            xe[:, 0:1] * wenc_t[0:1, :] + xe[:, 1:2] * wenc_t[1:2, :] + benc_t_ref[...], 0.0)
        ht, ct = _lstm_update(jnp.concatenate([enc_t, ht], axis=1), wcat_t, b_t_ref[...], ct)
        agg = aggp_ref[t, 0] + aggp_ref[t, 1]
        emb_e = jnp.maximum(
            jnp.dot(jnp.concatenate([ht, agg], axis=1), wee,
                    preferred_element_type=jnp.float32) + bee_ref[...], 0.0)
        enc_n = jnp.maximum(dn_ref[t] * wenc_n + benc_n_ref[...], 0.0)
        xh = jnp.concatenate([enc_n, emb_e, hn], axis=1)
        hn, cn = _lstm_update(xh, wcat_n, b_n_ref[...], cn)
        out_ref[t] = jnp.dot(hn, wout_ref[...], preferred_element_type=jnp.float32) + bout_ref[...]


_node_call = pl.pallas_call(
    _node_body,
    grid=(N_PAD // TILE_N,),
    in_specs=[
        pl.BlockSpec((T, TILE_N, 2), lambda i: (0, i, 0)),
        pl.BlockSpec((T, TILE_N, 1), lambda i: (0, i, 0)),
        pl.BlockSpec((T, NC, TILE_N, RNN),
                     lambda i: (0, 0, jnp.where(i >= HOLE // TILE_N, i + 1, i), 0)),
        pl.BlockSpec((2, RNN), lambda i: (0, 0)),
        pl.BlockSpec((1, RNN), lambda i: (0, 0)),
        pl.BlockSpec((2 * RNN, 4 * RNN), lambda i: (0, 0)),
        pl.BlockSpec((1, 4 * RNN), lambda i: (0, 0)),
        pl.BlockSpec((1, RNN), lambda i: (0, 0)),
        pl.BlockSpec((1, RNN), lambda i: (0, 0)),
        pl.BlockSpec((2 * RNN, RNN), lambda i: (0, 0)),
        pl.BlockSpec((1, RNN), lambda i: (0, 0)),
        pl.BlockSpec((3 * RNN, 4 * RNN), lambda i: (0, 0)),
        pl.BlockSpec((1, 4 * RNN), lambda i: (0, 0)),
        pl.BlockSpec((RNN, 8), lambda i: (0, 0)),
        pl.BlockSpec((1, 8), lambda i: (0, 0)),
    ],
    out_specs=pl.BlockSpec((T, TILE_N, 8), lambda i: (0, i, 0)),
    out_shape=jax.ShapeDtypeStruct((T, N_PAD, 8), jnp.float32),
)


def kernel(data_nodes, data_temporalEdges, data_spatialEdges, h_nodeRNN, c_nodeRNN,
           h_temporalEdgeRNN, c_temporalEdgeRNN, h_spatialEdgeRNN, c_spatialEdgeRNN,
           edge_index, W_enc_t, b_enc_t, Wih_t, Whh_t, bih_t, bhh_t,
           W_enc_s, b_enc_s, Wih_s, Whh_s, bih_s, bhh_s,
           W_enc_n, b_enc_n, W_ee, b_ee, Wih_n, Whh_n, bih_n, bhh_n,
           W_out, b_out):
    f32 = jnp.float32
    xs = jnp.pad(data_spatialEdges, ((0, 0), (0, E_PAD - E), (0, 0)))
    wcat_s = jnp.concatenate([Wih_s.T, Whh_s.T], axis=0)
    b_s = (bih_s + bhh_s).reshape(1, 4 * RNN)
    hs_all = _spatial_call(xs, W_enc_s.T, b_enc_s.reshape(1, RNN), wcat_s, b_s)

    pad_idx = jnp.full((E_PAD - E,), NTAB - 64, jnp.int32)
    def to_row(n):
        return n + TILE_N * (n >= HOLE).astype(jnp.int32)
    src = jnp.concatenate([to_row(edge_index[0]), pad_idx])
    dst = jnp.concatenate([to_row(edge_index[1]), pad_idx])
    gidx = jnp.stack([_granule_idx(src), _granule_idx(dst)], axis=2)
    zeros_tab = jnp.zeros((NTAB, RNN), f32)
    aggp = _agg_run(hs_all, gidx, zeros_tab)

    dte = jnp.pad(data_temporalEdges, ((0, 0), (0, N_PAD - N), (0, 0)))
    dn = jnp.pad(data_nodes, ((0, 0), (0, N_PAD - N), (0, 0)))
    wcat_t = jnp.concatenate([Wih_t.T, Whh_t.T], axis=0)
    b_t = (bih_t + bhh_t).reshape(1, 4 * RNN)
    wcat_n = jnp.concatenate([Wih_n.T, Whh_n.T], axis=0)
    b_n = (bih_n + bhh_n).reshape(1, 4 * RNN)
    wout = jnp.pad(W_out.T, ((0, 0), (0, 8 - 5)))
    bout = jnp.pad(b_out, ((0, 8 - 5))).reshape(1, 8)
    out = _node_call(dte, dn, aggp,
                     W_enc_t.T, b_enc_t.reshape(1, RNN), wcat_t, b_t,
                     W_enc_n.T, b_enc_n.reshape(1, RNN), W_ee.T, b_ee.reshape(1, RNN),
                     wcat_n, b_n, wout, bout)
    return out[:, :N, :5]

# --- scband reference (transcript-rebuilt; emitter-appended) ---
"""Pipeline reference for scband-srnn-9414568313028 (READ-ONLY COPY).

The authoritative reference and input builder live on the scoring server;
editing this copy changes nothing except your own understanding.
"""

import jax, jax.numpy as jnp
import numpy as np

N = 10000
E = 160000
T = 4
NODE_IN = 1
EDGE_IN = 2
EMB = 64
RNN = 64
OUT = 5


def _xavier(key, shape):
    fan_out, fan_in = shape
    std = (2.0 / (fan_in + fan_out)) ** 0.5
    return std * jax.random.normal(key, shape, dtype=jnp.float32)


def setup_inputs(seed: int = 0):
    key = jax.random.key(seed)
    ks = jax.random.split(key, 20)
    inp = {}
    inp['data_nodes'] = jax.random.normal(ks[0], (T, N, NODE_IN), dtype=jnp.float32)
    inp['data_temporalEdges'] = jax.random.normal(ks[1], (T, N, EDGE_IN), dtype=jnp.float32)
    inp['data_spatialEdges'] = jax.random.normal(ks[2], (T, E, EDGE_IN), dtype=jnp.float32)
    inp['h_nodeRNN'] = jnp.zeros((N, RNN), jnp.float32)
    inp['c_nodeRNN'] = jnp.zeros((N, RNN), jnp.float32)
    inp['h_temporalEdgeRNN'] = jnp.zeros((N, RNN), jnp.float32)
    inp['c_temporalEdgeRNN'] = jnp.zeros((N, RNN), jnp.float32)
    inp['h_spatialEdgeRNN'] = jnp.zeros((E, RNN), jnp.float32)
    inp['c_spatialEdgeRNN'] = jnp.zeros((E, RNN), jnp.float32)
    inp['edge_index'] = jax.random.randint(ks[3], (2, E), 0, N, dtype=jnp.int32)
    # temporal EdgeRNN params
    inp['W_enc_t'] = _xavier(ks[4], (EMB, EDGE_IN)); inp['b_enc_t'] = jnp.zeros((EMB,), jnp.float32)
    inp['Wih_t'] = _xavier(ks[5], (4 * RNN, EMB)); inp['Whh_t'] = _xavier(ks[6], (4 * RNN, RNN))
    inp['bih_t'] = jnp.zeros((4 * RNN,), jnp.float32); inp['bhh_t'] = jnp.zeros((4 * RNN,), jnp.float32)
    # spatial EdgeRNN params
    inp['W_enc_s'] = _xavier(ks[7], (EMB, EDGE_IN)); inp['b_enc_s'] = jnp.zeros((EMB,), jnp.float32)
    inp['Wih_s'] = _xavier(ks[8], (4 * RNN, EMB)); inp['Whh_s'] = _xavier(ks[9], (4 * RNN, RNN))
    inp['bih_s'] = jnp.zeros((4 * RNN,), jnp.float32); inp['bhh_s'] = jnp.zeros((4 * RNN,), jnp.float32)
    # NodeRNN params
    inp['W_enc_n'] = _xavier(ks[10], (EMB, NODE_IN)); inp['b_enc_n'] = jnp.zeros((EMB,), jnp.float32)
    inp['W_ee'] = _xavier(ks[11], (EMB, 2 * RNN)); inp['b_ee'] = jnp.zeros((EMB,), jnp.float32)
    inp['Wih_n'] = _xavier(ks[12], (4 * RNN, 2 * EMB)); inp['Whh_n'] = _xavier(ks[13], (4 * RNN, RNN))
    inp['bih_n'] = jnp.zeros((4 * RNN,), jnp.float32); inp['bhh_n'] = jnp.zeros((4 * RNN,), jnp.float32)
    inp['W_out'] = _xavier(ks[14], (OUT, RNN)); inp['b_out'] = jnp.zeros((OUT,), jnp.float32)
    return inp


def _lstm(x, h, c, Wih, Whh, bih, bhh):
    g = x @ Wih.T + bih + h @ Whh.T + bhh
    i, f, gg, o = jnp.split(g, 4, axis=-1)
    i = jax.nn.sigmoid(i); f = jax.nn.sigmoid(f)
    gg = jnp.tanh(gg); o = jax.nn.sigmoid(o)
    c_new = f * c + i * gg
    return o * jnp.tanh(c_new), c_new


def reference(data_nodes, data_temporalEdges, data_spatialEdges,
              h_nodeRNN, c_nodeRNN, h_temporalEdgeRNN, c_temporalEdgeRNN,
              h_spatialEdgeRNN, c_spatialEdgeRNN, edge_index,
              W_enc_t, b_enc_t, Wih_t, Whh_t, bih_t, bhh_t,
              W_enc_s, b_enc_s, Wih_s, Whh_s, bih_s, bhh_s,
              W_enc_n, b_enc_n, W_ee, b_ee, Wih_n, Whh_n, bih_n, bhh_n,
              W_out, b_out):
    src = edge_index[0]
    dst = edge_index[1]
    hn, cn = h_nodeRNN, c_nodeRNN
    ht, ct = h_temporalEdgeRNN, c_temporalEdgeRNN
    hs, cs = h_spatialEdgeRNN, c_spatialEdgeRNN
    outs = []
    for t in range(T):
        # temporal EdgeRNN (dropout is identity in eval / p=0)
        enc_t = jax.nn.relu(data_temporalEdges[t] @ W_enc_t.T + b_enc_t)
        ht, ct = _lstm(enc_t, ht, ct, Wih_t, Whh_t, bih_t, bhh_t)
        # spatial EdgeRNN
        enc_s = jax.nn.relu(data_spatialEdges[t] @ W_enc_s.T + b_enc_s)
        hs, cs = _lstm(enc_s, hs, cs, Wih_s, Whh_s, bih_s, bhh_s)
        # per-node sum of connected spatial edge hidden states (scatter-add to both endpoints)
        agg = jnp.zeros((N, RNN), jnp.float32).at[src].add(hs).at[dst].add(hs)
        h_edge = jnp.concatenate([ht, agg], axis=1)
        # NodeRNN
        enc_n = jax.nn.relu(data_nodes[t] @ W_enc_n.T + b_enc_n)
        emb_e = jax.nn.relu(h_edge @ W_ee.T + b_ee)
        x_n = jnp.concatenate([enc_n, emb_e], axis=1)
        hn, cn = _lstm(x_n, hn, cn, Wih_n, Whh_n, bih_n, bhh_n)
        outs.append(hn @ W_out.T + b_out)
    return jnp.stack(outs, axis=0)

if __name__ == "__main__":
    import jax
    _d = setup_inputs()
    print(jax.jit(kernel)(*tuple(_d.values())))

</pallas_src>

<mosaic_0001>
#map = affine_map<(d0, d1) -> (0, 0, 0)>
#map1 = affine_map<(d0, d1) -> (0, 0, 0, 0)>
#map2 = affine_map<(d0, d1) -> (0, 0)>
module attributes {stable_mosaic.version = 14 : i64} {
  func.func @_agg_body(%arg0: i32, %arg1: i32, %arg2: memref<4x163840x64xf32, #tpu.memory_space<hbm>>, %arg3: memref<32x80x2x128xi32, #tpu.memory_space<hbm>>, %arg4: memref<11264x64xf32, #tpu.memory_space<hbm>>, %arg5: memref<4x2x11264x64xf32, #tpu.memory_space<hbm>>, %arg6: memref<128x64xf32, #tpu.memory_space<vmem>>, %arg7: memref<128x64xf32, #tpu.memory_space<vmem>>, %arg8: memref<128xi32, #tpu.memory_space<vmem>>, %arg9: memref<128xi32, #tpu.memory_space<vmem>>, %arg10: memref<128xi32, #tpu.memory_space<vmem>>, %arg11: memref<128xi32, #tpu.memory_space<vmem>>, %arg12: memref<!tpu.dma_semaphore, #tpu.memory_space<semaphore_mem>>, %arg13: memref<!tpu.dma_semaphore, #tpu.memory_space<semaphore_mem>>, %arg14: memref<!tpu.dma_semaphore, #tpu.memory_space<semaphore_mem>>, %arg15: memref<!tpu.dma_semaphore, #tpu.memory_space<semaphore_mem>>, %arg16: memref<11264x64xf32, #tpu.memory_space<vmem_shared>>) attributes {dimension_semantics = [#tpu.dimension_semantics<core_parallel>, #tpu.dimension_semantics<subcore_parallel>], iteration_bounds = array<i64: 2, 16>, scalar_prefetch = 0 : i64, scratch_operands = 11 : i64, tpu.core_type = #tpu.core_type<sc_vector_subcore>, window_params = [{transform_indices = #map}, {transform_indices = #map1}, {transform_indices = #map2}, {transform_indices = #map1}]} {
    %mul3A = arith.constant 16 : i32
    %mul3A_0 = arith.muli %arg0, %mul3A : i32
    %add3A = arith.addi %mul3A_0, %arg1 : i32
    %mul3A_1 = arith.constant 5120 : i32
    %mul3A_2 = arith.muli %add3A, %mul3A_1 : i32
    %mul3A_3 = arith.constant 704 : i32
    %mul3A_4 = arith.muli %arg1, %mul3A_3 : i32
    %mul3A_5 = arith.constant 704 : i32
    %mul3A_6 = arith.muli %arg1, %mul3A_5 : i32
    "tpu.region"() ({
      %run_scoped3A_219 = tpu.sem_alloc : memref<!tpu.dma_semaphore, #tpu.memory_space<semaphore_mem>>
      %dma_start3A_220 = arith.constant 0 : i32
      %dma_start3A_221 = tpu.memref_slice %arg16[%mul3A_6, %dma_start3A_220] : memref<11264x64xf32, #tpu.memory_space<vmem_shared>> -> memref<704x64xf32, #tpu.memory_space<vmem_shared>>
      %dma_start3A_222 = arith.constant 0 : i32
      %dma_start3A_223 = tpu.memref_slice %arg4[%mul3A_4, %dma_start3A_222] : memref<11264x64xf32, #tpu.memory_space<hbm>> -> memref<704x64xf32, #tpu.memory_space<hbm>>
      tpu.enqueue_dma source(%dma_start3A_223 : memref<704x64xf32, #tpu.memory_space<hbm>>) target(%dma_start3A_221 : memref<704x64xf32, #tpu.memory_space<vmem_shared>>) target_semaphore(%run_scoped3A_219 : memref<!tpu.dma_semaphore, #tpu.memory_space<semaphore_mem>>)
      %dma_wait3A = arith.constant 0 : i32
      %dma_wait3A_224 = tpu.memref_slice %arg16[%mul3A_6, %dma_wait3A] : memref<11264x64xf32, #tpu.memory_space<vmem_shared>> -> memref<704x64xf32, #tpu.memory_space<vmem_shared>>
      %dma_wait3A_225 = arith.constant 0 : i32
      %dma_wait3A_226 = tpu.memref_slice %arg4[%mul3A_4, %dma_wait3A_225] : memref<11264x64xf32, #tpu.memory_space<hbm>> -> memref<704x64xf32, #tpu.memory_space<hbm>>
      tpu.wait_dma2 semaphore(%run_scoped3A_219 : memref<!tpu.dma_semaphore, #tpu.memory_space<semaphore_mem>>) src(%dma_wait3A_226 : memref<704x64xf32, #tpu.memory_space<hbm>>) dst(%dma_wait3A_224 : memref<704x64xf32, #tpu.memory_space<vmem_shared>>)
      tpu.yield
    }) : () -> ()
    %barrier3A = arith.constant 0 : index
    tpu.barrier barrier_id(%barrier3A)
    %add3A_7 = arith.constant 0 : i32
    %add3A_8 = arith.addi %mul3A_2, %add3A_7 : i32
    %dma_start3A = arith.constant 0 : i32
    %dma_start3A_9 = arith.constant 0 : i32
    %dma_start3A_10 = arith.constant 0 : i32
    %dma_start3A_11 = tpu.memref_slice %arg6[%dma_start3A_9, %dma_start3A_10] : memref<128x64xf32, #tpu.memory_space<vmem>> -> memref<64x64xf32, #tpu.memory_space<vmem>>
    %dma_start3A_12 = arith.constant 0 : i32
    %dma_start3A_13 = arith.constant 0 : i32
    %dma_start3A_14 = tpu.memref_slice %arg2[%dma_start3A, %dma_start3A_12, %dma_start3A_13] : memref<4x163840x64xf32, #tpu.memory_space<hbm>> -> memref<1x163840x64xf32, #tpu.memory_space<hbm>>
    %dma_start3A_15 = tpu.memref_squeeze %dma_start3A_14 : memref<1x163840x64xf32, #tpu.memory_space<hbm>> -> memref<163840x64xf32, #tpu.memory_space<hbm>>
    %dma_start3A_16 = arith.constant 0 : i32
    %dma_start3A_17 = tpu.memref_slice %dma_start3A_15[%add3A_8, %dma_start3A_16] : memref<163840x64xf32, #tpu.memory_space<hbm>> -> memref<64x64xf32, #tpu.memory_space<hbm>>
    %dma_start3A_18 = arith.constant 0 : i32
    %dma_start3A_19 = arith.constant 0 : i32
    %dma_start3A_20 = tpu.memref_slice %arg6[%dma_start3A_18, %dma_start3A_19] : memref<128x64xf32, #tpu.memory_space<vmem>> -> memref<64x64xf32, #tpu.memory_space<vmem>>
    %dma_start3A_21 = arith.constant 0 : i32
    %dma_start3A_22 = arith.constant 0 : i32
    %dma_start3A_23 = tpu.memref_slice %arg2[%dma_start3A, %dma_start3A_21, %dma_start3A_22] : memref<4x163840x64xf32, #tpu.memory_space<hbm>> -> memref<1x163840x64xf32, #tpu.memory_space<hbm>>
    %dma_start3A_24 = tpu.memref_squeeze %dma_start3A_23 : memref<1x163840x64xf32, #tpu.memory_space<hbm>> -> memref<163840x64xf32, #tpu.memory_space<hbm>>
    %dma_start3A_25 = arith.constant 0 : i32
    %dma_start3A_26 = tpu.memref_slice %dma_start3A_24[%add3A_8, %dma_start3A_25] : memref<163840x64xf32, #tpu.memory_space<hbm>> -> memref<64x64xf32, #tpu.memory_space<hbm>>
    tpu.enqueue_dma source(%dma_start3A_26 : memref<64x64xf32, #tpu.memory_space<hbm>>) target(%dma_start3A_20 : memref<64x64xf32, #tpu.memory_space<vmem>>) target_semaphore(%arg12 : memref<!tpu.dma_semaphore, #tpu.memory_space<semaphore_mem>>)
    %dma_start3A_27 = arith.constant 0 : i32
    %dma_start3A_28 = arith.constant 0 : i32
    %dma_start3A_29 = arith.constant 0 : i32
    %dma_start3A_30 = tpu.memref_slice %arg3[%add3A, %dma_start3A_27, %dma_start3A_28, %dma_start3A_29] : memref<32x80x2x128xi32, #tpu.memory_space<hbm>> -> memref<1x1x1x128xi32, #tpu.memory_space<hbm>>
    %dma_start3A_31 = tpu.memref_squeeze %dma_start3A_30 : memref<1x1x1x128xi32, #tpu.memory_space<hbm>> -> memref<128xi32, #tpu.memory_space<hbm>>
    %dma_start3A_32 = arith.constant 0 : i32
    %dma_start3A_33 = tpu.memref_slice %arg3[%add3A, %dma_start3A_27, %dma_start3A_28, %dma_start3A_32] : memref<32x80x2x128xi32, #tpu.memory_space<hbm>> -> memref<1x1x1x128xi32, #tpu.memory_space<hbm>>
    %dma_start3A_34 = tpu.memref_squeeze %dma_start3A_33 : memref<1x1x1x128xi32, #tpu.memory_space<hbm>> -> memref<128xi32, #tpu.memory_space<hbm>>
    tpu.enqueue_dma source(%dma_start3A_34 : memref<128xi32, #tpu.memory_space<hbm>>) target(%arg8 : memref<128xi32, #tpu.memory_space<vmem>>) target_semaphore(%arg12 : memref<!tpu.dma_semaphore, #tpu.memory_space<semaphore_mem>>)
    %dma_start3A_35 = arith.constant 0 : i32
    %dma_start3A_36 = arith.constant 1 : i32
    %dma_start3A_37 = arith.constant 0 : i32
    %dma_start3A_38 = tpu.memref_slice %arg3[%add3A, %dma_start3A_35, %dma_start3A_36, %dma_start3A_37] : memref<32x80x2x128xi32, #tpu.memory_space<hbm>> -> memref<1x1x1x128xi32, #tpu.memory_space<hbm>>
    %dma_start3A_39 = tpu.memref_squeeze %dma_start3A_38 : memref<1x1x1x128xi32, #tpu.memory_space<hbm>> -> memref<128xi32, #tpu.memory_space<hbm>>
    %dma_start3A_40 = arith.constant 0 : i32
    %dma_start3A_41 = tpu.memref_slice %arg3[%add3A, %dma_start3A_35, %dma_start3A_36, %dma_start3A_40] : memref<32x80x2x128xi32, #tpu.memory_space<hbm>> -> memref<1x1x1x128xi32, #tpu.memory_space<hbm>>
    %dma_start3A_42 = tpu.memref_squeeze %dma_start3A_41 : memref<1x1x1x128xi32, #tpu.memory_space<hbm>> -> memref<128xi32, #tpu.memory_space<hbm>>
    tpu.enqueue_dma source(%dma_start3A_42 : memref<128xi32, #tpu.memory_space<hbm>>) target(%arg10 : memref<128xi32, #tpu.memory_space<vmem>>) target_semaphore(%arg12 : memref<!tpu.dma_semaphore, #tpu.memory_space<semaphore_mem>>)
    %scan3A = arith.constant 0 : i32
    %scan3A_43 = arith.constant 0 : i32
    %scan3A_44 = arith.constant 40 : i32
    %scan3A_45 = arith.addi %scan3A_43, %scan3A_44 : i32
    %scan3A_46 = arith.constant 1 : i32
    scf.for %scan3A_219 = %scan3A_43 to %scan3A_45 step %scan3A_46  : i32 {
      %mul3A_220 = arith.constant 2 : i32
      %mul3A_221 = arith.muli %scan3A_219, %mul3A_220 : i32
      %add3A_222 = arith.constant 0 : i32
      %add3A_223 = arith.addi %mul3A_221, %add3A_222 : i32
      %add3A_224 = arith.constant 2 : i32
      %add3A_225 = arith.addi %add3A_223, %add3A_224 : i32
      %sub3A = arith.constant 1 : i32
      %sub3A_226 = arith.subi %add3A_225, %sub3A : i32
      %lt3A = arith.constant 80 : i32
      %lt3A_227 = arith.cmpi slt, %sub3A_226, %lt3A : i32
      %convert_element_type3A = arith.extui %lt3A_227 : i1 to i32
      %cond3A = arith.constant 0 : i32
      %cond3A_228 = arith.cmpi ne, %convert_element_type3A, %cond3A : i32
      scf.if %cond3A_228 {
        %add3A_335 = arith.constant 2 : i32
        %add3A_336 = arith.addi %add3A_223, %add3A_335 : i32
        %sub3A_337 = arith.constant 1 : i32
        %sub3A_338 = arith.subi %add3A_336, %sub3A_337 : i32
        %mul3A_339 = arith.constant 64 : i32
        %mul3A_340 = arith.muli %sub3A_338, %mul3A_339 : i32
        %add3A_341 = arith.addi %mul3A_2, %mul3A_340 : i32
        %dma_start3A_342 = arith.constant 0 : i32
        %dma_start3A_343 = arith.constant 0 : i32
        %dma_start3A_344 = arith.constant 0 : i32
        %dma_start3A_345 = tpu.memref_slice %arg7[%dma_start3A_343, %dma_start3A_344] : memref<128x64xf32, #tpu.memory_space<vmem>> -> memref<64x64xf32, #tpu.memory_space<vmem>>
        %dma_start3A_346 = arith.constant 0 : i32
        %dma_start3A_347 = arith.constant 0 : i32
        %dma_start3A_348 = tpu.memref_slice %arg2[%dma_start3A_342, %dma_start3A_346, %dma_start3A_347] : memref<4x163840x64xf32, #tpu.memory_space<hbm>> -> memref<1x163840x64xf32, #tpu.memory_space<hbm>>
        %dma_start3A_349 = tpu.memref_squeeze %dma_start3A_348 : memref<1x163840x64xf32, #tpu.memory_space<hbm>> -> memref<163840x64xf32, #tpu.memory_space<hbm>>
        %dma_start3A_350 = arith.constant 0 : i32
        %dma_start3A_351 = tpu.memref_slice %dma_start3A_349[%add3A_341, %dma_start3A_350] : memref<163840x64xf32, #tpu.memory_space<hbm>> -> memref<64x64xf32, #tpu.memory_space<hbm>>
        %dma_start3A_352 = arith.constant 0 : i32
        %dma_start3A_353 = arith.constant 0 : i32
        %dma_start3A_354 = tpu.memref_slice %arg7[%dma_start3A_352, %dma_start3A_353] : memref<128x64xf32, #tpu.memory_space<vmem>> -> memref<64x64xf32, #tpu.memory_space<vmem>>
        %dma_start3A_355 = arith.constant 0 : i32
        %dma_start3A_356 = arith.constant 0 : i32
        %dma_start3A_357 = tpu.memref_slice %arg2[%dma_start3A_342, %dma_start3A_355, %dma_start3A_356] : memref<4x163840x64xf32, #tpu.memory_space<hbm>> -> memref<1x163840x64xf32, #tpu.memory_space<hbm>>
        %dma_start3A_358 = tpu.memref_squeeze %dma_start3A_357 : memref<1x163840x64xf32, #tpu.memory_space<hbm>> -> memref<163840x64xf32, #tpu.memory_space<hbm>>
        %dma_start3A_359 = arith.constant 0 : i32
        %dma_start3A_360 = tpu.memref_slice %dma_start3A_358[%add3A_341, %dma_start3A_359] : memref<163840x64xf32, #tpu.memory_space<hbm>> -> memref<64x64xf32, #tpu.memory_space<hbm>>
        tpu.enqueue_dma source(%dma_start3A_360 : memref<64x64xf32, #tpu.memory_space<hbm>>) target(%dma_start3A_354 : memref<64x64xf32, #tpu.memory_space<vmem>>) target_semaphore(%arg13 : memref<!tpu.dma_semaphore, #tpu.memory_space<semaphore_mem>>)
        %dma_start3A_361 = arith.constant 0 : i32
        %dma_start3A_362 = arith.constant 0 : i32
        %dma_start3A_363 = tpu.memref_slice %arg3[%add3A, %sub3A_338, %dma_start3A_361, %dma_start3A_362] : memref<32x80x2x128xi32, #tpu.memory_space<hbm>> -> memref<1x1x1x128xi32, #tpu.memory_space<hbm>>
        %dma_start3A_364 = tpu.memref_squeeze %dma_start3A_363 : memref<1x1x1x128xi32, #tpu.memory_space<hbm>> -> memref<128xi32, #tpu.memory_space<hbm>>
        %dma_start3A_365 = arith.constant 0 : i32
        %dma_start3A_366 = tpu.memref_slice %arg3[%add3A, %sub3A_338, %dma_start3A_361, %dma_start3A_365] : memref<32x80x2x128xi32, #tpu.memory_space<hbm>> -> memref<1x1x1x128xi32, #tpu.memory_space<hbm>>
        %dma_start3A_367 = tpu.memref_squeeze %dma_start3A_366 : memref<1x1x1x128xi32, #tpu.memory_space<hbm>> -> memref<128xi32, #tpu.memory_space<hbm>>
        tpu.enqueue_dma source(%dma_start3A_367 : memref<128xi32, #tpu.memory_space<hbm>>) target(%arg9 : memref<128xi32, #tpu.memory_space<vmem>>) target_semaphore(%arg13 : memref<!tpu.dma_semaphore, #tpu.memory_space<semaphore_mem>>)
        %dma_start3A_368 = arith.constant 1 : i32
        %dma_start3A_369 = arith.constant 0 : i32
        %dma_start3A_370 = tpu.memref_slice %arg3[%add3A, %sub3A_338, %dma_start3A_368, %dma_start3A_369] : memref<32x80x2x128xi32, #tpu.memory_space<hbm>> -> memref<1x1x1x128xi32, #tpu.memory_space<hbm>>
        %dma_start3A_371 = tpu.memref_squeeze %dma_start3A_370 : memref<1x1x1x128xi32, #tpu.memory_space<hbm>> -> memref<128xi32, #tpu.memory_space<hbm>>
        %dma_start3A_372 = arith.constant 0 : i32
        %dma_start3A_373 = tpu.memref_slice %arg3[%add3A, %sub3A_338, %dma_start3A_368, %dma_start3A_372] : memref<32x80x2x128xi32, #tpu.memory_space<hbm>> -> memref<1x1x1x128xi32, #tpu.memory_space<hbm>>
        %dma_start3A_374 = tpu.memref_squeeze %dma_start3A_373 : memref<1x1x1x128xi32, #tpu.memory_space<hbm>> -> memref<128xi32, #tpu.memory_space<hbm>>
        tpu.enqueue_dma source(%dma_start3A_374 : memref<128xi32, #tpu.memory_space<hbm>>) target(%arg11 : memref<128xi32, #tpu.memory_space<vmem>>) target_semaphore(%arg13 : memref<!tpu.dma_semaphore, #tpu.memory_space<semaphore_mem>>)
      } else {
      }
      %mul3A_229 = arith.constant 64 : i32
      %mul3A_230 = arith.muli %add3A_223, %mul3A_229 : i32
      %add3A_231 = arith.addi %mul3A_2, %mul3A_230 : i32
      %dma_wait3A = arith.constant 0 : i32
      %dma_wait3A_232 = arith.constant 0 : i32
      %dma_wait3A_233 = arith.constant 0 : i32
      %dma_wait3A_234 = tpu.memref_slice %arg6[%dma_wait3A_232, %dma_wait3A_233] : memref<128x64xf32, #tpu.memory_space<vmem>> -> memref<64x64xf32, #tpu.memory_space<vmem>>
      %dma_wait3A_235 = arith.constant 0 : i32
      %dma_wait3A_236 = arith.constant 0 : i32
      %dma_wait3A_237 = tpu.memref_slice %arg2[%dma_wait3A, %dma_wait3A_235, %dma_wait3A_236] : memref<4x163840x64xf32, #tpu.memory_space<hbm>> -> memref<1x163840x64xf32, #tpu.memory_space<hbm>>
      %dma_wait3A_238 = tpu.memref_squeeze %dma_wait3A_237 : memref<1x163840x64xf32, #tpu.memory_space<hbm>> -> memref<163840x64xf32, #tpu.memory_space<hbm>>
      %dma_wait3A_239 = arith.constant 0 : i32
      %dma_wait3A_240 = tpu.memref_slice %dma_wait3A_238[%add3A_231, %dma_wait3A_239] : memref<163840x64xf32, #tpu.memory_space<hbm>> -> memref<64x64xf32, #tpu.memory_space<hbm>>
      %dma_wait3A_241 = arith.constant 0 : i32
      %dma_wait3A_242 = arith.constant 0 : i32
      %dma_wait3A_243 = tpu.memref_slice %arg6[%dma_wait3A_241, %dma_wait3A_242] : memref<128x64xf32, #tpu.memory_space<vmem>> -> memref<64x64xf32, #tpu.memory_space<vmem>>
      %dma_wait3A_244 = arith.constant 0 : i32
      %dma_wait3A_245 = arith.constant 0 : i32
      %dma_wait3A_246 = tpu.memref_slice %arg2[%dma_wait3A, %dma_wait3A_244, %dma_wait3A_245] : memref<4x163840x64xf32, #tpu.memory_space<hbm>> -> memref<1x163840x64xf32, #tpu.memory_space<hbm>>
      %dma_wait3A_247 = tpu.memref_squeeze %dma_wait3A_246 : memref<1x163840x64xf32, #tpu.memory_space<hbm>> -> memref<163840x64xf32, #tpu.memory_space<hbm>>
      %dma_wait3A_248 = arith.constant 0 : i32
      %dma_wait3A_249 = tpu.memref_slice %dma_wait3A_247[%add3A_231, %dma_wait3A_248] : memref<163840x64xf32, #tpu.memory_space<hbm>> -> memref<64x64xf32, #tpu.memory_space<hbm>>
      tpu.wait_dma2 semaphore(%arg12 : memref<!tpu.dma_semaphore, #tpu.memory_space<semaphore_mem>>) src(%dma_wait3A_249 : memref<64x64xf32, #tpu.memory_space<hbm>>) dst(%dma_wait3A_243 : memref<64x64xf32, #tpu.memory_space<vmem>>)
      %dma_wait3A_250 = arith.constant 0 : i32
      %dma_wait3A_251 = arith.constant 0 : i32
      %dma_wait3A_252 = tpu.memref_slice %arg3[%add3A, %add3A_223, %dma_wait3A_250, %dma_wait3A_251] : memref<32x80x2x128xi32, #tpu.memory_space<hbm>> -> memref<1x1x1x128xi32, #tpu.memory_space<hbm>>
      %dma_wait3A_253 = tpu.memref_squeeze %dma_wait3A_252 : memref<1x1x1x128xi32, #tpu.memory_space<hbm>> -> memref<128xi32, #tpu.memory_space<hbm>>
      %dma_wait3A_254 = arith.constant 0 : i32
      %dma_wait3A_255 = tpu.memref_slice %arg3[%add3A, %add3A_223, %dma_wait3A_250, %dma_wait3A_254] : memref<32x80x2x128xi32, #tpu.memory_space<hbm>> -> memref<1x1x1x128xi32, #tpu.memory_space<hbm>>
      %dma_wait3A_256 = tpu.memref_squeeze %dma_wait3A_255 : memref<1x1x1x128xi32, #tpu.memory_space<hbm>> -> memref<128xi32, #tpu.memory_space<hbm>>
      tpu.wait_dma2 semaphore(%arg12 : memref<!tpu.dma_semaphore, #tpu.memory_space<semaphore_mem>>) src(%dma_wait3A_256 : memref<128xi32, #tpu.memory_space<hbm>>) dst(%arg8 : memref<128xi32, #tpu.memory_space<vmem>>)
      %dma_wait3A_257 = arith.constant 1 : i32
      %dma_wait3A_258 = arith.constant 0 : i32
      %dma_wait3A_259 = tpu.memref_slice %arg3[%add3A, %add3A_223, %dma_wait3A_257, %dma_wait3A_258] : memref<32x80x2x128xi32, #tpu.memory_space<hbm>> -> memref<1x1x1x128xi32, #tpu.memory_space<hbm>>
      %dma_wait3A_260 = tpu.memref_squeeze %dma_wait3A_259 : memref<1x1x1x128xi32, #tpu.memory_space<hbm>> -> memref<128xi32, #tpu.memory_space<hbm>>
      %dma_wait3A_261 = arith.constant 0 : i32
      %dma_wait3A_262 = tpu.memref_slice %arg3[%add3A, %add3A_223, %dma_wait3A_257, %dma_wait3A_261] : memref<32x80x2x128xi32, #tpu.memory_space<hbm>> -> memref<1x1x1x128xi32, #tpu.memory_space<hbm>>
      %dma_wait3A_263 = tpu.memref_squeeze %dma_wait3A_262 : memref<1x1x1x128xi32, #tpu.memory_space<hbm>> -> memref<128xi32, #tpu.memory_space<hbm>>
      tpu.wait_dma2 semaphore(%arg12 : memref<!tpu.dma_semaphore, #tpu.memory_space<semaphore_mem>>) src(%dma_wait3A_263 : memref<128xi32, #tpu.memory_space<hbm>>) dst(%arg10 : memref<128xi32, #tpu.memory_space<vmem>>)
      %dma_start3A_264 = arith.constant 0 : i32
      %dma_start3A_265 = arith.constant 0 : i32
      %dma_start3A_266 = tpu.memref_slice %arg16[%dma_start3A_264, %dma_start3A_265] : memref<11264x64xf32, #tpu.memory_space<vmem_shared>> -> memref<11264x64xf32, #tpu.memory_space<vmem_shared>>
      tpu.enqueue_indirect_dma source(%arg6 : memref<128x64xf32, #tpu.memory_space<vmem>>) target(%dma_start3A_266 : memref<11264x64xf32, #tpu.memory_space<vmem_shared>>) offsets(%arg8 : memref<128xi32, #tpu.memory_space<vmem>>) semaphore(%arg14 : memref<!tpu.dma_semaphore, #tpu.memory_space<semaphore_mem>>) {add = true}
      %dma_start3A_267 = arith.constant 0 : i32
      %dma_start3A_268 = arith.constant 0 : i32
      %dma_start3A_269 = tpu.memref_slice %arg16[%dma_start3A_267, %dma_start3A_268] : memref<11264x64xf32, #tpu.memory_space<vmem_shared>> -> memref<11264x64xf32, #tpu.memory_space<vmem_shared>>
      tpu.enqueue_indirect_dma source(%arg6 : memref<128x64xf32, #tpu.memory_space<vmem>>) target(%dma_start3A_269 : memref<11264x64xf32, #tpu.memory_space<vmem_shared>>) offsets(%arg10 : memref<128xi32, #tpu.memory_space<vmem>>) semaphore(%arg14 : memref<!tpu.dma_semaphore, #tpu.memory_space<semaphore_mem>>) {add = true}
      %dma_wait3A_270 = arith.constant 0 : i32
      %dma_wait3A_271 = arith.constant 0 : i32
      %dma_wait3A_272 = tpu.memref_slice %arg16[%dma_wait3A_270, %dma_wait3A_271] : memref<11264x64xf32, #tpu.memory_space<vmem_shared>> -> memref<11264x64xf32, #tpu.memory_space<vmem_shared>>
      tpu.wait_indirect_dma semaphore(%arg14 : memref<!tpu.dma_semaphore, #tpu.memory_space<semaphore_mem>>) src(%arg6 : memref<128x64xf32, #tpu.memory_space<vmem>>) dst(%dma_wait3A_272 : memref<11264x64xf32, #tpu.memory_space<vmem_shared>>)
      %dma_wait3A_273 = arith.constant 0 : i32
      %dma_wait3A_274 = arith.constant 0 : i32
      %dma_wait3A_275 = tpu.memref_slice %arg16[%dma_wait3A_273, %dma_wait3A_274] : memref<11264x64xf32, #tpu.memory_space<vmem_shared>> -> memref<11264x64xf32, #tpu.memory_space<vmem_shared>>
      tpu.wait_indirect_dma semaphore(%arg14 : memref<!tpu.dma_semaphore, #tpu.memory_space<semaphore_mem>>) src(%arg6 : memref<128x64xf32, #tpu.memory_space<vmem>>) dst(%dma_wait3A_275 : memref<11264x64xf32, #tpu.memory_space<vmem_shared>>)
      %add3A_276 = arith.constant 1 : i32
      %add3A_277 = arith.addi %mul3A_221, %add3A_276 : i32
      %add3A_278 = arith.constant 2 : i32
      %add3A_279 = arith.addi %add3A_277, %add3A_278 : i32
      %sub3A_280 = arith.constant 1 : i32
      %sub3A_281 = arith.subi %add3A_279, %sub3A_280 : i32
      %lt3A_282 = arith.constant 80 : i32
      %lt3A_283 = arith.cmpi slt, %sub3A_281, %lt3A_282 : i32
      %convert_element_type3A_284 = arith.extui %lt3A_283 : i1 to i32
      %cond3A_285 = arith.constant 0 : i32
      %cond3A_286 = arith.cmpi ne, %convert_element_type3A_284, %cond3A_285 : i32
      scf.if %cond3A_286 {
        %add3A_335 = arith.constant 2 : i32
        %add3A_336 = arith.addi %add3A_277, %add3A_335 : i32
        %sub3A_337 = arith.constant 1 : i32
        %sub3A_338 = arith.subi %add3A_336, %sub3A_337 : i32
        %mul3A_339 = arith.constant 64 : i32
        %mul3A_340 = arith.muli %sub3A_338, %mul3A_339 : i32
        %add3A_341 = arith.addi %mul3A_2, %mul3A_340 : i32
        %dma_start3A_342 = arith.constant 0 : i32
        %dma_start3A_343 = arith.constant 0 : i32
        %dma_start3A_344 = arith.constant 0 : i32
        %dma_start3A_345 = tpu.memref_slice %arg6[%dma_start3A_343, %dma_start3A_344] : memref<128x64xf32, #tpu.memory_space<vmem>> -> memref<64x64xf32, #tpu.memory_space<vmem>>
        %dma_start3A_346 = arith.constant 0 : i32
        %dma_start3A_347 = arith.constant 0 : i32
        %dma_start3A_348 = tpu.memref_slice %arg2[%dma_start3A_342, %dma_start3A_346, %dma_start3A_347] : memref<4x163840x64xf32, #tpu.memory_space<hbm>> -> memref<1x163840x64xf32, #tpu.memory_space<hbm>>
        %dma_start3A_349 = tpu.memref_squeeze %dma_start3A_348 : memref<1x163840x64xf32, #tpu.memory_space<hbm>> -> memref<163840x64xf32, #tpu.memory_space<hbm>>
        %dma_start3A_350 = arith.constant 0 : i32
        %dma_start3A_351 = tpu.memref_slice %dma_start3A_349[%add3A_341, %dma_start3A_350] : memref<163840x64xf32, #tpu.memory_space<hbm>> -> memref<64x64xf32, #tpu.memory_space<hbm>>
        %dma_start3A_352 = arith.constant 0 : i32
        %dma_start3A_353 = arith.constant 0 : i32
        %dma_start3A_354 = tpu.memref_slice %arg6[%dma_start3A_352, %dma_start3A_353] : memref<128x64xf32, #tpu.memory_space<vmem>> -> memref<64x64xf32, #tpu.memory_space<vmem>>
        %dma_start3A_355 = arith.constant 0 : i32
        %dma_start3A_356 = arith.constant 0 : i32
        %dma_start3A_357 = tpu.memref_slice %arg2[%dma_start3A_342, %dma_start3A_355, %dma_start3A_356] : memref<4x163840x64xf32, #tpu.memory_space<hbm>> -> memref<1x163840x64xf32, #tpu.memory_space<hbm>>
        %dma_start3A_358 = tpu.memref_squeeze %dma_start3A_357 : memref<1x163840x64xf32, #tpu.memory_space<hbm>> -> memref<163840x64xf32, #tpu.memory_space<hbm>>
        %dma_start3A_359 = arith.constant 0 : i32
        %dma_start3A_360 = tpu.memref_slice %dma_start3A_358[%add3A_341, %dma_start3A_359] : memref<163840x64xf32, #tpu.memory_space<hbm>> -> memref<64x64xf32, #tpu.memory_space<hbm>>
        tpu.enqueue_dma source(%dma_start3A_360 : memref<64x64xf32, #tpu.memory_space<hbm>>) target(%dma_start3A_354 : memref<64x64xf32, #tpu.memory_space<vmem>>) target_semaphore(%arg12 : memref<!tpu.dma_semaphore, #tpu.memory_space<semaphore_mem>>)
        %dma_start3A_361 = arith.constant 0 : i32
        %dma_start3A_362 = arith.constant 0 : i32
        %dma_start3A_363 = tpu.memref_slice %arg3[%add3A, %sub3A_338, %dma_start3A_361, %dma_start3A_362] : memref<32x80x2x128xi32, #tpu.memory_space<hbm>> -> memref<1x1x1x128xi32, #tpu.memory_space<hbm>>
        %dma_start3A_364 = tpu.memref_squeeze %dma_start3A_363 : memref<1x1x1x128xi32, #tpu.memory_space<hbm>> -> memref<128xi32, #tpu.memory_space<hbm>>
        %dma_start3A_365 = arith.constant 0 : i32
        %dma_start3A_366 = tpu.memref_slice %arg3[%add3A, %sub3A_338, %dma_start3A_361, %dma_start3A_365] : memref<32x80x2x128xi32, #tpu.memory_space<hbm>> -> memref<1x1x1x128xi32, #tpu.memory_space<hbm>>
        %dma_start3A_367 = tpu.memref_squeeze %dma_start3A_366 : memref<1x1x1x128xi32, #tpu.memory_space<hbm>> -> memref<128xi32, #tpu.memory_space<hbm>>
        tpu.enqueue_dma source(%dma_start3A_367 : memref<128xi32, #tpu.memory_space<hbm>>) target(%arg8 : memref<128xi32, #tpu.memory_space<vmem>>) target_semaphore(%arg12 : memref<!tpu.dma_semaphore, #tpu.memory_space<semaphore_mem>>)
        %dma_start3A_368 = arith.constant 1 : i32
        %dma_start3A_369 = arith.constant 0 : i32
        %dma_start3A_370 = tpu.memref_slice %arg3[%add3A, %sub3A_338, %dma_start3A_368, %dma_start3A_369] : memref<32x80x2x128xi32, #tpu.memory_space<hbm>> -> memref<1x1x1x128xi32, #tpu.memory_space<hbm>>
        %dma_start3A_371 = tpu.memref_squeeze %dma_start3A_370 : memref<1x1x1x128xi32, #tpu.memory_space<hbm>> -> memref<128xi32, #tpu.memory_space<hbm>>
        %dma_start3A_372 = arith.constant 0 : i32
        %dma_start3A_373 = tpu.memref_slice %arg3[%add3A, %sub3A_338, %dma_start3A_368, %dma_start3A_372] : memref<32x80x2x128xi32, #tpu.memory_space<hbm>> -> memref<1x1x1x128xi32, #tpu.memory_space<hbm>>
        %dma_start3A_374 = tpu.memref_squeeze %dma_start3A_373 : memref<1x1x1x128xi32, #tpu.memory_space<hbm>> -> memref<128xi32, #tpu.memory_space<hbm>>
        tpu.enqueue_dma source(%dma_start3A_374 : memref<128xi32, #tpu.memory_space<hbm>>) target(%arg10 : memref<128xi32, #tpu.memory_space<vmem>>) target_semaphore(%arg12 : memref<!tpu.dma_semaphore, #tpu.memory_space<semaphore_mem>>)
      } else {
      }
      %mul3A_287 = arith.constant 64 : i32
      %mul3A_288 = arith.muli %add3A_277, %mul3A_287 : i32
      %add3A_289 = arith.addi %mul3A_2, %mul3A_288 : i32
      %dma_wait3A_290 = arith.constant 0 : i32
      %dma_wait3A_291 = arith.constant 0 : i32
      %dma_wait3A_292 = arith.constant 0 : i32
      %dma_wait3A_293 = tpu.memref_slice %arg7[%dma_wait3A_291, %dma_wait3A_292] : memref<128x64xf32, #tpu.memory_space<vmem>> -> memref<64x64xf32, #tpu.memory_space<vmem>>
      %dma_wait3A_294 = arith.constant 0 : i32
      %dma_wait3A_295 = arith.constant 0 : i32
      %dma_wait3A_296 = tpu.memref_slice %arg2[%dma_wait3A_290, %dma_wait3A_294, %dma_wait3A_295] : memref<4x163840x64xf32, #tpu.memory_space<hbm>> -> memref<1x163840x64xf32, #tpu.memory_space<hbm>>
      %dma_wait3A_297 = tpu.memref_squeeze %dma_wait3A_296 : memref<1x163840x64xf32, #tpu.memory_space<hbm>> -> memref<163840x64xf32, #tpu.memory_space<hbm>>
      %dma_wait3A_298 = arith.constant 0 : i32
      %dma_wait3A_299 = tpu.memref_slice %dma_wait3A_297[%add3A_289, %dma_wait3A_298] : memref<163840x64xf32, #tpu.memory_space<hbm>> -> memref<64x64xf32, #tpu.memory_space<hbm>>
      %dma_wait3A_300 = arith.constant 0 : i32
      %dma_wait3A_301 = arith.constant 0 : i32
      %dma_wait3A_302 = tpu.memref_slice %arg7[%dma_wait3A_300, %dma_wait3A_301] : memref<128x64xf32, #tpu.memory_space<vmem>> -> memref<64x64xf32, #tpu.memory_space<vmem>>
      %dma_wait3A_303 = arith.constant 0 : i32
      %dma_wait3A_304 = arith.constant 0 : i32
      %dma_wait3A_305 = tpu.memref_slice %arg2[%dma_wait3A_290, %dma_wait3A_303, %dma_wait3A_304] : memref<4x163840x64xf32, #tpu.memory_space<hbm>> -> memref<1x163840x64xf32, #tpu.memory_space<hbm>>
      %dma_wait3A_306 = tpu.memref_squeeze %dma_wait3A_305 : memref<1x163840x64xf32, #tpu.memory_space<hbm>> -> memref<163840x64xf32, #tpu.memory_space<hbm>>
      %dma_wait3A_307 = arith.constant 0 : i32
      %dma_wait3A_308 = tpu.memref_slice %dma_wait3A_306[%add3A_289, %dma_wait3A_307] : memref<163840x64xf32, #tpu.memory_space<hbm>> -> memref<64x64xf32, #tpu.memory_space<hbm>>
      tpu.wait_dma2 semaphore(%arg13 : memref<!tpu.dma_semaphore, #tpu.memory_space<semaphore_mem>>) src(%dma_wait3A_308 : memref<64x64xf32, #tpu.memory_space<hbm>>) dst(%dma_wait3A_302 : memref<64x64xf32, #tpu.memory_space<vmem>>)
      %dma_wait3A_309 = arith.constant 0 : i32
      %dma_wait3A_310 = arith.constant 0 : i32
      %dma_wait3A_311 = tpu.memref_slice %arg3[%add3A, %add3A_277, %dma_wait3A_309, %dma_wait3A_310] : memref<32x80x2x128xi32, #tpu.memory_space<hbm>> -> memref<1x1x1x128xi32, #tpu.memory_space<hbm>>
      %dma_wait3A_312 = tpu.memref_squeeze %dma_wait3A_311 : memref<1x1x1x128xi32, #tpu.memory_space<hbm>> -> memref<128xi32, #tpu.memory_space<hbm>>
      %dma_wait3A_313 = arith.constant 0 : i32
      %dma_wait3A_314 = tpu.memref_slice %arg3[%add3A, %add3A_277, %dma_wait3A_309, %dma_wait3A_313] : memref<32x80x2x128xi32, #tpu.memory_space<hbm>> -> memref<1x1x1x128xi32, #tpu.memory_space<hbm>>
      %dma_wait3A_315 = tpu.memref_squeeze %dma_wait3A_314 : memref<1x1x1x128xi32, #tpu.memory_space<hbm>> -> memref<128xi32, #tpu.memory_space<hbm>>
      tpu.wait_dma2 semaphore(%arg13 : memref<!tpu.dma_semaphore, #tpu.memory_space<semaphore_mem>>) src(%dma_wait3A_315 : memref<128xi32, #tpu.memory_space<hbm>>) dst(%arg9 : memref<128xi32, #tpu.memory_space<vmem>>)
      %dma_wait3A_316 = arith.constant 1 : i32
      %dma_wait3A_317 = arith.constant 0 : i32
      %dma_wait3A_318 = tpu.memref_slice %arg3[%add3A, %add3A_277, %dma_wait3A_316, %dma_wait3A_317] : memref<32x80x2x128xi32, #tpu.memory_space<hbm>> -> memref<1x1x1x128xi32, #tpu.memory_space<hbm>>
      %dma_wait3A_319 = tpu.memref_squeeze %dma_wait3A_318 : memref<1x1x1x128xi32, #tpu.memory_space<hbm>> -> memref<128xi32, #tpu.memory_space<hbm>>
      %dma_wait3A_320 = arith.constant 0 : i32
      %dma_wait3A_321 = tpu.memref_slice %arg3[%add3A, %add3A_277, %dma_wait3A_316, %dma_wait3A_320] : memref<32x80x2x128xi32, #tpu.memory_space<hbm>> -> memref<1x1x1x128xi32, #tpu.memory_space<hbm>>
      %dma_wait3A_322 = tpu.memref_squeeze %dma_wait3A_321 : memref<1x1x1x128xi32, #tpu.memory_space<hbm>> -> memref<128xi32, #tpu.memory_space<hbm>>
      tpu.wait_dma2 semaphore(%arg13 : memref<!tpu.dma_semaphore, #tpu.memory_space<semaphore_mem>>) src(%dma_wait3A_322 : memref<128xi32, #tpu.memory_space<hbm>>) dst(%arg11 : memref<128xi32, #tpu.memory_space<vmem>>)
      %dma_start3A_323 = arith.constant 0 : i32
      %dma_start3A_324 = arith.constant 0 : i32
      %dma_start3A_325 = tpu.memref_slice %arg16[%dma_start3A_323, %dma_start3A_324] : memref<11264x64xf32, #tpu.memory_space<vmem_shared>> -> memref<11264x64xf32, #tpu.memory_space<vmem_shared>>
      tpu.enqueue_indirect_dma source(%arg7 : memref<128x64xf32, #tpu.memory_space<vmem>>) target(%dma_start3A_325 : memref<11264x64xf32, #tpu.memory_space<vmem_shared>>) offsets(%arg9 : memref<128xi32, #tpu.memory_space<vmem>>) semaphore(%arg15 : memref<!tpu.dma_semaphore, #tpu.memory_space<semaphore_mem>>) {add = true}
      %dma_start3A_326 = arith.constant 0 : i32
      %dma_start3A_327 = arith.constant 0 : i32
      %dma_start3A_328 = tpu.memref_slice %arg16[%dma_start3A_326, %dma_start3A_327] : memref<11264x64xf32, #tpu.memory_space<vmem_shared>> -> memref<11264x64xf32, #tpu.memory_space<vmem_shared>>
      tpu.enqueue_indirect_dma source(%arg7 : memref<128x64xf32, #tpu.memory_space<vmem>>) target(%dma_start3A_328 : memref<11264x64xf32, #tpu.memory_space<vmem_shared>>) offsets(%arg11 : memref<128xi32, #tpu.memory_space<vmem>>) semaphore(%arg15 : memref<!tpu.dma_semaphore, #tpu.memory_space<semaphore_mem>>) {add = true}
      %dma_wait3A_329 = arith.constant 0 : i32
      %dma_wait3A_330 = arith.constant 0 : i32
      %dma_wait3A_331 = tpu.memref_slice %arg16[%dma_wait3A_329, %dma_wait3A_330] : memref<11264x64xf32, #tpu.memory_space<vmem_shared>> -> memref<11264x64xf32, #tpu.memory_space<vmem_shared>>
      tpu.wait_indirect_dma semaphore(%arg15 : memref<!tpu.dma_semaphore, #tpu.memory_space<semaphore_mem>>) src(%arg7 : memref<128x64xf32, #tpu.memory_space<vmem>>) dst(%dma_wait3A_331 : memref<11264x64xf32, #tpu.memory_space<vmem_shared>>)
      %dma_wait3A_332 = arith.constant 0 : i32
      %dma_wait3A_333 = arith.constant 0 : i32
      %dma_wait3A_334 = tpu.memref_slice %arg16[%dma_wait3A_332, %dma_wait3A_333] : memref<11264x64xf32, #tpu.memory_space<vmem_shared>> -> memref<11264x64xf32, #tpu.memory_space<vmem_shared>>
      tpu.wait_indirect_dma semaphore(%arg15 : memref<!tpu.dma_semaphore, #tpu.memory_space<semaphore_mem>>) src(%arg7 : memref<128x64xf32, #tpu.memory_space<vmem>>) dst(%dma_wait3A_334 : memref<11264x64xf32, #tpu.memory_space<vmem_shared>>)
    }
    %scan3A_47 = arith.constant 40 : i32
    %barrier3A_48 = arith.constant 0 : index
    tpu.barrier barrier_id(%barrier3A_48)
    %mul3A_49 = arith.constant 704 : i32
    %mul3A_50 = arith.muli %arg1, %mul3A_49 : i32
    %mul3A_51 = arith.constant 704 : i32
    %mul3A_52 = arith.muli %arg1, %mul3A_51 : i32
    %run_scoped3A = arith.constant 0 : i32
    "tpu.region"() ({
      %run_scoped3A_219 = tpu.sem_alloc : memref<!tpu.dma_semaphore, #tpu.memory_space<semaphore_mem>>
      %dma_start3A_220 = arith.constant 0 : i32
      %dma_start3A_221 = arith.constant 0 : i32
      %dma_start3A_222 = tpu.memref_slice %arg5[%run_scoped3A, %arg0, %dma_start3A_220, %dma_start3A_221] : memref<4x2x11264x64xf32, #tpu.memory_space<hbm>> -> memref<1x1x11264x64xf32, #tpu.memory_space<hbm>>
      %dma_start3A_223 = tpu.memref_squeeze %dma_start3A_222 : memref<1x1x11264x64xf32, #tpu.memory_space<hbm>> -> memref<11264x64xf32, #tpu.memory_space<hbm>>
      %dma_start3A_224 = arith.constant 0 : i32
      %dma_start3A_225 = tpu.memref_slice %dma_start3A_223[%mul3A_52, %dma_start3A_224] : memref<11264x64xf32, #tpu.memory_space<hbm>> -> memref<704x64xf32, #tpu.memory_space<hbm>>
      %dma_start3A_226 = arith.constant 0 : i32
      %dma_start3A_227 = tpu.memref_slice %arg16[%mul3A_50, %dma_start3A_226] : memref<11264x64xf32, #tpu.memory_space<vmem_shared>> -> memref<704x64xf32, #tpu.memory_space<vmem_shared>>
      tpu.enqueue_dma source(%dma_start3A_227 : memref<704x64xf32, #tpu.memory_space<vmem_shared>>) target(%dma_start3A_225 : memref<704x64xf32, #tpu.memory_space<hbm>>) target_semaphore(%run_scoped3A_219 : memref<!tpu.dma_semaphore, #tpu.memory_space<semaphore_mem>>)
      %dma_wait3A = arith.constant 0 : i32
      %dma_wait3A_228 = arith.constant 0 : i32
      %dma_wait3A_229 = tpu.memref_slice %arg5[%run_scoped3A, %arg0, %dma_wait3A, %dma_wait3A_228] : memref<4x2x11264x64xf32, #tpu.memory_space<hbm>> -> memref<1x1x11264x64xf32, #tpu.memory_space<hbm>>
      %dma_wait3A_230 = tpu.memref_squeeze %dma_wait3A_229 : memref<1x1x11264x64xf32, #tpu.memory_space<hbm>> -> memref<11264x64xf32, #tpu.memory_space<hbm>>
      %dma_wait3A_231 = arith.constant 0 : i32
      %dma_wait3A_232 = tpu.memref_slice %dma_wait3A_230[%mul3A_52, %dma_wait3A_231] : memref<11264x64xf32, #tpu.memory_space<hbm>> -> memref<704x64xf32, #tpu.memory_space<hbm>>
      %dma_wait3A_233 = arith.constant 0 : i32
      %dma_wait3A_234 = tpu.memref_slice %arg16[%mul3A_50, %dma_wait3A_233] : memref<11264x64xf32, #tpu.memory_space<vmem_shared>> -> memref<704x64xf32, #tpu.memory_space<vmem_shared>>
      tpu.wait_dma2 semaphore(%run_scoped3A_219 : memref<!tpu.dma_semaphore, #tpu.memory_space<semaphore_mem>>) src(%dma_wait3A_234 : memref<704x64xf32, #tpu.memory_space<vmem_shared>>) dst(%dma_wait3A_232 : memref<704x64xf32, #tpu.memory_space<hbm>>)
      tpu.yield
    }) : () -> ()
    %barrier3A_53 = arith.constant 0 : index
    tpu.barrier barrier_id(%barrier3A_53)
    %mul3A_54 = arith.constant 704 : i32
    %mul3A_55 = arith.muli %arg1, %mul3A_54 : i32
    %mul3A_56 = arith.constant 704 : i32
    %mul3A_57 = arith.muli %arg1, %mul3A_56 : i32
    "tpu.region"() ({
      %run_scoped3A_219 = tpu.sem_alloc : memref<!tpu.dma_semaphore, #tpu.memory_space<semaphore_mem>>
      %dma_start3A_220 = arith.constant 0 : i32
      %dma_start3A_221 = tpu.memref_slice %arg16[%mul3A_57, %dma_start3A_220] : memref<11264x64xf32, #tpu.memory_space<vmem_shared>> -> memref<704x64xf32, #tpu.memory_space<vmem_shared>>
      %dma_start3A_222 = arith.constant 0 : i32
      %dma_start3A_223 = tpu.memref_slice %arg4[%mul3A_55, %dma_start3A_222] : memref<11264x64xf32, #tpu.memory_space<hbm>> -> memref<704x64xf32, #tpu.memory_space<hbm>>
      tpu.enqueue_dma source(%dma_start3A_223 : memref<704x64xf32, #tpu.memory_space<hbm>>) target(%dma_start3A_221 : memref<704x64xf32, #tpu.memory_space<vmem_shared>>) target_semaphore(%run_scoped3A_219 : memref<!tpu.dma_semaphore, #tpu.memory_space<semaphore_mem>>)
      %dma_wait3A = arith.constant 0 : i32
      %dma_wait3A_224 = tpu.memref_slice %arg16[%mul3A_57, %dma_wait3A] : memref<11264x64xf32, #tpu.memory_space<vmem_shared>> -> memref<704x64xf32, #tpu.memory_space<vmem_shared>>
      %dma_wait3A_225 = arith.constant 0 : i32
      %dma_wait3A_226 = tpu.memref_slice %arg4[%mul3A_55, %dma_wait3A_225] : memref<11264x64xf32, #tpu.memory_space<hbm>> -> memref<704x64xf32, #tpu.memory_space<hbm>>
      tpu.wait_dma2 semaphore(%run_scoped3A_219 : memref<!tpu.dma_semaphore, #tpu.memory_space<semaphore_mem>>) src(%dma_wait3A_226 : memref<704x64xf32, #tpu.memory_space<hbm>>) dst(%dma_wait3A_224 : memref<704x64xf32, #tpu.memory_space<vmem_shared>>)
      tpu.yield
    }) : () -> ()
    %barrier3A_58 = arith.constant 0 : index
    tpu.barrier barrier_id(%barrier3A_58)
    %add3A_59 = arith.constant 0 : i32
    %add3A_60 = arith.addi %mul3A_2, %add3A_59 : i32
    %dma_start3A_61 = arith.constant 1 : i32
    %dma_start3A_62 = arith.constant 0 : i32
    %dma_start3A_63 = arith.constant 0 : i32
    %dma_start3A_64 = tpu.memref_slice %arg6[%dma_start3A_62, %dma_start3A_63] : memref<128x64xf32, #tpu.memory_space<vmem>> -> memref<64x64xf32, #tpu.memory_space<vmem>>
    %dma_start3A_65 = arith.constant 0 : i32
    %dma_start3A_66 = arith.constant 0 : i32
    %dma_start3A_67 = tpu.memref_slice %arg2[%dma_start3A_61, %dma_start3A_65, %dma_start3A_66] : memref<4x163840x64xf32, #tpu.memory_space<hbm>> -> memref<1x163840x64xf32, #tpu.memory_space<hbm>>
    %dma_start3A_68 = tpu.memref_squeeze %dma_start3A_67 : memref<1x163840x64xf32, #tpu.memory_space<hbm>> -> memref<163840x64xf32, #tpu.memory_space<hbm>>
    %dma_start3A_69 = arith.constant 0 : i32
    %dma_start3A_70 = tpu.memref_slice %dma_start3A_68[%add3A_60, %dma_start3A_69] : memref<163840x64xf32, #tpu.memory_space<hbm>> -> memref<64x64xf32, #tpu.memory_space<hbm>>
    %dma_start3A_71 = arith.constant 0 : i32
    %dma_start3A_72 = arith.constant 0 : i32
    %dma_start3A_73 = tpu.memref_slice %arg6[%dma_start3A_71, %dma_start3A_72] : memref<128x64xf32, #tpu.memory_space<vmem>> -> memref<64x64xf32, #tpu.memory_space<vmem>>
    %dma_start3A_74 = arith.constant 0 : i32
    %dma_start3A_75 = arith.constant 0 : i32
    %dma_start3A_76 = tpu.memref_slice %arg2[%dma_start3A_61, %dma_start3A_74, %dma_start3A_75] : memref<4x163840x64xf32, #tpu.memory_space<hbm>> -> memref<1x163840x64xf32, #tpu.memory_space<hbm>>
    %dma_start3A_77 = tpu.memref_squeeze %dma_start3A_76 : memref<1x163840x64xf32, #tpu.memory_space<hbm>> -> memref<163840x64xf32, #tpu.memory_space<hbm>>
    %dma_start3A_78 = arith.constant 0 : i32
    %dma_start3A_79 = tpu.memref_slice %dma_start3A_77[%add3A_60, %dma_start3A_78] : memref<163840x64xf32, #tpu.memory_space<hbm>> -> memref<64x64xf32, #tpu.memory_space<hbm>>
    tpu.enqueue_dma source(%dma_start3A_79 : memref<64x64xf32, #tpu.memory_space<hbm>>) target(%dma_start3A_73 : memref<64x64xf32, #tpu.memory_space<vmem>>) target_semaphore(%arg12 : memref<!tpu.dma_semaphore, #tpu.memory_space<semaphore_mem>>)
    %dma_start3A_80 = arith.constant 0 : i32
    %dma_start3A_81 = arith.constant 0 : i32
    %dma_start3A_82 = arith.constant 0 : i32
    %dma_start3A_83 = tpu.memref_slice %arg3[%add3A, %dma_start3A_80, %dma_start3A_81, %dma_start3A_82] : memref<32x80x2x128xi32, #tpu.memory_space<hbm>> -> memref<1x1x1x128xi32, #tpu.memory_space<hbm>>
    %dma_start3A_84 = tpu.memref_squeeze %dma_start3A_83 : memref<1x1x1x128xi32, #tpu.memory_space<hbm>> -> memref<128xi32, #tpu.memory_space<hbm>>
    %dma_start3A_85 = arith.constant 0 : i32
    %dma_start3A_86 = tpu.memref_slice %arg3[%add3A, %dma_start3A_80, %dma_start3A_81, %dma_start3A_85] : memref<32x80x2x128xi32, #tpu.memory_space<hbm>> -> memref<1x1x1x128xi32, #tpu.memory_space<hbm>>
    %dma_start3A_87 = tpu.memref_squeeze %dma_start3A_86 : memref<1x1x1x128xi32, #tpu.memory_space<hbm>> -> memref<128xi32, #tpu.memory_space<hbm>>
    tpu.enqueue_dma source(%dma_start3A_87 : memref<128xi32, #tpu.memory_space<hbm>>) target(%arg8 : memref<128xi32, #tpu.memory_space<vmem>>) target_semaphore(%arg12 : memref<!tpu.dma_semaphore, #tpu.memory_space<semaphore_mem>>)
    %dma_start3A_88 = arith.constant 0 : i32
    %dma_start3A_89 = arith.constant 1 : i32
    %dma_start3A_90 = arith.constant 0 : i32
    %dma_start3A_91 = tpu.memref_slice %arg3[%add3A, %dma_start3A_88, %dma_start3A_89, %dma_start3A_90] : memref<32x80x2x128xi32, #tpu.memory_space<hbm>> -> memref<1x1x1x128xi32, #tpu.memory_space<hbm>>
    %dma_start3A_92 = tpu.memref_squeeze %dma_start3A_91 : memref<1x1x1x128xi32, #tpu.memory_space<hbm>> -> memref<128xi32, #tpu.memory_space<hbm>>
    %dma_start3A_93 = arith.constant 0 : i32
    %dma_start3A_94 = tpu.memref_slice %arg3[%add3A, %dma_start3A_88, %dma_start3A_89, %dma_start3A_93] : memref<32x80x2x128xi32, #tpu.memory_space<hbm>> -> memref<1x1x1x128xi32, #tpu.memory_space<hbm>>
    %dma_start3A_95 = tpu.memref_squeeze %dma_start3A_94 : memref<1x1x1x128xi32, #tpu.memory_space<hbm>> -> memref<128xi32, #tpu.memory_space<hbm>>
    tpu.enqueue_dma source(%dma_start3A_95 : memref<128xi32, #tpu.memory_space<hbm>>) target(%arg10 : memref<128xi32, #tpu.memory_space<vmem>>) target_semaphore(%arg12 : memref<!tpu.dma_semaphore, #tpu.memory_space<semaphore_mem>>)
    %scan3A_96 = arith.constant 0 : i32
    %scan3A_97 = arith.constant 0 : i32
    %scan3A_98 = arith.constant 40 : i32
    %scan3A_99 = arith.addi %scan3A_97, %scan3A_98 : i32
    %scan3A_100 = arith.constant 1 : i32
    scf.for %scan3A_219 = %scan3A_97 to %scan3A_99 step %scan3A_100  : i32 {
      %mul3A_220 = arith.constant 2 : i32
      %mul3A_221 = arith.muli %scan3A_219, %mul3A_220 : i32
      %add3A_222 = arith.constant 0 : i32
      %add3A_223 = arith.addi %mul3A_221, %add3A_222 : i32
      %add3A_224 = arith.constant 2 : i32
      %add3A_225 = arith.addi %add3A_223, %add3A_224 : i32
      %sub3A = arith.constant 1 : i32
      %sub3A_226 = arith.subi %add3A_225, %sub3A : i32
      %lt3A = arith.constant 80 : i32
      %lt3A_227 = arith.cmpi slt, %sub3A_226, %lt3A : i32
      %convert_element_type3A = arith.extui %lt3A_227 : i1 to i32
      %cond3A = arith.constant 0 : i32
      %cond3A_228 = arith.cmpi ne, %convert_element_type3A, %cond3A : i32
      scf.if %cond3A_228 {
        %add3A_335 = arith.constant 2 : i32
        %add3A_336 = arith.addi %add3A_223, %add3A_335 : i32
        %sub3A_337 = arith.constant 1 : i32
        %sub3A_338 = arith.subi %add3A_336, %sub3A_337 : i32
        %mul3A_339 = arith.constant 64 : i32
        %mul3A_340 = arith.muli %sub3A_338, %mul3A_339 : i32
        %add3A_341 = arith.addi %mul3A_2, %mul3A_340 : i32
        %dma_start3A_342 = arith.constant 1 : i32
        %dma_start3A_343 = arith.constant 0 : i32
        %dma_start3A_344 = arith.constant 0 : i32
        %dma_start3A_345 = tpu.memref_slice %arg7[%dma_start3A_343, %dma_start3A_344] : memref<128x64xf32, #tpu.memory_space<vmem>> -> memref<64x64xf32, #tpu.memory_space<vmem>>
        %dma_start3A_346 = arith.constant 0 : i32
        %dma_start3A_347 = arith.constant 0 : i32
        %dma_start3A_348 = tpu.memref_slice %arg2[%dma_start3A_342, %dma_start3A_346, %dma_start3A_347] : memref<4x163840x64xf32, #tpu.memory_space<hbm>> -> memref<1x163840x64xf32, #tpu.memory_space<hbm>>
        %dma_start3A_349 = tpu.memref_squeeze %dma_start3A_348 : memref<1x163840x64xf32, #tpu.memory_space<hbm>> -> memref<163840x64xf32, #tpu.memory_space<hbm>>
        %dma_start3A_350 = arith.constant 0 : i32
        %dma_start3A_351 = tpu.memref_slice %dma_start3A_349[%add3A_341, %dma_start3A_350] : memref<163840x64xf32, #tpu.memory_space<hbm>> -> memref<64x64xf32, #tpu.memory_space<hbm>>
        %dma_start3A_352 = arith.constant 0 : i32
        %dma_start3A_353 = arith.constant 0 : i32
        %dma_start3A_354 = tpu.memref_slice %arg7[%dma_start3A_352, %dma_start3A_353] : memref<128x64xf32, #tpu.memory_space<vmem>> -> memref<64x64xf32, #tpu.memory_space<vmem>>
        %dma_start3A_355 = arith.constant 0 : i32
        %dma_start3A_356 = arith.constant 0 : i32
        %dma_start3A_357 = tpu.memref_slice %arg2[%dma_start3A_342, %dma_start3A_355, %dma_start3A_356] : memref<4x163840x64xf32, #tpu.memory_space<hbm>> -> memref<1x163840x64xf32, #tpu.memory_space<hbm>>
        %dma_start3A_358 = tpu.memref_squeeze %dma_start3A_357 : memref<1x163840x64xf32, #tpu.memory_space<hbm>> -> memref<163840x64xf32, #tpu.memory_space<hbm>>
        %dma_start3A_359 = arith.constant 0 : i32
        %dma_start3A_360 = tpu.memref_slice %dma_start3A_358[%add3A_341, %dma_start3A_359] : memref<163840x64xf32, #tpu.memory_space<hbm>> -> memref<64x64xf32, #tpu.memory_space<hbm>>
        tpu.enqueue_dma source(%dma_start3A_360 : memref<64x64xf32, #tpu.memory_space<hbm>>) target(%dma_start3A_354 : memref<64x64xf32, #tpu.memory_space<vmem>>) target_semaphore(%arg13 : memref<!tpu.dma_semaphore, #tpu.memory_space<semaphore_mem>>)
        %dma_start3A_361 = arith.constant 0 : i32
        %dma_start3A_362 = arith.constant 0 : i32
        %dma_start3A_363 = tpu.memref_slice %arg3[%add3A, %sub3A_338, %dma_start3A_361, %dma_start3A_362] : memref<32x80x2x128xi32, #tpu.memory_space<hbm>> -> memref<1x1x1x128xi32, #tpu.memory_space<hbm>>
        %dma_start3A_364 = tpu.memref_squeeze %dma_start3A_363 : memref<1x1x1x128xi32, #tpu.memory_space<hbm>> -> memref<128xi32, #tpu.memory_space<hbm>>
        %dma_start3A_365 = arith.constant 0 : i32
        %dma_start3A_366 = tpu.memref_slice %arg3[%add3A, %sub3A_338, %dma_start3A_361, %dma_start3A_365] : memref<32x80x2x128xi32, #tpu.memory_space<hbm>> -> memref<1x1x1x128xi32, #tpu.memory_space<hbm>>
        %dma_start3A_367 = tpu.memref_squeeze %dma_start3A_366 : memref<1x1x1x128xi32, #tpu.memory_space<hbm>> -> memref<128xi32, #tpu.memory_space<hbm>>
        tpu.enqueue_dma source(%dma_start3A_367 : memref<128xi32, #tpu.memory_space<hbm>>) target(%arg9 : memref<128xi32, #tpu.memory_space<vmem>>) target_semaphore(%arg13 : memref<!tpu.dma_semaphore, #tpu.memory_space<semaphore_mem>>)
        %dma_start3A_368 = arith.constant 1 : i32
        %dma_start3A_369 = arith.constant 0 : i32
        %dma_start3A_370 = tpu.memref_slice %arg3[%add3A, %sub3A_338, %dma_start3A_368, %dma_start3A_369] : memref<32x80x2x128xi32, #tpu.memory_space<hbm>> -> memref<1x1x1x128xi32, #tpu.memory_space<hbm>>
        %dma_start3A_371 = tpu.memref_squeeze %dma_start3A_370 : memref<1x1x1x128xi32, #tpu.memory_space<hbm>> -> memref<128xi32, #tpu.memory_space<hbm>>
        %dma_start3A_372 = arith.constant 0 : i32
        %dma_start3A_373 = tpu.memref_slice %arg3[%add3A, %sub3A_338, %dma_start3A_368, %dma_start3A_372] : memref<32x80x2x128xi32, #tpu.memory_space<hbm>> -> memref<1x1x1x128xi32, #tpu.memory_space<hbm>>
        %dma_start3A_374 = tpu.memref_squeeze %dma_start3A_373 : memref<1x1x1x128xi32, #tpu.memory_space<hbm>> -> memref<128xi32, #tpu.memory_space<hbm>>
        tpu.enqueue_dma source(%dma_start3A_374 : memref<128xi32, #tpu.memory_space<hbm>>) target(%arg11 : memref<128xi32, #tpu.memory_space<vmem>>) target_semaphore(%arg13 : memref<!tpu.dma_semaphore, #tpu.memory_space<semaphore_mem>>)
      } else {
      }
      %mul3A_229 = arith.constant 64 : i32
      %mul3A_230 = arith.muli %add3A_223, %mul3A_229 : i32
      %add3A_231 = arith.addi %mul3A_2, %mul3A_230 : i32
      %dma_wait3A = arith.constant 1 : i32
      %dma_wait3A_232 = arith.constant 0 : i32
      %dma_wait3A_233 = arith.constant 0 : i32
      %dma_wait3A_234 = tpu.memref_slice %arg6[%dma_wait3A_232, %dma_wait3A_233] : memref<128x64xf32, #tpu.memory_space<vmem>> -> memref<64x64xf32, #tpu.memory_space<vmem>>
      %dma_wait3A_235 = arith.constant 0 : i32
      %dma_wait3A_236 = arith.constant 0 : i32
      %dma_wait3A_237 = tpu.memref_slice %arg2[%dma_wait3A, %dma_wait3A_235, %dma_wait3A_236] : memref<4x163840x64xf32, #tpu.memory_space<hbm>> -> memref<1x163840x64xf32, #tpu.memory_space<hbm>>
      %dma_wait3A_238 = tpu.memref_squeeze %dma_wait3A_237 : memref<1x163840x64xf32, #tpu.memory_space<hbm>> -> memref<163840x64xf32, #tpu.memory_space<hbm>>
      %dma_wait3A_239 = arith.constant 0 : i32
      %dma_wait3A_240 = tpu.memref_slice %dma_wait3A_238[%add3A_231, %dma_wait3A_239] : memref<163840x64xf32, #tpu.memory_space<hbm>> -> memref<64x64xf32, #tpu.memory_space<hbm>>
      %dma_wait3A_241 = arith.constant 0 : i32
      %dma_wait3A_242 = arith.constant 0 : i32
      %dma_wait3A_243 = tpu.memref_slice %arg6[%dma_wait3A_241, %dma_wait3A_242] : memref<128x64xf32, #tpu.memory_space<vmem>> -> memref<64x64xf32, #tpu.memory_space<vmem>>
      %dma_wait3A_244 = arith.constant 0 : i32
      %dma_wait3A_245 = arith.constant 0 : i32
      %dma_wait3A_246 = tpu.memref_slice %arg2[%dma_wait3A, %dma_wait3A_244, %dma_wait3A_245] : memref<4x163840x64xf32, #tpu.memory_space<hbm>> -> memref<1x163840x64xf32, #tpu.memory_space<hbm>>
      %dma_wait3A_247 = tpu.memref_squeeze %dma_wait3A_246 : memref<1x163840x64xf32, #tpu.memory_space<hbm>> -> memref<163840x64xf32, #tpu.memory_space<hbm>>
      %dma_wait3A_248 = arith.constant 0 : i32
      %dma_wait3A_249 = tpu.memref_slice %dma_wait3A_247[%add3A_231, %dma_wait3A_248] : memref<163840x64xf32, #tpu.memory_space<hbm>> -> memref<64x64xf32, #tpu.memory_space<hbm>>
      tpu.wait_dma2 semaphore(%arg12 : memref<!tpu.dma_semaphore, #tpu.memory_space<semaphore_mem>>) src(%dma_wait3A_249 : memref<64x64xf32, #tpu.memory_space<hbm>>) dst(%dma_wait3A_243 : memref<64x64xf32, #tpu.memory_space<vmem>>)
      %dma_wait3A_250 = arith.constant 0 : i32
      %dma_wait3A_251 = arith.constant 0 : i32
      %dma_wait3A_252 = tpu.memref_slice %arg3[%add3A, %add3A_223, %dma_wait3A_250, %dma_wait3A_251] : memref<32x80x2x128xi32, #tpu.memory_space<hbm>> -> memref<1x1x1x128xi32, #tpu.memory_space<hbm>>
      %dma_wait3A_253 = tpu.memref_squeeze %dma_wait3A_252 : memref<1x1x1x128xi32, #tpu.memory_space<hbm>> -> memref<128xi32, #tpu.memory_space<hbm>>
      %dma_wait3A_254 = arith.constant 0 : i32
      %dma_wait3A_255 = tpu.memref_slice %arg3[%add3A, %add3A_223, %dma_wait3A_250, %dma_wait3A_254] : memref<32x80x2x128xi32, #tpu.memory_space<hbm>> -> memref<1x1x1x128xi32, #tpu.memory_space<hbm>>
      %dma_wait3A_256 = tpu.memref_squeeze %dma_wait3A_255 : memref<1x1x1x128xi32, #tpu.memory_space<hbm>> -> memref<128xi32, #tpu.memory_space<hbm>>
      tpu.wait_dma2 semaphore(%arg12 : memref<!tpu.dma_semaphore, #tpu.memory_space<semaphore_mem>>) src(%dma_wait3A_256 : memref<128xi32, #tpu.memory_space<hbm>>) dst(%arg8 : memref<128xi32, #tpu.memory_space<vmem>>)
      %dma_wait3A_257 = arith.constant 1 : i32
      %dma_wait3A_258 = arith.constant 0 : i32
      %dma_wait3A_259 = tpu.memref_slice %arg3[%add3A, %add3A_223, %dma_wait3A_257, %dma_wait3A_258] : memref<32x80x2x128xi32, #tpu.memory_space<hbm>> -> memref<1x1x1x128xi32, #tpu.memory_space<hbm>>
      %dma_wait3A_260 = tpu.memref_squeeze %dma_wait3A_259 : memref<1x1x1x128xi32, #tpu.memory_space<hbm>> -> memref<128xi32, #tpu.memory_space<hbm>>
      %dma_wait3A_261 = arith.constant 0 : i32
      %dma_wait3A_262 = tpu.memref_slice %arg3[%add3A, %add3A_223, %dma_wait3A_257, %dma_wait3A_261] : memref<32x80x2x128xi32, #tpu.memory_space<hbm>> -> memref<1x1x1x128xi32, #tpu.memory_space<hbm>>
      %dma_wait3A_263 = tpu.memref_squeeze %dma_wait3A_262 : memref<1x1x1x128xi32, #tpu.memory_space<hbm>> -> memref<128xi32, #tpu.memory_space<hbm>>
      tpu.wait_dma2 semaphore(%arg12 : memref<!tpu.dma_semaphore, #tpu.memory_space<semaphore_mem>>) src(%dma_wait3A_263 : memref<128xi32, #tpu.memory_space<hbm>>) dst(%arg10 : memref<128xi32, #tpu.memory_space<vmem>>)
      %dma_start3A_264 = arith.constant 0 : i32
      %dma_start3A_265 = arith.constant 0 : i32
      %dma_start3A_266 = tpu.memref_slice %arg16[%dma_start3A_264, %dma_start3A_265] : memref<11264x64xf32, #tpu.memory_space<vmem_shared>> -> memref<11264x64xf32, #tpu.memory_space<vmem_shared>>
      tpu.enqueue_indirect_dma source(%arg6 : memref<128x64xf32, #tpu.memory_space<vmem>>) target(%dma_start3A_266 : memref<11264x64xf32, #tpu.memory_space<vmem_shared>>) offsets(%arg8 : memref<128xi32, #tpu.memory_space<vmem>>) semaphore(%arg14 : memref<!tpu.dma_semaphore, #tpu.memory_space<semaphore_mem>>) {add = true}
      %dma_start3A_267 = arith.constant 0 : i32
      %dma_start3A_268 = arith.constant 0 : i32
      %dma_start3A_269 = tpu.memref_slice %arg16[%dma_start3A_267, %dma_start3A_268] : memref<11264x64xf32, #tpu.memory_space<vmem_shared>> -> memref<11264x64xf32, #tpu.memory_space<vmem_shared>>
      tpu.enqueue_indirect_dma source(%arg6 : memref<128x64xf32, #tpu.memory_space<vmem>>) target(%dma_start3A_269 : memref<11264x64xf32, #tpu.memory_space<vmem_shared>>) offsets(%arg10 : memref<128xi32, #tpu.memory_space<vmem>>) semaphore(%arg14 : memref<!tpu.dma_semaphore, #tpu.memory_space<semaphore_mem>>) {add = true}
      %dma_wait3A_270 = arith.constant 0 : i32
      %dma_wait3A_271 = arith.constant 0 : i32
      %dma_wait3A_272 = tpu.memref_slice %arg16[%dma_wait3A_270, %dma_wait3A_271] : memref<11264x64xf32, #tpu.memory_space<vmem_shared>> -> memref<11264x64xf32, #tpu.memory_space<vmem_shared>>
      tpu.wait_indirect_dma semaphore(%arg14 : memref<!tpu.dma_semaphore, #tpu.memory_space<semaphore_mem>>) src(%arg6 : memref<128x64xf32, #tpu.memory_space<vmem>>) dst(%dma_wait3A_272 : memref<11264x64xf32, #tpu.memory_space<vmem_shared>>)
      %dma_wait3A_273 = arith.constant 0 : i32
      %dma_wait3A_274 = arith.constant 0 : i32
      %dma_wait3A_275 = tpu.memref_slice %arg16[%dma_wait3A_273, %dma_wait3A_274] : memref<11264x64xf32, #tpu.memory_space<vmem_shared>> -> memref<11264x64xf32, #tpu.memory_space<vmem_shared>>
      tpu.wait_indirect_dma semaphore(%arg14 : memref<!tpu.dma_semaphore, #tpu.memory_space<semaphore_mem>>) src(%arg6 : memref<128x64xf32, #tpu.memory_space<vmem>>) dst(%dma_wait3A_275 : memref<11264x64xf32, #tpu.memory_space<vmem_shared>>)
      %add3A_276 = arith.constant 1 : i32
      %add3A_277 = arith.addi %mul3A_221, %add3A_276 : i32
      %add3A_278 = arith.constant 2 : i32
      %add3A_279 = arith.addi %add3A_277, %add3A_278 : i32
      %sub3A_280 = arith.constant 1 : i32
      %sub3A_281 = arith.subi %add3A_279, %sub3A_280 : i32
      %lt3A_282 = arith.constant 80 : i32
      %lt3A_283 = arith.cmpi slt, %sub3A_281, %lt3A_282 : i32
      %convert_element_type3A_284 = arith.extui %lt3A_283 : i1 to i32
      %cond3A_285 = arith.constant 0 : i32
      %cond3A_286 = arith.cmpi ne, %convert_element_type3A_284, %cond3A_285 : i32
      scf.if %cond3A_286 {
        %add3A_335 = arith.constant 2 : i32
        %add3A_336 = arith.addi %add3A_277, %add3A_335 : i32
        %sub3A_337 = arith.constant 1 : i32
        %sub3A_338 = arith.subi %add3A_336, %sub3A_337 : i32
        %mul3A_339 = arith.constant 64 : i32
        %mul3A_340 = arith.muli %sub3A_338, %mul3A_339 : i32
        %add3A_341 = arith.addi %mul3A_2, %mul3A_340 : i32
        %dma_start3A_342 = arith.constant 1 : i32
        %dma_start3A_343 = arith.constant 0 : i32
        %dma_start3A_344 = arith.constant 0 : i32
        %dma_start3A_345 = tpu.memref_slice %arg6[%dma_start3A_343, %dma_start3A_344] : memref<128x64xf32, #tpu.memory_space<vmem>> -> memref<64x64xf32, #tpu.memory_space<vmem>>
        %dma_start3A_346 = arith.constant 0 : i32
        %dma_start3A_347 = arith.constant 0 : i32
        %dma_start3A_348 = tpu.memref_slice %arg2[%dma_start3A_342, %dma_start3A_346, %dma_start3A_347] : memref<4x163840x64xf32, #tpu.memory_space<hbm>> -> memref<1x163840x64xf32, #tpu.memory_space<hbm>>
        %dma_start3A_349 = tpu.memref_squeeze %dma_start3A_348 : memref<1x163840x64xf32, #tpu.memory_space<hbm>> -> memref<163840x64xf32, #tpu.memory_space<hbm>>
        %dma_start3A_350 = arith.constant 0 : i32
        %dma_start3A_351 = tpu.memref_slice %dma_start3A_349[%add3A_341, %dma_start3A_350] : memref<163840x64xf32, #tpu.memory_space<hbm>> -> memref<64x64xf32, #tpu.memory_space<hbm>>
        %dma_start3A_352 = arith.constant 0 : i32
        %dma_start3A_353 = arith.constant 0 : i32
        %dma_start3A_354 = tpu.memref_slice %arg6[%dma_start3A_352, %dma_start3A_353] : memref<128x64xf32, #tpu.memory_space<vmem>> -> memref<64x64xf32, #tpu.memory_space<vmem>>
        %dma_start3A_355 = arith.constant 0 : i32
        %dma_start3A_356 = arith.constant 0 : i32
        %dma_start3A_357 = tpu.memref_slice %arg2[%dma_start3A_342, %dma_start3A_355, %dma_start3A_356] : memref<4x163840x64xf32, #tpu.memory_space<hbm>> -> memref<1x163840x64xf32, #tpu.memory_space<hbm>>
        %dma_start3A_358 = tpu.memref_squeeze %dma_start3A_357 : memref<1x163840x64xf32, #tpu.memory_space<hbm>> -> memref<163840x64xf32, #tpu.memory_space<hbm>>
        %dma_start3A_359 = arith.constant 0 : i32
        %dma_start3A_360 = tpu.memref_slice %dma_start3A_358[%add3A_341, %dma_start3A_359] : memref<163840x64xf32, #tpu.memory_space<hbm>> -> memref<64x64xf32, #tpu.memory_space<hbm>>
        tpu.enqueue_dma source(%dma_start3A_360 : memref<64x64xf32, #tpu.memory_space<hbm>>) target(%dma_start3A_354 : memref<64x64xf32, #tpu.memory_space<vmem>>) target_semaphore(%arg12 : memref<!tpu.dma_semaphore, #tpu.memory_space<semaphore_mem>>)
        %dma_start3A_361 = arith.constant 0 : i32
        %dma_start3A_362 = arith.constant 0 : i32
        %dma_start3A_363 = tpu.memref_slice %arg3[%add3A, %sub3A_338, %dma_start3A_361, %dma_start3A_362] : memref<32x80x2x128xi32, #tpu.memory_space<hbm>> -> memref<1x1x1x128xi32, #tpu.memory_space<hbm>>
        %dma_start3A_364 = tpu.memref_squeeze %dma_start3A_363 : memref<1x1x1x128xi32, #tpu.memory_space<hbm>> -> memref<128xi32, #tpu.memory_space<hbm>>
        %dma_start3A_365 = arith.constant 0 : i32
        %dma_start3A_366 = tpu.memref_slice %arg3[%add3A, %sub3A_338, %dma_start3A_361, %dma_start3A_365] : memref<32x80x2x128xi32, #tpu.memory_space<hbm>> -> memref<1x1x1x128xi32, #tpu.memory_space<hbm>>
        %dma_start3A_367 = tpu.memref_squeeze %dma_start3A_366 : memref<1x1x1x128xi32, #tpu.memory_space<hbm>> -> memref<128xi32, #tpu.memory_space<hbm>>
        tpu.enqueue_dma source(%dma_start3A_367 : memref<128xi32, #tpu.memory_space<hbm>>) target(%arg8 : memref<128xi32, #tpu.memory_space<vmem>>) target_semaphore(%arg12 : memref<!tpu.dma_semaphore, #tpu.memory_space<semaphore_mem>>)
        %dma_start3A_368 = arith.constant 1 : i32
        %dma_start3A_369 = arith.constant 0 : i32
        %dma_start3A_370 = tpu.memref_slice %arg3[%add3A, %sub3A_338, %dma_start3A_368, %dma_start3A_369] : memref<32x80x2x128xi32, #tpu.memory_space<hbm>> -> memref<1x1x1x128xi32, #tpu.memory_space<hbm>>
        %dma_start3A_371 = tpu.memref_squeeze %dma_start3A_370 : memref<1x1x1x128xi32, #tpu.memory_space<hbm>> -> memref<128xi32, #tpu.memory_space<hbm>>
        %dma_start3A_372 = arith.constant 0 : i32
        %dma_start3A_373 = tpu.memref_slice %arg3[%add3A, %sub3A_338, %dma_start3A_368, %dma_start3A_372] : memref<32x80x2x128xi32, #tpu.memory_space<hbm>> -> memref<1x1x1x128xi32, #tpu.memory_space<hbm>>
        %dma_start3A_374 = tpu.memref_squeeze %dma_start3A_373 : memref<1x1x1x128xi32, #tpu.memory_space<hbm>> -> memref<128xi32, #tpu.memory_space<hbm>>
        tpu.enqueue_dma source(%dma_start3A_374 : memref<128xi32, #tpu.memory_space<hbm>>) target(%arg10 : memref<128xi32, #tpu.memory_space<vmem>>) target_semaphore(%arg12 : memref<!tpu.dma_semaphore, #tpu.memory_space<semaphore_mem>>)
      } else {
      }
      %mul3A_287 = arith.constant 64 : i32
      %mul3A_288 = arith.muli %add3A_277, %mul3A_287 : i32
      %add3A_289 = arith.addi %mul3A_2, %mul3A_288 : i32
      %dma_wait3A_290 = arith.constant 1 : i32
      %dma_wait3A_291 = arith.constant 0 : i32
      %dma_wait3A_292 = arith.constant 0 : i32
      %dma_wait3A_293 = tpu.memref_slice %arg7[%dma_wait3A_291, %dma_wait3A_292] : memref<128x64xf32, #tpu.memory_space<vmem>> -> memref<64x64xf32, #tpu.memory_space<vmem>>
      %dma_wait3A_294 = arith.constant 0 : i32
      %dma_wait3A_295 = arith.constant 0 : i32
      %dma_wait3A_296 = tpu.memref_slice %arg2[%dma_wait3A_290, %dma_wait3A_294, %dma_wait3A_295] : memref<4x163840x64xf32, #tpu.memory_space<hbm>> -> memref<1x163840x64xf32, #tpu.memory_space<hbm>>
      %dma_wait3A_297 = tpu.memref_squeeze %dma_wait3A_296 : memref<1x163840x64xf32, #tpu.memory_space<hbm>> -> memref<163840x64xf32, #tpu.memory_space<hbm>>
      %dma_wait3A_298 = arith.constant 0 : i32
      %dma_wait3A_299 = tpu.memref_slice %dma_wait3A_297[%add3A_289, %dma_wait3A_298] : memref<163840x64xf32, #tpu.memory_space<hbm>> -> memref<64x64xf32, #tpu.memory_space<hbm>>
      %dma_wait3A_300 = arith.constant 0 : i32
      %dma_wait3A_301 = arith.constant 0 : i32
      %dma_wait3A_302 = tpu.memref_slice %arg7[%dma_wait3A_300, %dma_wait3A_301] : memref<128x64xf32, #tpu.memory_space<vmem>> -> memref<64x64xf32, #tpu.memory_space<vmem>>
      %dma_wait3A_303 = arith.constant 0 : i32
      %dma_wait3A_304 = arith.constant 0 : i32
      %dma_wait3A_305 = tpu.memref_slice %arg2[%dma_wait3A_290, %dma_wait3A_303, %dma_wait3A_304] : memref<4x163840x64xf32, #tpu.memory_space<hbm>> -> memref<1x163840x64xf32, #tpu.memory_space<hbm>>
      %dma_wait3A_306 = tpu.memref_squeeze %dma_wait3A_305 : memref<1x163840x64xf32, #tpu.memory_space<hbm>> -> memref<163840x64xf32, #tpu.memory_space<hbm>>
      %dma_wait3A_307 = arith.constant 0 : i32
      %dma_wait3A_308 = tpu.memref_slice %dma_wait3A_306[%add3A_289, %dma_wait3A_307] : memref<163840x64xf32, #tpu.memory_space<hbm>> -> memref<64x64xf32, #tpu.memory_space<hbm>>
      tpu.wait_dma2 semaphore(%arg13 : memref<!tpu.dma_semaphore, #tpu.memory_space<semaphore_mem>>) src(%dma_wait3A_308 : memref<64x64xf32, #tpu.memory_space<hbm>>) dst(%dma_wait3A_302 : memref<64x64xf32, #tpu.memory_space<vmem>>)
      %dma_wait3A_309 = arith.constant 0 : i32
      %dma_wait3A_310 = arith.constant 0 : i32
      %dma_wait3A_311 = tpu.memref_slice %arg3[%add3A, %add3A_277, %dma_wait3A_309, %dma_wait3A_310] : memref<32x80x2x128xi32, #tpu.memory_space<hbm>> -> memref<1x1x1x128xi32, #tpu.memory_space<hbm>>
      %dma_wait3A_312 = tpu.memref_squeeze %dma_wait3A_311 : memref<1x1x1x128xi32, #tpu.memory_space<hbm>> -> memref<128xi32, #tpu.memory_space<hbm>>
      %dma_wait3A_313 = arith.constant 0 : i32
      %dma_wait3A_314 = tpu.memref_slice %arg3[%add3A, %add3A_277, %dma_wait3A_309, %dma_wait3A_313] : memref<32x80x2x128xi32, #tpu.memory_space<hbm>> -> memref<1x1x1x128xi32, #tpu.memory_space<hbm>>
      %dma_wait3A_315 = tpu.memref_squeeze %dma_wait3A_314 : memref<1x1x1x128xi32, #tpu.memory_space<hbm>> -> memref<128xi32, #tpu.memory_space<hbm>>
      tpu.wait_dma2 semaphore(%arg13 : memref<!tpu.dma_semaphore, #tpu.memory_space<semaphore_mem>>) src(%dma_wait3A_315 : memref<128xi32, #tpu.memory_space<hbm>>) dst(%arg9 : memref<128xi32, #tpu.memory_space<vmem>>)
      %dma_wait3A_316 = arith.constant 1 : i32
      %dma_wait3A_317 = arith.constant 0 : i32
      %dma_wait3A_318 = tpu.memref_slice %arg3[%add3A, %add3A_277, %dma_wait3A_316, %dma_wait3A_317] : memref<32x80x2x128xi32, #tpu.memory_space<hbm>> -> memref<1x1x1x128xi32, #tpu.memory_space<hbm>>
      %dma_wait3A_319 = tpu.memref_squeeze %dma_wait3A_318 : memref<1x1x1x128xi32, #tpu.memory_space<hbm>> -> memref<128xi32, #tpu.memory_space<hbm>>
      %dma_wait3A_320 = arith.constant 0 : i32
      %dma_wait3A_321 = tpu.memref_slice %arg3[%add3A, %add3A_277, %dma_wait3A_316, %dma_wait3A_320] : memref<32x80x2x128xi32, #tpu.memory_space<hbm>> -> memref<1x1x1x128xi32, #tpu.memory_space<hbm>>
      %dma_wait3A_322 = tpu.memref_squeeze %dma_wait3A_321 : memref<1x1x1x128xi32, #tpu.memory_space<hbm>> -> memref<128xi32, #tpu.memory_space<hbm>>
      tpu.wait_dma2 semaphore(%arg13 : memref<!tpu.dma_semaphore, #tpu.memory_space<semaphore_mem>>) src(%dma_wait3A_322 : memref<128xi32, #tpu.memory_space<hbm>>) dst(%arg11 : memref<128xi32, #tpu.memory_space<vmem>>)
      %dma_start3A_323 = arith.constant 0 : i32
      %dma_start3A_324 = arith.constant 0 : i32
      %dma_start3A_325 = tpu.memref_slice %arg16[%dma_start3A_323, %dma_start3A_324] : memref<11264x64xf32, #tpu.memory_space<vmem_shared>> -> memref<11264x64xf32, #tpu.memory_space<vmem_shared>>
      tpu.enqueue_indirect_dma source(%arg7 : memref<128x64xf32, #tpu.memory_space<vmem>>) target(%dma_start3A_325 : memref<11264x64xf32, #tpu.memory_space<vmem_shared>>) offsets(%arg9 : memref<128xi32, #tpu.memory_space<vmem>>) semaphore(%arg15 : memref<!tpu.dma_semaphore, #tpu.memory_space<semaphore_mem>>) {add = true}
      %dma_start3A_326 = arith.constant 0 : i32
      %dma_start3A_327 = arith.constant 0 : i32
      %dma_start3A_328 = tpu.memref_slice %arg16[%dma_start3A_326, %dma_start3A_327] : memref<11264x64xf32, #tpu.memory_space<vmem_shared>> -> memref<11264x64xf32, #tpu.memory_space<vmem_shared>>
      tpu.enqueue_indirect_dma source(%arg7 : memref<128x64xf32, #tpu.memory_space<vmem>>) target(%dma_start3A_328 : memref<11264x64xf32, #tpu.memory_space<vmem_shared>>) offsets(%arg11 : memref<128xi32, #tpu.memory_space<vmem>>) semaphore(%arg15 : memref<!tpu.dma_semaphore, #tpu.memory_space<semaphore_mem>>) {add = true}
      %dma_wait3A_329 = arith.constant 0 : i32
      %dma_wait3A_330 = arith.constant 0 : i32
      %dma_wait3A_331 = tpu.memref_slice %arg16[%dma_wait3A_329, %dma_wait3A_330] : memref<11264x64xf32, #tpu.memory_space<vmem_shared>> -> memref<11264x64xf32, #tpu.memory_space<vmem_shared>>
      tpu.wait_indirect_dma semaphore(%arg15 : memref<!tpu.dma_semaphore, #tpu.memory_space<semaphore_mem>>) src(%arg7 : memref<128x64xf32, #tpu.memory_space<vmem>>) dst(%dma_wait3A_331 : memref<11264x64xf32, #tpu.memory_space<vmem_shared>>)
      %dma_wait3A_332 = arith.constant 0 : i32
      %dma_wait3A_333 = arith.constant 0 : i32
      %dma_wait3A_334 = tpu.memref_slice %arg16[%dma_wait3A_332, %dma_wait3A_333] : memref<11264x64xf32, #tpu.memory_space<vmem_shared>> -> memref<11264x64xf32, #tpu.memory_space<vmem_shared>>
      tpu.wait_indirect_dma semaphore(%arg15 : memref<!tpu.dma_semaphore, #tpu.memory_space<semaphore_mem>>) src(%arg7 : memref<128x64xf32, #tpu.memory_space<vmem>>) dst(%dma_wait3A_334 : memref<11264x64xf32, #tpu.memory_space<vmem_shared>>)
    }
    %scan3A_101 = arith.constant 40 : i32
    %barrier3A_102 = arith.constant 0 : index
    tpu.barrier barrier_id(%barrier3A_102)
    %mul3A_103 = arith.constant 704 : i32
    %mul3A_104 = arith.muli %arg1, %mul3A_103 : i32
    %mul3A_105 = arith.constant 704 : i32
    %mul3A_106 = arith.muli %arg1, %mul3A_105 : i32
    %run_scoped3A_107 = arith.constant 1 : i32
    "tpu.region"() ({
      %run_scoped3A_219 = tpu.sem_alloc : memref<!tpu.dma_semaphore, #tpu.memory_space<semaphore_mem>>
      %dma_start3A_220 = arith.constant 0 : i32
      %dma_start3A_221 = arith.constant 0 : i32
      %dma_start3A_222 = tpu.memref_slice %arg5[%run_scoped3A_107, %arg0, %dma_start3A_220, %dma_start3A_221] : memref<4x2x11264x64xf32, #tpu.memory_space<hbm>> -> memref<1x1x11264x64xf32, #tpu.memory_space<hbm>>
      %dma_start3A_223 = tpu.memref_squeeze %dma_start3A_222 : memref<1x1x11264x64xf32, #tpu.memory_space<hbm>> -> memref<11264x64xf32, #tpu.memory_space<hbm>>
      %dma_start3A_224 = arith.constant 0 : i32
      %dma_start3A_225 = tpu.memref_slice %dma_start3A_223[%mul3A_106, %dma_start3A_224] : memref<11264x64xf32, #tpu.memory_space<hbm>> -> memref<704x64xf32, #tpu.memory_space<hbm>>
      %dma_start3A_226 = arith.constant 0 : i32
      %dma_start3A_227 = tpu.memref_slice %arg16[%mul3A_104, %dma_start3A_226] : memref<11264x64xf32, #tpu.memory_space<vmem_shared>> -> memref<704x64xf32, #tpu.memory_space<vmem_shared>>
      tpu.enqueue_dma source(%dma_start3A_227 : memref<704x64xf32, #tpu.memory_space<vmem_shared>>) target(%dma_start3A_225 : memref<704x64xf32, #tpu.memory_space<hbm>>) target_semaphore(%run_scoped3A_219 : memref<!tpu.dma_semaphore, #tpu.memory_space<semaphore_mem>>)
      %dma_wait3A = arith.constant 0 : i32
      %dma_wait3A_228 = arith.constant 0 : i32
      %dma_wait3A_229 = tpu.memref_slice %arg5[%run_scoped3A_107, %arg0, %dma_wait3A, %dma_wait3A_228] : memref<4x2x11264x64xf32, #tpu.memory_space<hbm>> -> memref<1x1x11264x64xf32, #tpu.memory_space<hbm>>
      %dma_wait3A_230 = tpu.memref_squeeze %dma_wait3A_229 : memref<1x1x11264x64xf32, #tpu.memory_space<hbm>> -> memref<11264x64xf32, #tpu.memory_space<hbm>>
      %dma_wait3A_231 = arith.constant 0 : i32
      %dma_wait3A_232 = tpu.memref_slice %dma_wait3A_230[%mul3A_106, %dma_wait3A_231] : memref<11264x64xf32, #tpu.memory_space<hbm>> -> memref<704x64xf32, #tpu.memory_space<hbm>>
      %dma_wait3A_233 = arith.constant 0 : i32
      %dma_wait3A_234 = tpu.memref_slice %arg16[%mul3A_104, %dma_wait3A_233] : memref<11264x64xf32, #tpu.memory_space<vmem_shared>> -> memref<704x64xf32, #tpu.memory_space<vmem_shared>>
      tpu.wait_dma2 semaphore(%run_scoped3A_219 : memref<!tpu.dma_semaphore, #tpu.memory_space<semaphore_mem>>) src(%dma_wait3A_234 : memref<704x64xf32, #tpu.memory_space<vmem_shared>>) dst(%dma_wait3A_232 : memref<704x64xf32, #tpu.memory_space<hbm>>)
      tpu.yield
    }) : () -> ()
    %barrier3A_108 = arith.constant 0 : index
    tpu.barrier barrier_id(%barrier3A_108)
    %mul3A_109 = arith.constant 704 : i32
    %mul3A_110 = arith.muli %arg1, %mul3A_109 : i32
    %mul3A_111 = arith.constant 704 : i32
    %mul3A_112 = arith.muli %arg1, %mul3A_111 : i32
    "tpu.region"() ({
      %run_scoped3A_219 = tpu.sem_alloc : memref<!tpu.dma_semaphore, #tpu.memory_space<semaphore_mem>>
      %dma_start3A_220 = arith.constant 0 : i32
      %dma_start3A_221 = tpu.memref_slice %arg16[%mul3A_112, %dma_start3A_220] : memref<11264x64xf32, #tpu.memory_space<vmem_shared>> -> memref<704x64xf32, #tpu.memory_space<vmem_shared>>
      %dma_start3A_222 = arith.constant 0 : i32
      %dma_start3A_223 = tpu.memref_slice %arg4[%mul3A_110, %dma_start3A_222] : memref<11264x64xf32, #tpu.memory_space<hbm>> -> memref<704x64xf32, #tpu.memory_space<hbm>>
      tpu.enqueue_dma source(%dma_start3A_223 : memref<704x64xf32, #tpu.memory_space<hbm>>) target(%dma_start3A_221 : memref<704x64xf32, #tpu.memory_space<vmem_shared>>) target_semaphore(%run_scoped3A_219 : memref<!tpu.dma_semaphore, #tpu.memory_space<semaphore_mem>>)
      %dma_wait3A = arith.constant 0 : i32
      %dma_wait3A_224 = tpu.memref_slice %arg16[%mul3A_112, %dma_wait3A] : memref<11264x64xf32, #tpu.memory_space<vmem_shared>> -> memref<704x64xf32, #tpu.memory_space<vmem_shared>>
      %dma_wait3A_225 = arith.constant 0 : i32
      %dma_wait3A_226 = tpu.memref_slice %arg4[%mul3A_110, %dma_wait3A_225] : memref<11264x64xf32, #tpu.memory_space<hbm>> -> memref<704x64xf32, #tpu.memory_space<hbm>>
      tpu.wait_dma2 semaphore(%run_scoped3A_219 : memref<!tpu.dma_semaphore, #tpu.memory_space<semaphore_mem>>) src(%dma_wait3A_226 : memref<704x64xf32, #tpu.memory_space<hbm>>) dst(%dma_wait3A_224 : memref<704x64xf32, #tpu.memory_space<vmem_shared>>)
      tpu.yield
    }) : () -> ()
    %barrier3A_113 = arith.constant 0 : index
    tpu.barrier barrier_id(%barrier3A_113)
    %add3A_114 = arith.constant 0 : i32
    %add3A_115 = arith.addi %mul3A_2, %add3A_114 : i32
    %dma_start3A_116 = arith.constant 2 : i32
    %dma_start3A_117 = arith.constant 0 : i32
    %dma_start3A_118 = arith.constant 0 : i32
    %dma_start3A_119 = tpu.memref_slice %arg6[%dma_start3A_117, %dma_start3A_118] : memref<128x64xf32, #tpu.memory_space<vmem>> -> memref<64x64xf32, #tpu.memory_space<vmem>>
    %dma_start3A_120 = arith.constant 0 : i32
    %dma_start3A_121 = arith.constant 0 : i32
    %dma_start3A_122 = tpu.memref_slice %arg2[%dma_start3A_116, %dma_start3A_120, %dma_start3A_121] : memref<4x163840x64xf32, #tpu.memory_space<hbm>> -> memref<1x163840x64xf32, #tpu.memory_space<hbm>>
    %dma_start3A_123 = tpu.memref_squeeze %dma_start3A_122 : memref<1x163840x64xf32, #tpu.memory_space<hbm>> -> memref<163840x64xf32, #tpu.memory_space<hbm>>
    %dma_start3A_124 = arith.constant 0 : i32
    %dma_start3A_125 = tpu.memref_slice %dma_start3A_123[%add3A_115, %dma_start3A_124] : memref<163840x64xf32, #tpu.memory_space<hbm>> -> memref<64x64xf32, #tpu.memory_space<hbm>>
    %dma_start3A_126 = arith.constant 0 : i32
    %dma_start3A_127 = arith.constant 0 : i32
    %dma_start3A_128 = tpu.memref_slice %arg6[%dma_start3A_126, %dma_start3A_127] : memref<128x64xf32, #tpu.memory_space<vmem>> -> memref<64x64xf32, #tpu.memory_space<vmem>>
    %dma_start3A_129 = arith.constant 0 : i32
    %dma_start3A_130 = arith.constant 0 : i32
    %dma_start3A_131 = tpu.memref_slice %arg2[%dma_start3A_116, %dma_start3A_129, %dma_start3A_130] : memref<4x163840x64xf32, #tpu.memory_space<hbm>> -> memref<1x163840x64xf32, #tpu.memory_space<hbm>>
    %dma_start3A_132 = tpu.memref_squeeze %dma_start3A_131 : memref<1x163840x64xf32, #tpu.memory_space<hbm>> -> memref<163840x64xf32, #tpu.memory_space<hbm>>
    %dma_start3A_133 = arith.constant 0 : i32
    %dma_start3A_134 = tpu.memref_slice %dma_start3A_132[%add3A_115, %dma_start3A_133] : memref<163840x64xf32, #tpu.memory_space<hbm>> -> memref<64x64xf32, #tpu.memory_space<hbm>>
    tpu.enqueue_dma source(%dma_start3A_134 : memref<64x64xf32, #tpu.memory_space<hbm>>) target(%dma_start3A_128 : memref<64x64xf32, #tpu.memory_space<vmem>>) target_semaphore(%arg12 : memref<!tpu.dma_semaphore, #tpu.memory_space<semaphore_mem>>)
    %dma_start3A_135 = arith.constant 0 : i32
    %dma_start3A_136 = arith.constant 0 : i32
    %dma_start3A_137 = arith.constant 0 : i32
    %dma_start3A_138 = tpu.memref_slice %arg3[%add3A, %dma_start3A_135, %dma_start3A_136, %dma_start3A_137] : memref<32x80x2x128xi32, #tpu.memory_space<hbm>> -> memref<1x1x1x128xi32, #tpu.memory_space<hbm>>
    %dma_start3A_139 = tpu.memref_squeeze %dma_start3A_138 : memref<1x1x1x128xi32, #tpu.memory_space<hbm>> -> memref<128xi32, #tpu.memory_space<hbm>>
    %dma_start3A_140 = arith.constant 0 : i32
    %dma_start3A_141 = tpu.memref_slice %arg3[%add3A, %dma_start3A_135, %dma_start3A_136, %dma_start3A_140] : memref<32x80x2x128xi32, #tpu.memory_space<hbm>> -> memref<1x1x1x128xi32, #tpu.memory_space<hbm>>
    %dma_start3A_142 = tpu.memref_squeeze %dma_start3A_141 : memref<1x1x1x128xi32, #tpu.memory_space<hbm>> -> memref<128xi32, #tpu.memory_space<hbm>>
    tpu.enqueue_dma source(%dma_start3A_142 : memref<128xi32, #tpu.memory_space<hbm>>) target(%arg8 : memref<128xi32, #tpu.memory_space<vmem>>) target_semaphore(%arg12 : memref<!tpu.dma_semaphore, #tpu.memory_space<semaphore_mem>>)
    %dma_start3A_143 = arith.constant 0 : i32
    %dma_start3A_144 = arith.constant 1 : i32
    %dma_start3A_145 = arith.constant 0 : i32
    %dma_start3A_146 = tpu.memref_slice %arg3[%add3A, %dma_start3A_143, %dma_start3A_144, %dma_start3A_145] : memref<32x80x2x128xi32, #tpu.memory_space<hbm>> -> memref<1x1x1x128xi32, #tpu.memory_space<hbm>>
    %dma_start3A_147 = tpu.memref_squeeze %dma_start3A_146 : memref<1x1x1x128xi32, #tpu.memory_space<hbm>> -> memref<128xi32, #tpu.memory_space<hbm>>
    %dma_start3A_148 = arith.constant 0 : i32
    %dma_start3A_149 = tpu.memref_slice %arg3[%add3A, %dma_start3A_143, %dma_start3A_144, %dma_start3A_148] : memref<32x80x2x128xi32, #tpu.memory_space<hbm>> -> memref<1x1x1x128xi32, #tpu.memory_space<hbm>>
    %dma_start3A_150 = tpu.memref_squeeze %dma_start3A_149 : memref<1x1x1x128xi32, #tpu.memory_space<hbm>> -> memref<128xi32, #tpu.memory_space<hbm>>
    tpu.enqueue_dma source(%dma_start3A_150 : memref<128xi32, #tpu.memory_space<hbm>>) target(%arg10 : memref<128xi32, #tpu.memory_space<vmem>>) target_semaphore(%arg12 : memref<!tpu.dma_semaphore, #tpu.memory_space<semaphore_mem>>)
    %scan3A_151 = arith.constant 0 : i32
    %scan3A_152 = arith.constant 0 : i32
    %scan3A_153 = arith.constant 40 : i32
    %scan3A_154 = arith.addi %scan3A_152, %scan3A_153 : i32
    %scan3A_155 = arith.constant 1 : i32
    scf.for %scan3A_219 = %scan3A_152 to %scan3A_154 step %scan3A_155  : i32 {
      %mul3A_220 = arith.constant 2 : i32
      %mul3A_221 = arith.muli %scan3A_219, %mul3A_220 : i32
      %add3A_222 = arith.constant 0 : i32
      %add3A_223 = arith.addi %mul3A_221, %add3A_222 : i32
      %add3A_224 = arith.constant 2 : i32
      %add3A_225 = arith.addi %add3A_223, %add3A_224 : i32
      %sub3A = arith.constant 1 : i32
      %sub3A_226 = arith.subi %add3A_225, %sub3A : i32
      %lt3A = arith.constant 80 : i32
      %lt3A_227 = arith.cmpi slt, %sub3A_226, %lt3A : i32
      %convert_element_type3A = arith.extui %lt3A_227 : i1 to i32
      %cond3A = arith.constant 0 : i32
      %cond3A_228 = arith.cmpi ne, %convert_element_type3A, %cond3A : i32
      scf.if %cond3A_228 {
        %add3A_335 = arith.constant 2 : i32
        %add3A_336 = arith.addi %add3A_223, %add3A_335 : i32
        %sub3A_337 = arith.constant 1 : i32
        %sub3A_338 = arith.subi %add3A_336, %sub3A_337 : i32
        %mul3A_339 = arith.constant 64 : i32
        %mul3A_340 = arith.muli %sub3A_338, %mul3A_339 : i32
        %add3A_341 = arith.addi %mul3A_2, %mul3A_340 : i32
        %dma_start3A_342 = arith.constant 2 : i32
        %dma_start3A_343 = arith.constant 0 : i32
        %dma_start3A_344 = arith.constant 0 : i32
        %dma_start3A_345 = tpu.memref_slice %arg7[%dma_start3A_343, %dma_start3A_344] : memref<128x64xf32, #tpu.memory_space<vmem>> -> memref<64x64xf32, #tpu.memory_space<vmem>>
        %dma_start3A_346 = arith.constant 0 : i32
        %dma_start3A_347 = arith.constant 0 : i32
        %dma_start3A_348 = tpu.memref_slice %arg2[%dma_start3A_342, %dma_start3A_346, %dma_start3A_347] : memref<4x163840x64xf32, #tpu.memory_space<hbm>> -> memref<1x163840x64xf32, #tpu.memory_space<hbm>>
        %dma_start3A_349 = tpu.memref_squeeze %dma_start3A_348 : memref<1x163840x64xf32, #tpu.memory_space<hbm>> -> memref<163840x64xf32, #tpu.memory_space<hbm>>
        %dma_start3A_350 = arith.constant 0 : i32
        %dma_start3A_351 = tpu.memref_slice %dma_start3A_349[%add3A_341, %dma_start3A_350] : memref<163840x64xf32, #tpu.memory_space<hbm>> -> memref<64x64xf32, #tpu.memory_space<hbm>>
        %dma_start3A_352 = arith.constant 0 : i32
        %dma_start3A_353 = arith.constant 0 : i32
        %dma_start3A_354 = tpu.memref_slice %arg7[%dma_start3A_352, %dma_start3A_353] : memref<128x64xf32, #tpu.memory_space<vmem>> -> memref<64x64xf32, #tpu.memory_space<vmem>>
        %dma_start3A_355 = arith.constant 0 : i32
        %dma_start3A_356 = arith.constant 0 : i32
        %dma_start3A_357 = tpu.memref_slice %arg2[%dma_start3A_342, %dma_start3A_355, %dma_start3A_356] : memref<4x163840x64xf32, #tpu.memory_space<hbm>> -> memref<1x163840x64xf32, #tpu.memory_space<hbm>>
        %dma_start3A_358 = tpu.memref_squeeze %dma_start3A_357 : memref<1x163840x64xf32, #tpu.memory_space<hbm>> -> memref<163840x64xf32, #tpu.memory_space<hbm>>
        %dma_start3A_359 = arith.constant 0 : i32
        %dma_start3A_360 = tpu.memref_slice %dma_start3A_358[%add3A_341, %dma_start3A_359] : memref<163840x64xf32, #tpu.memory_space<hbm>> -> memref<64x64xf32, #tpu.memory_space<hbm>>
        tpu.enqueue_dma source(%dma_start3A_360 : memref<64x64xf32, #tpu.memory_space<hbm>>) target(%dma_start3A_354 : memref<64x64xf32, #tpu.memory_space<vmem>>) target_semaphore(%arg13 : memref<!tpu.dma_semaphore, #tpu.memory_space<semaphore_mem>>)
        %dma_start3A_361 = arith.constant 0 : i32
        %dma_start3A_362 = arith.constant 0 : i32
        %dma_start3A_363 = tpu.memref_slice %arg3[%add3A, %sub3A_338, %dma_start3A_361, %dma_start3A_362] : memref<32x80x2x128xi32, #tpu.memory_space<hbm>> -> memref<1x1x1x128xi32, #tpu.memory_space<hbm>>
        %dma_start3A_364 = tpu.memref_squeeze %dma_start3A_363 : memref<1x1x1x128xi32, #tpu.memory_space<hbm>> -> memref<128xi32, #tpu.memory_space<hbm>>
        %dma_start3A_365 = arith.constant 0 : i32
        %dma_start3A_366 = tpu.memref_slice %arg3[%add3A, %sub3A_338, %dma_start3A_361, %dma_start3A_365] : memref<32x80x2x128xi32, #tpu.memory_space<hbm>> -> memref<1x1x1x128xi32, #tpu.memory_space<hbm>>
        %dma_start3A_367 = tpu.memref_squeeze %dma_start3A_366 : memref<1x1x1x128xi32, #tpu.memory_space<hbm>> -> memref<128xi32, #tpu.memory_space<hbm>>
        tpu.enqueue_dma source(%dma_start3A_367 : memref<128xi32, #tpu.memory_space<hbm>>) target(%arg9 : memref<128xi32, #tpu.memory_space<vmem>>) target_semaphore(%arg13 : memref<!tpu.dma_semaphore, #tpu.memory_space<semaphore_mem>>)
        %dma_start3A_368 = arith.constant 1 : i32
        %dma_start3A_369 = arith.constant 0 : i32
        %dma_start3A_370 = tpu.memref_slice %arg3[%add3A, %sub3A_338, %dma_start3A_368, %dma_start3A_369] : memref<32x80x2x128xi32, #tpu.memory_space<hbm>> -> memref<1x1x1x128xi32, #tpu.memory_space<hbm>>
        %dma_start3A_371 = tpu.memref_squeeze %dma_start3A_370 : memref<1x1x1x128xi32, #tpu.memory_space<hbm>> -> memref<128xi32, #tpu.memory_space<hbm>>
        %dma_start3A_372 = arith.constant 0 : i32
        %dma_start3A_373 = tpu.memref_slice %arg3[%add3A, %sub3A_338, %dma_start3A_368, %dma_start3A_372] : memref<32x80x2x128xi32, #tpu.memory_space<hbm>> -> memref<1x1x1x128xi32, #tpu.memory_space<hbm>>
        %dma_start3A_374 = tpu.memref_squeeze %dma_start3A_373 : memref<1x1x1x128xi32, #tpu.memory_space<hbm>> -> memref<128xi32, #tpu.memory_space<hbm>>
        tpu.enqueue_dma source(%dma_start3A_374 : memref<128xi32, #tpu.memory_space<hbm>>) target(%arg11 : memref<128xi32, #tpu.memory_space<vmem>>) target_semaphore(%arg13 : memref<!tpu.dma_semaphore, #tpu.memory_space<semaphore_mem>>)
      } else {
      }
      %mul3A_229 = arith.constant 64 : i32
      %mul3A_230 = arith.muli %add3A_223, %mul3A_229 : i32
      %add3A_231 = arith.addi %mul3A_2, %mul3A_230 : i32
      %dma_wait3A = arith.constant 2 : i32
      %dma_wait3A_232 = arith.constant 0 : i32
      %dma_wait3A_233 = arith.constant 0 : i32
      %dma_wait3A_234 = tpu.memref_slice %arg6[%dma_wait3A_232, %dma_wait3A_233] : memref<128x64xf32, #tpu.memory_space<vmem>> -> memref<64x64xf32, #tpu.memory_space<vmem>>
      %dma_wait3A_235 = arith.constant 0 : i32
      %dma_wait3A_236 = arith.constant 0 : i32
      %dma_wait3A_237 = tpu.memref_slice %arg2[%dma_wait3A, %dma_wait3A_235, %dma_wait3A_236] : memref<4x163840x64xf32, #tpu.memory_space<hbm>> -> memref<1x163840x64xf32, #tpu.memory_space<hbm>>
      %dma_wait3A_238 = tpu.memref_squeeze %dma_wait3A_237 : memref<1x163840x64xf32, #tpu.memory_space<hbm>> -> memref<163840x64xf32, #tpu.memory_space<hbm>>
      %dma_wait3A_239 = arith.constant 0 : i32
      %dma_wait3A_240 = tpu.memref_slice %dma_wait3A_238[%add3A_231, %dma_wait3A_239] : memref<163840x64xf32, #tpu.memory_space<hbm>> -> memref<64x64xf32, #tpu.memory_space<hbm>>
      %dma_wait3A_241 = arith.constant 0 : i32
      %dma_wait3A_242 = arith.constant 0 : i32
      %dma_wait3A_243 = tpu.memref_slice %arg6[%dma_wait3A_241, %dma_wait3A_242] : memref<128x64xf32, #tpu.memory_space<vmem>> -> memref<64x64xf32, #tpu.memory_space<vmem>>
      %dma_wait3A_244 = arith.constant 0 : i32
      %dma_wait3A_245 = arith.constant 0 : i32
      %dma_wait3A_246 = tpu.memref_slice %arg2[%dma_wait3A, %dma_wait3A_244, %dma_wait3A_245] : memref<4x163840x64xf32, #tpu.memory_space<hbm>> -> memref<1x163840x64xf32, #tpu.memory_space<hbm>>
      %dma_wait3A_247 = tpu.memref_squeeze %dma_wait3A_246 : memref<1x163840x64xf32, #tpu.memory_space<hbm>> -> memref<163840x64xf32, #tpu.memory_space<hbm>>
      %dma_wait3A_248 = arith.constant 0 : i32
      %dma_wait3A_249 = tpu.memref_slice %dma_wait3A_247[%add3A_231, %dma_wait3A_248] : memref<163840x64xf32, #tpu.memory_space<hbm>> -> memref<64x64xf32, #tpu.memory_space<hbm>>
      tpu.wait_dma2 semaphore(%arg12 : memref<!tpu.dma_semaphore, #tpu.memory_space<semaphore_mem>>) src(%dma_wait3A_249 : memref<64x64xf32, #tpu.memory_space<hbm>>) dst(%dma_wait3A_243 : memref<64x64xf32, #tpu.memory_space<vmem>>)
      %dma_wait3A_250 = arith.constant 0 : i32
      %dma_wait3A_251 = arith.constant 0 : i32
      %dma_wait3A_252 = tpu.memref_slice %arg3[%add3A, %add3A_223, %dma_wait3A_250, %dma_wait3A_251] : memref<32x80x2x128xi32, #tpu.memory_space<hbm>> -> memref<1x1x1x128xi32, #tpu.memory_space<hbm>>
      %dma_wait3A_253 = tpu.memref_squeeze %dma_wait3A_252 : memref<1x1x1x128xi32, #tpu.memory_space<hbm>> -> memref<128xi32, #tpu.memory_space<hbm>>
      %dma_wait3A_254 = arith.constant 0 : i32
      %dma_wait3A_255 = tpu.memref_slice %arg3[%add3A, %add3A_223, %dma_wait3A_250, %dma_wait3A_254] : memref<32x80x2x128xi32, #tpu.memory_space<hbm>> -> memref<1x1x1x128xi32, #tpu.memory_space<hbm>>
      %dma_wait3A_256 = tpu.memref_squeeze %dma_wait3A_255 : memref<1x1x1x128xi32, #tpu.memory_space<hbm>> -> memref<128xi32, #tpu.memory_space<hbm>>
      tpu.wait_dma2 semaphore(%arg12 : memref<!tpu.dma_semaphore, #tpu.memory_space<semaphore_mem>>) src(%dma_wait3A_256 : memref<128xi32, #tpu.memory_space<hbm>>) dst(%arg8 : memref<128xi32, #tpu.memory_space<vmem>>)
      %dma_wait3A_257 = arith.constant 1 : i32
      %dma_wait3A_258 = arith.constant 0 : i32
      %dma_wait3A_259 = tpu.memref_slice %arg3[%add3A, %add3A_223, %dma_wait3A_257, %dma_wait3A_258] : memref<32x80x2x128xi32, #tpu.memory_space<hbm>> -> memref<1x1x1x128xi32, #tpu.memory_space<hbm>>
      %dma_wait3A_260 = tpu.memref_squeeze %dma_wait3A_259 : memref<1x1x1x128xi32, #tpu.memory_space<hbm>> -> memref<128xi32, #tpu.memory_space<hbm>>
      %dma_wait3A_261 = arith.constant 0 : i32
      %dma_wait3A_262 = tpu.memref_slice %arg3[%add3A, %add3A_223, %dma_wait3A_257, %dma_wait3A_261] : memref<32x80x2x128xi32, #tpu.memory_space<hbm>> -> memref<1x1x1x128xi32, #tpu.memory_space<hbm>>
      %dma_wait3A_263 = tpu.memref_squeeze %dma_wait3A_262 : memref<1x1x1x128xi32, #tpu.memory_space<hbm>> -> memref<128xi32, #tpu.memory_space<hbm>>
      tpu.wait_dma2 semaphore(%arg12 : memref<!tpu.dma_semaphore, #tpu.memory_space<semaphore_mem>>) src(%dma_wait3A_263 : memref<128xi32, #tpu.memory_space<hbm>>) dst(%arg10 : memref<128xi32, #tpu.memory_space<vmem>>)
      %dma_start3A_264 = arith.constant 0 : i32
      %dma_start3A_265 = arith.constant 0 : i32
      %dma_start3A_266 = tpu.memref_slice %arg16[%dma_start3A_264, %dma_start3A_265] : memref<11264x64xf32, #tpu.memory_space<vmem_shared>> -> memref<11264x64xf32, #tpu.memory_space<vmem_shared>>
      tpu.enqueue_indirect_dma source(%arg6 : memref<128x64xf32, #tpu.memory_space<vmem>>) target(%dma_start3A_266 : memref<11264x64xf32, #tpu.memory_space<vmem_shared>>) offsets(%arg8 : memref<128xi32, #tpu.memory_space<vmem>>) semaphore(%arg14 : memref<!tpu.dma_semaphore, #tpu.memory_space<semaphore_mem>>) {add = true}
      %dma_start3A_267 = arith.constant 0 : i32
      %dma_start3A_268 = arith.constant 0 : i32
      %dma_start3A_269 = tpu.memref_slice %arg16[%dma_start3A_267, %dma_start3A_268] : memref<11264x64xf32, #tpu.memory_space<vmem_shared>> -> memref<11264x64xf32, #tpu.memory_space<vmem_shared>>
      tpu.enqueue_indirect_dma source(%arg6 : memref<128x64xf32, #tpu.memory_space<vmem>>) target(%dma_start3A_269 : memref<11264x64xf32, #tpu.memory_space<vmem_shared>>) offsets(%arg10 : memref<128xi32, #tpu.memory_space<vmem>>) semaphore(%arg14 : memref<!tpu.dma_semaphore, #tpu.memory_space<semaphore_mem>>) {add = true}
      %dma_wait3A_270 = arith.constant 0 : i32
      %dma_wait3A_271 = arith.constant 0 : i32
      %dma_wait3A_272 = tpu.memref_slice %arg16[%dma_wait3A_270, %dma_wait3A_271] : memref<11264x64xf32, #tpu.memory_space<vmem_shared>> -> memref<11264x64xf32, #tpu.memory_space<vmem_shared>>
      tpu.wait_indirect_dma semaphore(%arg14 : memref<!tpu.dma_semaphore, #tpu.memory_space<semaphore_mem>>) src(%arg6 : memref<128x64xf32, #tpu.memory_space<vmem>>) dst(%dma_wait3A_272 : memref<11264x64xf32, #tpu.memory_space<vmem_shared>>)
      %dma_wait3A_273 = arith.constant 0 : i32
      %dma_wait3A_274 = arith.constant 0 : i32
      %dma_wait3A_275 = tpu.memref_slice %arg16[%dma_wait3A_273, %dma_wait3A_274] : memref<11264x64xf32, #tpu.memory_space<vmem_shared>> -> memref<11264x64xf32, #tpu.memory_space<vmem_shared>>
      tpu.wait_indirect_dma semaphore(%arg14 : memref<!tpu.dma_semaphore, #tpu.memory_space<semaphore_mem>>) src(%arg6 : memref<128x64xf32, #tpu.memory_space<vmem>>) dst(%dma_wait3A_275 : memref<11264x64xf32, #tpu.memory_space<vmem_shared>>)
      %add3A_276 = arith.constant 1 : i32
      %add3A_277 = arith.addi %mul3A_221, %add3A_276 : i32
      %add3A_278 = arith.constant 2 : i32
      %add3A_279 = arith.addi %add3A_277, %add3A_278 : i32
      %sub3A_280 = arith.constant 1 : i32
      %sub3A_281 = arith.subi %add3A_279, %sub3A_280 : i32
      %lt3A_282 = arith.constant 80 : i32
      %lt3A_283 = arith.cmpi slt, %sub3A_281, %lt3A_282 : i32
      %convert_element_type3A_284 = arith.extui %lt3A_283 : i1 to i32
      %cond3A_285 = arith.constant 0 : i32
      %cond3A_286 = arith.cmpi ne, %convert_element_type3A_284, %cond3A_285 : i32
      scf.if %cond3A_286 {
        %add3A_335 = arith.constant 2 : i32
        %add3A_336 = arith.addi %add3A_277, %add3A_335 : i32
        %sub3A_337 = arith.constant 1 : i32
        %sub3A_338 = arith.subi %add3A_336, %sub3A_337 : i32
        %mul3A_339 = arith.constant 64 : i32
        %mul3A_340 = arith.muli %sub3A_338, %mul3A_339 : i32
        %add3A_341 = arith.addi %mul3A_2, %mul3A_340 : i32
        %dma_start3A_342 = arith.constant 2 : i32
        %dma_start3A_343 = arith.constant 0 : i32
        %dma_start3A_344 = arith.constant 0 : i32
        %dma_start3A_345 = tpu.memref_slice %arg6[%dma_start3A_343, %dma_start3A_344] : memref<128x64xf32, #tpu.memory_space<vmem>> -> memref<64x64xf32, #tpu.memory_space<vmem>>
        %dma_start3A_346 = arith.constant 0 : i32
        %dma_start3A_347 = arith.constant 0 : i32
        %dma_start3A_348 = tpu.memref_slice %arg2[%dma_start3A_342, %dma_start3A_346, %dma_start3A_347] : memref<4x163840x64xf32, #tpu.memory_space<hbm>> -> memref<1x163840x64xf32, #tpu.memory_space<hbm>>
        %dma_start3A_349 = tpu.memref_squeeze %dma_start3A_348 : memref<1x163840x64xf32, #tpu.memory_space<hbm>> -> memref<163840x64xf32, #tpu.memory_space<hbm>>
        %dma_start3A_350 = arith.constant 0 : i32
        %dma_start3A_351 = tpu.memref_slice %dma_start3A_349[%add3A_341, %dma_start3A_350] : memref<163840x64xf32, #tpu.memory_space<hbm>> -> memref<64x64xf32, #tpu.memory_space<hbm>>
        %dma_start3A_352 = arith.constant 0 : i32
        %dma_start3A_353 = arith.constant 0 : i32
        %dma_start3A_354 = tpu.memref_slice %arg6[%dma_start3A_352, %dma_start3A_353] : memref<128x64xf32, #tpu.memory_space<vmem>> -> memref<64x64xf32, #tpu.memory_space<vmem>>
        %dma_start3A_355 = arith.constant 0 : i32
        %dma_start3A_356 = arith.constant 0 : i32
        %dma_start3A_357 = tpu.memref_slice %arg2[%dma_start3A_342, %dma_start3A_355, %dma_start3A_356] : memref<4x163840x64xf32, #tpu.memory_space<hbm>> -> memref<1x163840x64xf32, #tpu.memory_space<hbm>>
        %dma_start3A_358 = tpu.memref_squeeze %dma_start3A_357 : memref<1x163840x64xf32, #tpu.memory_space<hbm>> -> memref<163840x64xf32, #tpu.memory_space<hbm>>
        %dma_start3A_359 = arith.constant 0 : i32
        %dma_start3A_360 = tpu.memref_slice %dma_start3A_358[%add3A_341, %dma_start3A_359] : memref<163840x64xf32, #tpu.memory_space<hbm>> -> memref<64x64xf32, #tpu.memory_space<hbm>>
        tpu.enqueue_dma source(%dma_start3A_360 : memref<64x64xf32, #tpu.memory_space<hbm>>) target(%dma_start3A_354 : memref<64x64xf32, #tpu.memory_space<vmem>>) target_semaphore(%arg12 : memref<!tpu.dma_semaphore, #tpu.memory_space<semaphore_mem>>)
        %dma_start3A_361 = arith.constant 0 : i32
        %dma_start3A_362 = arith.constant 0 : i32
        %dma_start3A_363 = tpu.memref_slice %arg3[%add3A, %sub3A_338, %dma_start3A_361, %dma_start3A_362] : memref<32x80x2x128xi32, #tpu.memory_space<hbm>> -> memref<1x1x1x128xi32, #tpu.memory_space<hbm>>
        %dma_start3A_364 = tpu.memref_squeeze %dma_start3A_363 : memref<1x1x1x128xi32, #tpu.memory_space<hbm>> -> memref<128xi32, #tpu.memory_space<hbm>>
        %dma_start3A_365 = arith.constant 0 : i32
        %dma_start3A_366 = tpu.memref_slice %arg3[%add3A, %sub3A_338, %dma_start3A_361, %dma_start3A_365] : memref<32x80x2x128xi32, #tpu.memory_space<hbm>> -> memref<1x1x1x128xi32, #tpu.memory_space<hbm>>
        %dma_start3A_367 = tpu.memref_squeeze %dma_start3A_366 : memref<1x1x1x128xi32, #tpu.memory_space<hbm>> -> memref<128xi32, #tpu.memory_space<hbm>>
        tpu.enqueue_dma source(%dma_start3A_367 : memref<128xi32, #tpu.memory_space<hbm>>) target(%arg8 : memref<128xi32, #tpu.memory_space<vmem>>) target_semaphore(%arg12 : memref<!tpu.dma_semaphore, #tpu.memory_space<semaphore_mem>>)
        %dma_start3A_368 = arith.constant 1 : i32
        %dma_start3A_369 = arith.constant 0 : i32
        %dma_start3A_370 = tpu.memref_slice %arg3[%add3A, %sub3A_338, %dma_start3A_368, %dma_start3A_369] : memref<32x80x2x128xi32, #tpu.memory_space<hbm>> -> memref<1x1x1x128xi32, #tpu.memory_space<hbm>>
        %dma_start3A_371 = tpu.memref_squeeze %dma_start3A_370 : memref<1x1x1x128xi32, #tpu.memory_space<hbm>> -> memref<128xi32, #tpu.memory_space<hbm>>
        %dma_start3A_372 = arith.constant 0 : i32
        %dma_start3A_373 = tpu.memref_slice %arg3[%add3A, %sub3A_338, %dma_start3A_368, %dma_start3A_372] : memref<32x80x2x128xi32, #tpu.memory_space<hbm>> -> memref<1x1x1x128xi32, #tpu.memory_space<hbm>>
        %dma_start3A_374 = tpu.memref_squeeze %dma_start3A_373 : memref<1x1x1x128xi32, #tpu.memory_space<hbm>> -> memref<128xi32, #tpu.memory_space<hbm>>
        tpu.enqueue_dma source(%dma_start3A_374 : memref<128xi32, #tpu.memory_space<hbm>>) target(%arg10 : memref<128xi32, #tpu.memory_space<vmem>>) target_semaphore(%arg12 : memref<!tpu.dma_semaphore, #tpu.memory_space<semaphore_mem>>)
      } else {
      }
      %mul3A_287 = arith.constant 64 : i32
      %mul3A_288 = arith.muli %add3A_277, %mul3A_287 : i32
      %add3A_289 = arith.addi %mul3A_2, %mul3A_288 : i32
      %dma_wait3A_290 = arith.constant 2 : i32
      %dma_wait3A_291 = arith.constant 0 : i32
      %dma_wait3A_292 = arith.constant 0 : i32
      %dma_wait3A_293 = tpu.memref_slice %arg7[%dma_wait3A_291, %dma_wait3A_292] : memref<128x64xf32, #tpu.memory_space<vmem>> -> memref<64x64xf32, #tpu.memory_space<vmem>>
      %dma_wait3A_294 = arith.constant 0 : i32
      %dma_wait3A_295 = arith.constant 0 : i32
      %dma_wait3A_296 = tpu.memref_slice %arg2[%dma_wait3A_290, %dma_wait3A_294, %dma_wait3A_295] : memref<4x163840x64xf32, #tpu.memory_space<hbm>> -> memref<1x163840x64xf32, #tpu.memory_space<hbm>>
      %dma_wait3A_297 = tpu.memref_squeeze %dma_wait3A_296 : memref<1x163840x64xf32, #tpu.memory_space<hbm>> -> memref<163840x64xf32, #tpu.memory_space<hbm>>
      %dma_wait3A_298 = arith.constant 0 : i32
      %dma_wait3A_299 = tpu.memref_slice %dma_wait3A_297[%add3A_289, %dma_wait3A_298] : memref<163840x64xf32, #tpu.memory_space<hbm>> -> memref<64x64xf32, #tpu.memory_space<hbm>>
      %dma_wait3A_300 = arith.constant 0 : i32
      %dma_wait3A_301 = arith.constant 0 : i32
      %dma_wait3A_302 = tpu.memref_slice %arg7[%dma_wait3A_300, %dma_wait3A_301] : memref<128x64xf32, #tpu.memory_space<vmem>> -> memref<64x64xf32, #tpu.memory_space<vmem>>
      %dma_wait3A_303 = arith.constant 0 : i32
      %dma_wait3A_304 = arith.constant 0 : i32
      %dma_wait3A_305 = tpu.memref_slice %arg2[%dma_wait3A_290, %dma_wait3A_303, %dma_wait3A_304] : memref<4x163840x64xf32, #tpu.memory_space<hbm>> -> memref<1x163840x64xf32, #tpu.memory_space<hbm>>
      %dma_wait3A_306 = tpu.memref_squeeze %dma_wait3A_305 : memref<1x163840x64xf32, #tpu.memory_space<hbm>> -> memref<163840x64xf32, #tpu.memory_space<hbm>>
      %dma_wait3A_307 = arith.constant 0 : i32
      %dma_wait3A_308 = tpu.memref_slice %dma_wait3A_306[%add3A_289, %dma_wait3A_307] : memref<163840x64xf32, #tpu.memory_space<hbm>> -> memref<64x64xf32, #tpu.memory_space<hbm>>
      tpu.wait_dma2 semaphore(%arg13 : memref<!tpu.dma_semaphore, #tpu.memory_space<semaphore_mem>>) src(%dma_wait3A_308 : memref<64x64xf32, #tpu.memory_space<hbm>>) dst(%dma_wait3A_302 : memref<64x64xf32, #tpu.memory_space<vmem>>)
      %dma_wait3A_309 = arith.constant 0 : i32
      %dma_wait3A_310 = arith.constant 0 : i32
      %dma_wait3A_311 = tpu.memref_slice %arg3[%add3A, %add3A_277, %dma_wait3A_309, %dma_wait3A_310] : memref<32x80x2x128xi32, #tpu.memory_space<hbm>> -> memref<1x1x1x128xi32, #tpu.memory_space<hbm>>
      %dma_wait3A_312 = tpu.memref_squeeze %dma_wait3A_311 : memref<1x1x1x128xi32, #tpu.memory_space<hbm>> -> memref<128xi32, #tpu.memory_space<hbm>>
      %dma_wait3A_313 = arith.constant 0 : i32
      %dma_wait3A_314 = tpu.memref_slice %arg3[%add3A, %add3A_277, %dma_wait3A_309, %dma_wait3A_313] : memref<32x80x2x128xi32, #tpu.memory_space<hbm>> -> memref<1x1x1x128xi32, #tpu.memory_space<hbm>>
      %dma_wait3A_315 = tpu.memref_squeeze %dma_wait3A_314 : memref<1x1x1x128xi32, #tpu.memory_space<hbm>> -> memref<128xi32, #tpu.memory_space<hbm>>
      tpu.wait_dma2 semaphore(%arg13 : memref<!tpu.dma_semaphore, #tpu.memory_space<semaphore_mem>>) src(%dma_wait3A_315 : memref<128xi32, #tpu.memory_space<hbm>>) dst(%arg9 : memref<128xi32, #tpu.memory_space<vmem>>)
      %dma_wait3A_316 = arith.constant 1 : i32
      %dma_wait3A_317 = arith.constant 0 : i32
      %dma_wait3A_318 = tpu.memref_slice %arg3[%add3A, %add3A_277, %dma_wait3A_316, %dma_wait3A_317] : memref<32x80x2x128xi32, #tpu.memory_space<hbm>> -> memref<1x1x1x128xi32, #tpu.memory_space<hbm>>
      %dma_wait3A_319 = tpu.memref_squeeze %dma_wait3A_318 : memref<1x1x1x128xi32, #tpu.memory_space<hbm>> -> memref<128xi32, #tpu.memory_space<hbm>>
      %dma_wait3A_320 = arith.constant 0 : i32
      %dma_wait3A_321 = tpu.memref_slice %arg3[%add3A, %add3A_277, %dma_wait3A_316, %dma_wait3A_320] : memref<32x80x2x128xi32, #tpu.memory_space<hbm>> -> memref<1x1x1x128xi32, #tpu.memory_space<hbm>>
      %dma_wait3A_322 = tpu.memref_squeeze %dma_wait3A_321 : memref<1x1x1x128xi32, #tpu.memory_space<hbm>> -> memref<128xi32, #tpu.memory_space<hbm>>
      tpu.wait_dma2 semaphore(%arg13 : memref<!tpu.dma_semaphore, #tpu.memory_space<semaphore_mem>>) src(%dma_wait3A_322 : memref<128xi32, #tpu.memory_space<hbm>>) dst(%arg11 : memref<128xi32, #tpu.memory_space<vmem>>)
      %dma_start3A_323 = arith.constant 0 : i32
      %dma_start3A_324 = arith.constant 0 : i32
      %dma_start3A_325 = tpu.memref_slice %arg16[%dma_start3A_323, %dma_start3A_324] : memref<11264x64xf32, #tpu.memory_space<vmem_shared>> -> memref<11264x64xf32, #tpu.memory_space<vmem_shared>>
      tpu.enqueue_indirect_dma source(%arg7 : memref<128x64xf32, #tpu.memory_space<vmem>>) target(%dma_start3A_325 : memref<11264x64xf32, #tpu.memory_space<vmem_shared>>) offsets(%arg9 : memref<128xi32, #tpu.memory_space<vmem>>) semaphore(%arg15 : memref<!tpu.dma_semaphore, #tpu.memory_space<semaphore_mem>>) {add = true}
      %dma_start3A_326 = arith.constant 0 : i32
      %dma_start3A_327 = arith.constant 0 : i32
      %dma_start3A_328 = tpu.memref_slice %arg16[%dma_start3A_326, %dma_start3A_327] : memref<11264x64xf32, #tpu.memory_space<vmem_shared>> -> memref<11264x64xf32, #tpu.memory_space<vmem_shared>>
      tpu.enqueue_indirect_dma source(%arg7 : memref<128x64xf32, #tpu.memory_space<vmem>>) target(%dma_start3A_328 : memref<11264x64xf32, #tpu.memory_space<vmem_shared>>) offsets(%arg11 : memref<128xi32, #tpu.memory_space<vmem>>) semaphore(%arg15 : memref<!tpu.dma_semaphore, #tpu.memory_space<semaphore_mem>>) {add = true}
      %dma_wait3A_329 = arith.constant 0 : i32
      %dma_wait3A_330 = arith.constant 0 : i32
      %dma_wait3A_331 = tpu.memref_slice %arg16[%dma_wait3A_329, %dma_wait3A_330] : memref<11264x64xf32, #tpu.memory_space<vmem_shared>> -> memref<11264x64xf32, #tpu.memory_space<vmem_shared>>
      tpu.wait_indirect_dma semaphore(%arg15 : memref<!tpu.dma_semaphore, #tpu.memory_space<semaphore_mem>>) src(%arg7 : memref<128x64xf32, #tpu.memory_space<vmem>>) dst(%dma_wait3A_331 : memref<11264x64xf32, #tpu.memory_space<vmem_shared>>)
      %dma_wait3A_332 = arith.constant 0 : i32
      %dma_wait3A_333 = arith.constant 0 : i32
      %dma_wait3A_334 = tpu.memref_slice %arg16[%dma_wait3A_332, %dma_wait3A_333] : memref<11264x64xf32, #tpu.memory_space<vmem_shared>> -> memref<11264x64xf32, #tpu.memory_space<vmem_shared>>
      tpu.wait_indirect_dma semaphore(%arg15 : memref<!tpu.dma_semaphore, #tpu.memory_space<semaphore_mem>>) src(%arg7 : memref<128x64xf32, #tpu.memory_space<vmem>>) dst(%dma_wait3A_334 : memref<11264x64xf32, #tpu.memory_space<vmem_shared>>)
    }
    %scan3A_156 = arith.constant 40 : i32
    %barrier3A_157 = arith.constant 0 : index
    tpu.barrier barrier_id(%barrier3A_157)
    %mul3A_158 = arith.constant 704 : i32
    %mul3A_159 = arith.muli %arg1, %mul3A_158 : i32
    %mul3A_160 = arith.constant 704 : i32
    %mul3A_161 = arith.muli %arg1, %mul3A_160 : i32
    %run_scoped3A_162 = arith.constant 2 : i32
    "tpu.region"() ({
      %run_scoped3A_219 = tpu.sem_alloc : memref<!tpu.dma_semaphore, #tpu.memory_space<semaphore_mem>>
      %dma_start3A_220 = arith.constant 0 : i32
      %dma_start3A_221 = arith.constant 0 : i32
      %dma_start3A_222 = tpu.memref_slice %arg5[%run_scoped3A_162, %arg0, %dma_start3A_220, %dma_start3A_221] : memref<4x2x11264x64xf32, #tpu.memory_space<hbm>> -> memref<1x1x11264x64xf32, #tpu.memory_space<hbm>>
      %dma_start3A_223 = tpu.memref_squeeze %dma_start3A_222 : memref<1x1x11264x64xf32, #tpu.memory_space<hbm>> -> memref<11264x64xf32, #tpu.memory_space<hbm>>
      %dma_start3A_224 = arith.constant 0 : i32
      %dma_start3A_225 = tpu.memref_slice %dma_start3A_223[%mul3A_161, %dma_start3A_224] : memref<11264x64xf32, #tpu.memory_space<hbm>> -> memref<704x64xf32, #tpu.memory_space<hbm>>
      %dma_start3A_226 = arith.constant 0 : i32
      %dma_start3A_227 = tpu.memref_slice %arg16[%mul3A_159, %dma_start3A_226] : memref<11264x64xf32, #tpu.memory_space<vmem_shared>> -> memref<704x64xf32, #tpu.memory_space<vmem_shared>>
      tpu.enqueue_dma source(%dma_start3A_227 : memref<704x64xf32, #tpu.memory_space<vmem_shared>>) target(%dma_start3A_225 : memref<704x64xf32, #tpu.memory_space<hbm>>) target_semaphore(%run_scoped3A_219 : memref<!tpu.dma_semaphore, #tpu.memory_space<semaphore_mem>>)
      %dma_wait3A = arith.constant 0 : i32
      %dma_wait3A_228 = arith.constant 0 : i32
      %dma_wait3A_229 = tpu.memref_slice %arg5[%run_scoped3A_162, %arg0, %dma_wait3A, %dma_wait3A_228] : memref<4x2x11264x64xf32, #tpu.memory_space<hbm>> -> memref<1x1x11264x64xf32, #tpu.memory_space<hbm>>
      %dma_wait3A_230 = tpu.memref_squeeze %dma_wait3A_229 : memref<1x1x11264x64xf32, #tpu.memory_space<hbm>> -> memref<11264x64xf32, #tpu.memory_space<hbm>>
      %dma_wait3A_231 = arith.constant 0 : i32
      %dma_wait3A_232 = tpu.memref_slice %dma_wait3A_230[%mul3A_161, %dma_wait3A_231] : memref<11264x64xf32, #tpu.memory_space<hbm>> -> memref<704x64xf32, #tpu.memory_space<hbm>>
      %dma_wait3A_233 = arith.constant 0 : i32
      %dma_wait3A_234 = tpu.memref_slice %arg16[%mul3A_159, %dma_wait3A_233] : memref<11264x64xf32, #tpu.memory_space<vmem_shared>> -> memref<704x64xf32, #tpu.memory_space<vmem_shared>>
      tpu.wait_dma2 semaphore(%run_scoped3A_219 : memref<!tpu.dma_semaphore, #tpu.memory_space<semaphore_mem>>) src(%dma_wait3A_234 : memref<704x64xf32, #tpu.memory_space<vmem_shared>>) dst(%dma_wait3A_232 : memref<704x64xf32, #tpu.memory_space<hbm>>)
      tpu.yield
    }) : () -> ()
    %barrier3A_163 = arith.constant 0 : index
    tpu.barrier barrier_id(%barrier3A_163)
    %mul3A_164 = arith.constant 704 : i32
    %mul3A_165 = arith.muli %arg1, %mul3A_164 : i32
    %mul3A_166 = arith.constant 704 : i32
    %mul3A_167 = arith.muli %arg1, %mul3A_166 : i32
    "tpu.region"() ({
      %run_scoped3A_219 = tpu.sem_alloc : memref<!tpu.dma_semaphore, #tpu.memory_space<semaphore_mem>>
      %dma_start3A_220 = arith.constant 0 : i32
      %dma_start3A_221 = tpu.memref_slice %arg16[%mul3A_167, %dma_start3A_220] : memref<11264x64xf32, #tpu.memory_space<vmem_shared>> -> memref<704x64xf32, #tpu.memory_space<vmem_shared>>
      %dma_start3A_222 = arith.constant 0 : i32
      %dma_start3A_223 = tpu.memref_slice %arg4[%mul3A_165, %dma_start3A_222] : memref<11264x64xf32, #tpu.memory_space<hbm>> -> memref<704x64xf32, #tpu.memory_space<hbm>>
      tpu.enqueue_dma source(%dma_start3A_223 : memref<704x64xf32, #tpu.memory_space<hbm>>) target(%dma_start3A_221 : memref<704x64xf32, #tpu.memory_space<vmem_shared>>) target_semaphore(%run_scoped3A_219 : memref<!tpu.dma_semaphore, #tpu.memory_space<semaphore_mem>>)
      %dma_wait3A = arith.constant 0 : i32
      %dma_wait3A_224 = tpu.memref_slice %arg16[%mul3A_167, %dma_wait3A] : memref<11264x64xf32, #tpu.memory_space<vmem_shared>> -> memref<704x64xf32, #tpu.memory_space<vmem_shared>>
      %dma_wait3A_225 = arith.constant 0 : i32
      %dma_wait3A_226 = tpu.memref_slice %arg4[%mul3A_165, %dma_wait3A_225] : memref<11264x64xf32, #tpu.memory_space<hbm>> -> memref<704x64xf32, #tpu.memory_space<hbm>>
      tpu.wait_dma2 semaphore(%run_scoped3A_219 : memref<!tpu.dma_semaphore, #tpu.memory_space<semaphore_mem>>) src(%dma_wait3A_226 : memref<704x64xf32, #tpu.memory_space<hbm>>) dst(%dma_wait3A_224 : memref<704x64xf32, #tpu.memory_space<vmem_shared>>)
      tpu.yield
    }) : () -> ()
    %barrier3A_168 = arith.constant 0 : index
    tpu.barrier barrier_id(%barrier3A_168)
    %add3A_169 = arith.constant 0 : i32
    %add3A_170 = arith.addi %mul3A_2, %add3A_169 : i32
    %dma_start3A_171 = arith.constant 3 : i32
    %dma_start3A_172 = arith.constant 0 : i32
    %dma_start3A_173 = arith.constant 0 : i32
    %dma_start3A_174 = tpu.memref_slice %arg6[%dma_start3A_172, %dma_start3A_173] : memref<128x64xf32, #tpu.memory_space<vmem>> -> memref<64x64xf32, #tpu.memory_space<vmem>>
    %dma_start3A_175 = arith.constant 0 : i32
    %dma_start3A_176 = arith.constant 0 : i32
    %dma_start3A_177 = tpu.memref_slice %arg2[%dma_start3A_171, %dma_start3A_175, %dma_start3A_176] : memref<4x163840x64xf32, #tpu.memory_space<hbm>> -> memref<1x163840x64xf32, #tpu.memory_space<hbm>>
    %dma_start3A_178 = tpu.memref_squeeze %dma_start3A_177 : memref<1x163840x64xf32, #tpu.memory_space<hbm>> -> memref<163840x64xf32, #tpu.memory_space<hbm>>
    %dma_start3A_179 = arith.constant 0 : i32
    %dma_start3A_180 = tpu.memref_slice %dma_start3A_178[%add3A_170, %dma_start3A_179] : memref<163840x64xf32, #tpu.memory_space<hbm>> -> memref<64x64xf32, #tpu.memory_space<hbm>>
    %dma_start3A_181 = arith.constant 0 : i32
    %dma_start3A_182 = arith.constant 0 : i32
    %dma_start3A_183 = tpu.memref_slice %arg6[%dma_start3A_181, %dma_start3A_182] : memref<128x64xf32, #tpu.memory_space<vmem>> -> memref<64x64xf32, #tpu.memory_space<vmem>>
    %dma_start3A_184 = arith.constant 0 : i32
    %dma_start3A_185 = arith.constant 0 : i32
    %dma_start3A_186 = tpu.memref_slice %arg2[%dma_start3A_171, %dma_start3A_184, %dma_start3A_185] : memref<4x163840x64xf32, #tpu.memory_space<hbm>> -> memref<1x163840x64xf32, #tpu.memory_space<hbm>>
    %dma_start3A_187 = tpu.memref_squeeze %dma_start3A_186 : memref<1x163840x64xf32, #tpu.memory_space<hbm>> -> memref<163840x64xf32, #tpu.memory_space<hbm>>
    %dma_start3A_188 = arith.constant 0 : i32
    %dma_start3A_189 = tpu.memref_slice %dma_start3A_187[%add3A_170, %dma_start3A_188] : memref<163840x64xf32, #tpu.memory_space<hbm>> -> memref<64x64xf32, #tpu.memory_space<hbm>>
    tpu.enqueue_dma source(%dma_start3A_189 : memref<64x64xf32, #tpu.memory_space<hbm>>) target(%dma_start3A_183 : memref<64x64xf32, #tpu.memory_space<vmem>>) target_semaphore(%arg12 : memref<!tpu.dma_semaphore, #tpu.memory_space<semaphore_mem>>)
    %dma_start3A_190 = arith.constant 0 : i32
    %dma_start3A_191 = arith.constant 0 : i32
    %dma_start3A_192 = arith.constant 0 : i32
    %dma_start3A_193 = tpu.memref_slice %arg3[%add3A, %dma_start3A_190, %dma_start3A_191, %dma_start3A_192] : memref<32x80x2x128xi32, #tpu.memory_space<hbm>> -> memref<1x1x1x128xi32, #tpu.memory_space<hbm>>
    %dma_start3A_194 = tpu.memref_squeeze %dma_start3A_193 : memref<1x1x1x128xi32, #tpu.memory_space<hbm>> -> memref<128xi32, #tpu.memory_space<hbm>>
    %dma_start3A_195 = arith.constant 0 : i32
    %dma_start3A_196 = tpu.memref_slice %arg3[%add3A, %dma_start3A_190, %dma_start3A_191, %dma_start3A_195] : memref<32x80x2x128xi32, #tpu.memory_space<hbm>> -> memref<1x1x1x128xi32, #tpu.memory_space<hbm>>
    %dma_start3A_197 = tpu.memref_squeeze %dma_start3A_196 : memref<1x1x1x128xi32, #tpu.memory_space<hbm>> -> memref<128xi32, #tpu.memory_space<hbm>>
    tpu.enqueue_dma source(%dma_start3A_197 : memref<128xi32, #tpu.memory_space<hbm>>) target(%arg8 : memref<128xi32, #tpu.memory_space<vmem>>) target_semaphore(%arg12 : memref<!tpu.dma_semaphore, #tpu.memory_space<semaphore_mem>>)
    %dma_start3A_198 = arith.constant 0 : i32
    %dma_start3A_199 = arith.constant 1 : i32
    %dma_start3A_200 = arith.constant 0 : i32
    %dma_start3A_201 = tpu.memref_slice %arg3[%add3A, %dma_start3A_198, %dma_start3A_199, %dma_start3A_200] : memref<32x80x2x128xi32, #tpu.memory_space<hbm>> -> memref<1x1x1x128xi32, #tpu.memory_space<hbm>>
    %dma_start3A_202 = tpu.memref_squeeze %dma_start3A_201 : memref<1x1x1x128xi32, #tpu.memory_space<hbm>> -> memref<128xi32, #tpu.memory_space<hbm>>
    %dma_start3A_203 = arith.constant 0 : i32
    %dma_start3A_204 = tpu.memref_slice %arg3[%add3A, %dma_start3A_198, %dma_start3A_199, %dma_start3A_203] : memref<32x80x2x128xi32, #tpu.memory_space<hbm>> -> memref<1x1x1x128xi32, #tpu.memory_space<hbm>>
    %dma_start3A_205 = tpu.memref_squeeze %dma_start3A_204 : memref<1x1x1x128xi32, #tpu.memory_space<hbm>> -> memref<128xi32, #tpu.memory_space<hbm>>
    tpu.enqueue_dma source(%dma_start3A_205 : memref<128xi32, #tpu.memory_space<hbm>>) target(%arg10 : memref<128xi32, #tpu.memory_space<vmem>>) target_semaphore(%arg12 : memref<!tpu.dma_semaphore, #tpu.memory_space<semaphore_mem>>)
    %scan3A_206 = arith.constant 0 : i32
    %scan3A_207 = arith.constant 0 : i32
    %scan3A_208 = arith.constant 40 : i32
    %scan3A_209 = arith.addi %scan3A_207, %scan3A_208 : i32
    %scan3A_210 = arith.constant 1 : i32
    scf.for %scan3A_219 = %scan3A_207 to %scan3A_209 step %scan3A_210  : i32 {
      %mul3A_220 = arith.constant 2 : i32
      %mul3A_221 = arith.muli %scan3A_219, %mul3A_220 : i32
      %add3A_222 = arith.constant 0 : i32
      %add3A_223 = arith.addi %mul3A_221, %add3A_222 : i32
      %add3A_224 = arith.constant 2 : i32
      %add3A_225 = arith.addi %add3A_223, %add3A_224 : i32
      %sub3A = arith.constant 1 : i32
      %sub3A_226 = arith.subi %add3A_225, %sub3A : i32
      %lt3A = arith.constant 80 : i32
      %lt3A_227 = arith.cmpi slt, %sub3A_226, %lt3A : i32
      %convert_element_type3A = arith.extui %lt3A_227 : i1 to i32
      %cond3A = arith.constant 0 : i32
      %cond3A_228 = arith.cmpi ne, %convert_element_type3A, %cond3A : i32
      scf.if %cond3A_228 {
        %add3A_335 = arith.constant 2 : i32
        %add3A_336 = arith.addi %add3A_223, %add3A_335 : i32
        %sub3A_337 = arith.constant 1 : i32
        %sub3A_338 = arith.subi %add3A_336, %sub3A_337 : i32
        %mul3A_339 = arith.constant 64 : i32
        %mul3A_340 = arith.muli %sub3A_338, %mul3A_339 : i32
        %add3A_341 = arith.addi %mul3A_2, %mul3A_340 : i32
        %dma_start3A_342 = arith.constant 3 : i32
        %dma_start3A_343 = arith.constant 0 : i32
        %dma_start3A_344 = arith.constant 0 : i32
        %dma_start3A_345 = tpu.memref_slice %arg7[%dma_start3A_343, %dma_start3A_344] : memref<128x64xf32, #tpu.memory_space<vmem>> -> memref<64x64xf32, #tpu.memory_space<vmem>>
        %dma_start3A_346 = arith.constant 0 : i32
        %dma_start3A_347 = arith.constant 0 : i32
        %dma_start3A_348 = tpu.memref_slice %arg2[%dma_start3A_342, %dma_start3A_346, %dma_start3A_347] : memref<4x163840x64xf32, #tpu.memory_space<hbm>> -> memref<1x163840x64xf32, #tpu.memory_space<hbm>>
        %dma_start3A_349 = tpu.memref_squeeze %dma_start3A_348 : memref<1x163840x64xf32, #tpu.memory_space<hbm>> -> memref<163840x64xf32, #tpu.memory_space<hbm>>
        %dma_start3A_350 = arith.constant 0 : i32
        %dma_start3A_351 = tpu.memref_slice %dma_start3A_349[%add3A_341, %dma_start3A_350] : memref<163840x64xf32, #tpu.memory_space<hbm>> -> memref<64x64xf32, #tpu.memory_space<hbm>>
        %dma_start3A_352 = arith.constant 0 : i32
        %dma_start3A_353 = arith.constant 0 : i32
        %dma_start3A_354 = tpu.memref_slice %arg7[%dma_start3A_352, %dma_start3A_353] : memref<128x64xf32, #tpu.memory_space<vmem>> -> memref<64x64xf32, #tpu.memory_space<vmem>>
        %dma_start3A_355 = arith.constant 0 : i32
        %dma_start3A_356 = arith.constant 0 : i32
        %dma_start3A_357 = tpu.memref_slice %arg2[%dma_start3A_342, %dma_start3A_355, %dma_start3A_356] : memref<4x163840x64xf32, #tpu.memory_space<hbm>> -> memref<1x163840x64xf32, #tpu.memory_space<hbm>>
        %dma_start3A_358 = tpu.memref_squeeze %dma_start3A_357 : memref<1x163840x64xf32, #tpu.memory_space<hbm>> -> memref<163840x64xf32, #tpu.memory_space<hbm>>
        %dma_start3A_359 = arith.constant 0 : i32
        %dma_start3A_360 = tpu.memref_slice %dma_start3A_358[%add3A_341, %dma_start3A_359] : memref<163840x64xf32, #tpu.memory_space<hbm>> -> memref<64x64xf32, #tpu.memory_space<hbm>>
        tpu.enqueue_dma source(%dma_start3A_360 : memref<64x64xf32, #tpu.memory_space<hbm>>) target(%dma_start3A_354 : memref<64x64xf32, #tpu.memory_space<vmem>>) target_semaphore(%arg13 : memref<!tpu.dma_semaphore, #tpu.memory_space<semaphore_mem>>)
        %dma_start3A_361 = arith.constant 0 : i32
        %dma_start3A_362 = arith.constant 0 : i32
        %dma_start3A_363 = tpu.memref_slice %arg3[%add3A, %sub3A_338, %dma_start3A_361, %dma_start3A_362] : memref<32x80x2x128xi32, #tpu.memory_space<hbm>> -> memref<1x1x1x128xi32, #tpu.memory_space<hbm>>
        %dma_start3A_364 = tpu.memref_squeeze %dma_start3A_363 : memref<1x1x1x128xi32, #tpu.memory_space<hbm>> -> memref<128xi32, #tpu.memory_space<hbm>>
        %dma_start3A_365 = arith.constant 0 : i32
        %dma_start3A_366 = tpu.memref_slice %arg3[%add3A, %sub3A_338, %dma_start3A_361, %dma_start3A_365] : memref<32x80x2x128xi32, #tpu.memory_space<hbm>> -> memref<1x1x1x128xi32, #tpu.memory_space<hbm>>
        %dma_start3A_367 = tpu.memref_squeeze %dma_start3A_366 : memref<1x1x1x128xi32, #tpu.memory_space<hbm>> -> memref<128xi32, #tpu.memory_space<hbm>>
        tpu.enqueue_dma source(%dma_start3A_367 : memref<128xi32, #tpu.memory_space<hbm>>) target(%arg9 : memref<128xi32, #tpu.memory_space<vmem>>) target_semaphore(%arg13 : memref<!tpu.dma_semaphore, #tpu.memory_space<semaphore_mem>>)
        %dma_start3A_368 = arith.constant 1 : i32
        %dma_start3A_369 = arith.constant 0 : i32
        %dma_start3A_370 = tpu.memref_slice %arg3[%add3A, %sub3A_338, %dma_start3A_368, %dma_start3A_369] : memref<32x80x2x128xi32, #tpu.memory_space<hbm>> -> memref<1x1x1x128xi32, #tpu.memory_space<hbm>>
        %dma_start3A_371 = tpu.memref_squeeze %dma_start3A_370 : memref<1x1x1x128xi32, #tpu.memory_space<hbm>> -> memref<128xi32, #tpu.memory_space<hbm>>
        %dma_start3A_372 = arith.constant 0 : i32
        %dma_start3A_373 = tpu.memref_slice %arg3[%add3A, %sub3A_338, %dma_start3A_368, %dma_start3A_372] : memref<32x80x2x128xi32, #tpu.memory_space<hbm>> -> memref<1x1x1x128xi32, #tpu.memory_space<hbm>>
        %dma_start3A_374 = tpu.memref_squeeze %dma_start3A_373 : memref<1x1x1x128xi32, #tpu.memory_space<hbm>> -> memref<128xi32, #tpu.memory_space<hbm>>
        tpu.enqueue_dma source(%dma_start3A_374 : memref<128xi32, #tpu.memory_space<hbm>>) target(%arg11 : memref<128xi32, #tpu.memory_space<vmem>>) target_semaphore(%arg13 : memref<!tpu.dma_semaphore, #tpu.memory_space<semaphore_mem>>)
      } else {
      }
      %mul3A_229 = arith.constant 64 : i32
      %mul3A_230 = arith.muli %add3A_223, %mul3A_229 : i32
      %add3A_231 = arith.addi %mul3A_2, %mul3A_230 : i32
      %dma_wait3A = arith.constant 3 : i32
      %dma_wait3A_232 = arith.constant 0 : i32
      %dma_wait3A_233 = arith.constant 0 : i32
      %dma_wait3A_234 = tpu.memref_slice %arg6[%dma_wait3A_232, %dma_wait3A_233] : memref<128x64xf32, #tpu.memory_space<vmem>> -> memref<64x64xf32, #tpu.memory_space<vmem>>
      %dma_wait3A_235 = arith.constant 0 : i32
      %dma_wait3A_236 = arith.constant 0 : i32
      %dma_wait3A_237 = tpu.memref_slice %arg2[%dma_wait3A, %dma_wait3A_235, %dma_wait3A_236] : memref<4x163840x64xf32, #tpu.memory_space<hbm>> -> memref<1x163840x64xf32, #tpu.memory_space<hbm>>
      %dma_wait3A_238 = tpu.memref_squeeze %dma_wait3A_237 : memref<1x163840x64xf32, #tpu.memory_space<hbm>> -> memref<163840x64xf32, #tpu.memory_space<hbm>>
      %dma_wait3A_239 = arith.constant 0 : i32
      %dma_wait3A_240 = tpu.memref_slice %dma_wait3A_238[%add3A_231, %dma_wait3A_239] : memref<163840x64xf32, #tpu.memory_space<hbm>> -> memref<64x64xf32, #tpu.memory_space<hbm>>
      %dma_wait3A_241 = arith.constant 0 : i32
      %dma_wait3A_242 = arith.constant 0 : i32
      %dma_wait3A_243 = tpu.memref_slice %arg6[%dma_wait3A_241, %dma_wait3A_242] : memref<128x64xf32, #tpu.memory_space<vmem>> -> memref<64x64xf32, #tpu.memory_space<vmem>>
      %dma_wait3A_244 = arith.constant 0 : i32
      %dma_wait3A_245 = arith.constant 0 : i32
      %dma_wait3A_246 = tpu.memref_slice %arg2[%dma_wait3A, %dma_wait3A_244, %dma_wait3A_245] : memref<4x163840x64xf32, #tpu.memory_space<hbm>> -> memref<1x163840x64xf32, #tpu.memory_space<hbm>>
      %dma_wait3A_247 = tpu.memref_squeeze %dma_wait3A_246 : memref<1x163840x64xf32, #tpu.memory_space<hbm>> -> memref<163840x64xf32, #tpu.memory_space<hbm>>
      %dma_wait3A_248 = arith.constant 0 : i32
      %dma_wait3A_249 = tpu.memref_slice %dma_wait3A_247[%add3A_231, %dma_wait3A_248] : memref<163840x64xf32, #tpu.memory_space<hbm>> -> memref<64x64xf32, #tpu.memory_space<hbm>>
      tpu.wait_dma2 semaphore(%arg12 : memref<!tpu.dma_semaphore, #tpu.memory_space<semaphore_mem>>) src(%dma_wait3A_249 : memref<64x64xf32, #tpu.memory_space<hbm>>) dst(%dma_wait3A_243 : memref<64x64xf32, #tpu.memory_space<vmem>>)
      %dma_wait3A_250 = arith.constant 0 : i32
      %dma_wait3A_251 = arith.constant 0 : i32
      %dma_wait3A_252 = tpu.memref_slice %arg3[%add3A, %add3A_223, %dma_wait3A_250, %dma_wait3A_251] : memref<32x80x2x128xi32, #tpu.memory_space<hbm>> -> memref<1x1x1x128xi32, #tpu.memory_space<hbm>>
      %dma_wait3A_253 = tpu.memref_squeeze %dma_wait3A_252 : memref<1x1x1x128xi32, #tpu.memory_space<hbm>> -> memref<128xi32, #tpu.memory_space<hbm>>
      %dma_wait3A_254 = arith.constant 0 : i32
      %dma_wait3A_255 = tpu.memref_slice %arg3[%add3A, %add3A_223, %dma_wait3A_250, %dma_wait3A_254] : memref<32x80x2x128xi32, #tpu.memory_space<hbm>> -> memref<1x1x1x128xi32, #tpu.memory_space<hbm>>
      %dma_wait3A_256 = tpu.memref_squeeze %dma_wait3A_255 : memref<1x1x1x128xi32, #tpu.memory_space<hbm>> -> memref<128xi32, #tpu.memory_space<hbm>>
      tpu.wait_dma2 semaphore(%arg12 : memref<!tpu.dma_semaphore, #tpu.memory_space<semaphore_mem>>) src(%dma_wait3A_256 : memref<128xi32, #tpu.memory_space<hbm>>) dst(%arg8 : memref<128xi32, #tpu.memory_space<vmem>>)
      %dma_wait3A_257 = arith.constant 1 : i32
      %dma_wait3A_258 = arith.constant 0 : i32
      %dma_wait3A_259 = tpu.memref_slice %arg3[%add3A, %add3A_223, %dma_wait3A_257, %dma_wait3A_258] : memref<32x80x2x128xi32, #tpu.memory_space<hbm>> -> memref<1x1x1x128xi32, #tpu.memory_space<hbm>>
      %dma_wait3A_260 = tpu.memref_squeeze %dma_wait3A_259 : memref<1x1x1x128xi32, #tpu.memory_space<hbm>> -> memref<128xi32, #tpu.memory_space<hbm>>
      %dma_wait3A_261 = arith.constant 0 : i32
      %dma_wait3A_262 = tpu.memref_slice %arg3[%add3A, %add3A_223, %dma_wait3A_257, %dma_wait3A_261] : memref<32x80x2x128xi32, #tpu.memory_space<hbm>> -> memref<1x1x1x128xi32, #tpu.memory_space<hbm>>
      %dma_wait3A_263 = tpu.memref_squeeze %dma_wait3A_262 : memref<1x1x1x128xi32, #tpu.memory_space<hbm>> -> memref<128xi32, #tpu.memory_space<hbm>>
      tpu.wait_dma2 semaphore(%arg12 : memref<!tpu.dma_semaphore, #tpu.memory_space<semaphore_mem>>) src(%dma_wait3A_263 : memref<128xi32, #tpu.memory_space<hbm>>) dst(%arg10 : memref<128xi32, #tpu.memory_space<vmem>>)
      %dma_start3A_264 = arith.constant 0 : i32
      %dma_start3A_265 = arith.constant 0 : i32
      %dma_start3A_266 = tpu.memref_slice %arg16[%dma_start3A_264, %dma_start3A_265] : memref<11264x64xf32, #tpu.memory_space<vmem_shared>> -> memref<11264x64xf32, #tpu.memory_space<vmem_shared>>
      tpu.enqueue_indirect_dma source(%arg6 : memref<128x64xf32, #tpu.memory_space<vmem>>) target(%dma_start3A_266 : memref<11264x64xf32, #tpu.memory_space<vmem_shared>>) offsets(%arg8 : memref<128xi32, #tpu.memory_space<vmem>>) semaphore(%arg14 : memref<!tpu.dma_semaphore, #tpu.memory_space<semaphore_mem>>) {add = true}
      %dma_start3A_267 = arith.constant 0 : i32
      %dma_start3A_268 = arith.constant 0 : i32
      %dma_start3A_269 = tpu.memref_slice %arg16[%dma_start3A_267, %dma_start3A_268] : memref<11264x64xf32, #tpu.memory_space<vmem_shared>> -> memref<11264x64xf32, #tpu.memory_space<vmem_shared>>
      tpu.enqueue_indirect_dma source(%arg6 : memref<128x64xf32, #tpu.memory_space<vmem>>) target(%dma_start3A_269 : memref<11264x64xf32, #tpu.memory_space<vmem_shared>>) offsets(%arg10 : memref<128xi32, #tpu.memory_space<vmem>>) semaphore(%arg14 : memref<!tpu.dma_semaphore, #tpu.memory_space<semaphore_mem>>) {add = true}
      %dma_wait3A_270 = arith.constant 0 : i32
      %dma_wait3A_271 = arith.constant 0 : i32
      %dma_wait3A_272 = tpu.memref_slice %arg16[%dma_wait3A_270, %dma_wait3A_271] : memref<11264x64xf32, #tpu.memory_space<vmem_shared>> -> memref<11264x64xf32, #tpu.memory_space<vmem_shared>>
      tpu.wait_indirect_dma semaphore(%arg14 : memref<!tpu.dma_semaphore, #tpu.memory_space<semaphore_mem>>) src(%arg6 : memref<128x64xf32, #tpu.memory_space<vmem>>) dst(%dma_wait3A_272 : memref<11264x64xf32, #tpu.memory_space<vmem_shared>>)
      %dma_wait3A_273 = arith.constant 0 : i32
      %dma_wait3A_274 = arith.constant 0 : i32
      %dma_wait3A_275 = tpu.memref_slice %arg16[%dma_wait3A_273, %dma_wait3A_274] : memref<11264x64xf32, #tpu.memory_space<vmem_shared>> -> memref<11264x64xf32, #tpu.memory_space<vmem_shared>>
      tpu.wait_indirect_dma semaphore(%arg14 : memref<!tpu.dma_semaphore, #tpu.memory_space<semaphore_mem>>) src(%arg6 : memref<128x64xf32, #tpu.memory_space<vmem>>) dst(%dma_wait3A_275 : memref<11264x64xf32, #tpu.memory_space<vmem_shared>>)
      %add3A_276 = arith.constant 1 : i32
      %add3A_277 = arith.addi %mul3A_221, %add3A_276 : i32
      %add3A_278 = arith.constant 2 : i32
      %add3A_279 = arith.addi %add3A_277, %add3A_278 : i32
      %sub3A_280 = arith.constant 1 : i32
      %sub3A_281 = arith.subi %add3A_279, %sub3A_280 : i32
      %lt3A_282 = arith.constant 80 : i32
      %lt3A_283 = arith.cmpi slt, %sub3A_281, %lt3A_282 : i32
      %convert_element_type3A_284 = arith.extui %lt3A_283 : i1 to i32
      %cond3A_285 = arith.constant 0 : i32
      %cond3A_286 = arith.cmpi ne, %convert_element_type3A_284, %cond3A_285 : i32
      scf.if %cond3A_286 {
        %add3A_335 = arith.constant 2 : i32
        %add3A_336 = arith.addi %add3A_277, %add3A_335 : i32
        %sub3A_337 = arith.constant 1 : i32
        %sub3A_338 = arith.subi %add3A_336, %sub3A_337 : i32
        %mul3A_339 = arith.constant 64 : i32
        %mul3A_340 = arith.muli %sub3A_338, %mul3A_339 : i32
        %add3A_341 = arith.addi %mul3A_2, %mul3A_340 : i32
        %dma_start3A_342 = arith.constant 3 : i32
        %dma_start3A_343 = arith.constant 0 : i32
        %dma_start3A_344 = arith.constant 0 : i32
        %dma_start3A_345 = tpu.memref_slice %arg6[%dma_start3A_343, %dma_start3A_344] : memref<128x64xf32, #tpu.memory_space<vmem>> -> memref<64x64xf32, #tpu.memory_space<vmem>>
        %dma_start3A_346 = arith.constant 0 : i32
        %dma_start3A_347 = arith.constant 0 : i32
        %dma_start3A_348 = tpu.memref_slice %arg2[%dma_start3A_342, %dma_start3A_346, %dma_start3A_347] : memref<4x163840x64xf32, #tpu.memory_space<hbm>> -> memref<1x163840x64xf32, #tpu.memory_space<hbm>>
        %dma_start3A_349 = tpu.memref_squeeze %dma_start3A_348 : memref<1x163840x64xf32, #tpu.memory_space<hbm>> -> memref<163840x64xf32, #tpu.memory_space<hbm>>
        %dma_start3A_350 = arith.constant 0 : i32
        %dma_start3A_351 = tpu.memref_slice %dma_start3A_349[%add3A_341, %dma_start3A_350] : memref<163840x64xf32, #tpu.memory_space<hbm>> -> memref<64x64xf32, #tpu.memory_space<hbm>>
        %dma_start3A_352 = arith.constant 0 : i32
        %dma_start3A_353 = arith.constant 0 : i32
        %dma_start3A_354 = tpu.memref_slice %arg6[%dma_start3A_352, %dma_start3A_353] : memref<128x64xf32, #tpu.memory_space<vmem>> -> memref<64x64xf32, #tpu.memory_space<vmem>>
        %dma_start3A_355 = arith.constant 0 : i32
        %dma_start3A_356 = arith.constant 0 : i32
        %dma_start3A_357 = tpu.memref_slice %arg2[%dma_start3A_342, %dma_start3A_355, %dma_start3A_356] : memref<4x163840x64xf32, #tpu.memory_space<hbm>> -> memref<1x163840x64xf32, #tpu.memory_space<hbm>>
        %dma_start3A_358 = tpu.memref_squeeze %dma_start3A_357 : memref<1x163840x64xf32, #tpu.memory_space<hbm>> -> memref<163840x64xf32, #tpu.memory_space<hbm>>
        %dma_start3A_359 = arith.constant 0 : i32
        %dma_start3A_360 = tpu.memref_slice %dma_start3A_358[%add3A_341, %dma_start3A_359] : memref<163840x64xf32, #tpu.memory_space<hbm>> -> memref<64x64xf32, #tpu.memory_space<hbm>>
        tpu.enqueue_dma source(%dma_start3A_360 : memref<64x64xf32, #tpu.memory_space<hbm>>) target(%dma_start3A_354 : memref<64x64xf32, #tpu.memory_space<vmem>>) target_semaphore(%arg12 : memref<!tpu.dma_semaphore, #tpu.memory_space<semaphore_mem>>)
        %dma_start3A_361 = arith.constant 0 : i32
        %dma_start3A_362 = arith.constant 0 : i32
        %dma_start3A_363 = tpu.memref_slice %arg3[%add3A, %sub3A_338, %dma_start3A_361, %dma_start3A_362] : memref<32x80x2x128xi32, #tpu.memory_space<hbm>> -> memref<1x1x1x128xi32, #tpu.memory_space<hbm>>
        %dma_start3A_364 = tpu.memref_squeeze %dma_start3A_363 : memref<1x1x1x128xi32, #tpu.memory_space<hbm>> -> memref<128xi32, #tpu.memory_space<hbm>>
        %dma_start3A_365 = arith.constant 0 : i32
        %dma_start3A_366 = tpu.memref_slice %arg3[%add3A, %sub3A_338, %dma_start3A_361, %dma_start3A_365] : memref<32x80x2x128xi32, #tpu.memory_space<hbm>> -> memref<1x1x1x128xi32, #tpu.memory_space<hbm>>
        %dma_start3A_367 = tpu.memref_squeeze %dma_start3A_366 : memref<1x1x1x128xi32, #tpu.memory_space<hbm>> -> memref<128xi32, #tpu.memory_space<hbm>>
        tpu.enqueue_dma source(%dma_start3A_367 : memref<128xi32, #tpu.memory_space<hbm>>) target(%arg8 : memref<128xi32, #tpu.memory_space<vmem>>) target_semaphore(%arg12 : memref<!tpu.dma_semaphore, #tpu.memory_space<semaphore_mem>>)
        %dma_start3A_368 = arith.constant 1 : i32
        %dma_start3A_369 = arith.constant 0 : i32
        %dma_start3A_370 = tpu.memref_slice %arg3[%add3A, %sub3A_338, %dma_start3A_368, %dma_start3A_369] : memref<32x80x2x128xi32, #tpu.memory_space<hbm>> -> memref<1x1x1x128xi32, #tpu.memory_space<hbm>>
        %dma_start3A_371 = tpu.memref_squeeze %dma_start3A_370 : memref<1x1x1x128xi32, #tpu.memory_space<hbm>> -> memref<128xi32, #tpu.memory_space<hbm>>
        %dma_start3A_372 = arith.constant 0 : i32
        %dma_start3A_373 = tpu.memref_slice %arg3[%add3A, %sub3A_338, %dma_start3A_368, %dma_start3A_372] : memref<32x80x2x128xi32, #tpu.memory_space<hbm>> -> memref<1x1x1x128xi32, #tpu.memory_space<hbm>>
        %dma_start3A_374 = tpu.memref_squeeze %dma_start3A_373 : memref<1x1x1x128xi32, #tpu.memory_space<hbm>> -> memref<128xi32, #tpu.memory_space<hbm>>
        tpu.enqueue_dma source(%dma_start3A_374 : memref<128xi32, #tpu.memory_space<hbm>>) target(%arg10 : memref<128xi32, #tpu.memory_space<vmem>>) target_semaphore(%arg12 : memref<!tpu.dma_semaphore, #tpu.memory_space<semaphore_mem>>)
      } else {
      }
      %mul3A_287 = arith.constant 64 : i32
      %mul3A_288 = arith.muli %add3A_277, %mul3A_287 : i32
      %add3A_289 = arith.addi %mul3A_2, %mul3A_288 : i32
      %dma_wait3A_290 = arith.constant 3 : i32
      %dma_wait3A_291 = arith.constant 0 : i32
      %dma_wait3A_292 = arith.constant 0 : i32
      %dma_wait3A_293 = tpu.memref_slice %arg7[%dma_wait3A_291, %dma_wait3A_292] : memref<128x64xf32, #tpu.memory_space<vmem>> -> memref<64x64xf32, #tpu.memory_space<vmem>>
      %dma_wait3A_294 = arith.constant 0 : i32
      %dma_wait3A_295 = arith.constant 0 : i32
      %dma_wait3A_296 = tpu.memref_slice %arg2[%dma_wait3A_290, %dma_wait3A_294, %dma_wait3A_295] : memref<4x163840x64xf32, #tpu.memory_space<hbm>> -> memref<1x163840x64xf32, #tpu.memory_space<hbm>>
      %dma_wait3A_297 = tpu.memref_squeeze %dma_wait3A_296 : memref<1x163840x64xf32, #tpu.memory_space<hbm>> -> memref<163840x64xf32, #tpu.memory_space<hbm>>
      %dma_wait3A_298 = arith.constant 0 : i32
      %dma_wait3A_299 = tpu.memref_slice %dma_wait3A_297[%add3A_289, %dma_wait3A_298] : memref<163840x64xf32, #tpu.memory_space<hbm>> -> memref<64x64xf32, #tpu.memory_space<hbm>>
      %dma_wait3A_300 = arith.constant 0 : i32
      %dma_wait3A_301 = arith.constant 0 : i32
      %dma_wait3A_302 = tpu.memref_slice %arg7[%dma_wait3A_300, %dma_wait3A_301] : memref<128x64xf32, #tpu.memory_space<vmem>> -> memref<64x64xf32, #tpu.memory_space<vmem>>
      %dma_wait3A_303 = arith.constant 0 : i32
      %dma_wait3A_304 = arith.constant 0 : i32
      %dma_wait3A_305 = tpu.memref_slice %arg2[%dma_wait3A_290, %dma_wait3A_303, %dma_wait3A_304] : memref<4x163840x64xf32, #tpu.memory_space<hbm>> -> memref<1x163840x64xf32, #tpu.memory_space<hbm>>
      %dma_wait3A_306 = tpu.memref_squeeze %dma_wait3A_305 : memref<1x163840x64xf32, #tpu.memory_space<hbm>> -> memref<163840x64xf32, #tpu.memory_space<hbm>>
      %dma_wait3A_307 = arith.constant 0 : i32
      %dma_wait3A_308 = tpu.memref_slice %dma_wait3A_306[%add3A_289, %dma_wait3A_307] : memref<163840x64xf32, #tpu.memory_space<hbm>> -> memref<64x64xf32, #tpu.memory_space<hbm>>
      tpu.wait_dma2 semaphore(%arg13 : memref<!tpu.dma_semaphore, #tpu.memory_space<semaphore_mem>>) src(%dma_wait3A_308 : memref<64x64xf32, #tpu.memory_space<hbm>>) dst(%dma_wait3A_302 : memref<64x64xf32, #tpu.memory_space<vmem>>)
      %dma_wait3A_309 = arith.constant 0 : i32
      %dma_wait3A_310 = arith.constant 0 : i32
      %dma_wait3A_311 = tpu.memref_slice %arg3[%add3A, %add3A_277, %dma_wait3A_309, %dma_wait3A_310] : memref<32x80x2x128xi32, #tpu.memory_space<hbm>> -> memref<1x1x1x128xi32, #tpu.memory_space<hbm>>
      %dma_wait3A_312 = tpu.memref_squeeze %dma_wait3A_311 : memref<1x1x1x128xi32, #tpu.memory_space<hbm>> -> memref<128xi32, #tpu.memory_space<hbm>>
      %dma_wait3A_313 = arith.constant 0 : i32
      %dma_wait3A_314 = tpu.memref_slice %arg3[%add3A, %add3A_277, %dma_wait3A_309, %dma_wait3A_313] : memref<32x80x2x128xi32, #tpu.memory_space<hbm>> -> memref<1x1x1x128xi32, #tpu.memory_space<hbm>>
      %dma_wait3A_315 = tpu.memref_squeeze %dma_wait3A_314 : memref<1x1x1x128xi32, #tpu.memory_space<hbm>> -> memref<128xi32, #tpu.memory_space<hbm>>
      tpu.wait_dma2 semaphore(%arg13 : memref<!tpu.dma_semaphore, #tpu.memory_space<semaphore_mem>>) src(%dma_wait3A_315 : memref<128xi32, #tpu.memory_space<hbm>>) dst(%arg9 : memref<128xi32, #tpu.memory_space<vmem>>)
      %dma_wait3A_316 = arith.constant 1 : i32
      %dma_wait3A_317 = arith.constant 0 : i32
      %dma_wait3A_318 = tpu.memref_slice %arg3[%add3A, %add3A_277, %dma_wait3A_316, %dma_wait3A_317] : memref<32x80x2x128xi32, #tpu.memory_space<hbm>> -> memref<1x1x1x128xi32, #tpu.memory_space<hbm>>
      %dma_wait3A_319 = tpu.memref_squeeze %dma_wait3A_318 : memref<1x1x1x128xi32, #tpu.memory_space<hbm>> -> memref<128xi32, #tpu.memory_space<hbm>>
      %dma_wait3A_320 = arith.constant 0 : i32
      %dma_wait3A_321 = tpu.memref_slice %arg3[%add3A, %add3A_277, %dma_wait3A_316, %dma_wait3A_320] : memref<32x80x2x128xi32, #tpu.memory_space<hbm>> -> memref<1x1x1x128xi32, #tpu.memory_space<hbm>>
      %dma_wait3A_322 = tpu.memref_squeeze %dma_wait3A_321 : memref<1x1x1x128xi32, #tpu.memory_space<hbm>> -> memref<128xi32, #tpu.memory_space<hbm>>
      tpu.wait_dma2 semaphore(%arg13 : memref<!tpu.dma_semaphore, #tpu.memory_space<semaphore_mem>>) src(%dma_wait3A_322 : memref<128xi32, #tpu.memory_space<hbm>>) dst(%arg11 : memref<128xi32, #tpu.memory_space<vmem>>)
      %dma_start3A_323 = arith.constant 0 : i32
      %dma_start3A_324 = arith.constant 0 : i32
      %dma_start3A_325 = tpu.memref_slice %arg16[%dma_start3A_323, %dma_start3A_324] : memref<11264x64xf32, #tpu.memory_space<vmem_shared>> -> memref<11264x64xf32, #tpu.memory_space<vmem_shared>>
      tpu.enqueue_indirect_dma source(%arg7 : memref<128x64xf32, #tpu.memory_space<vmem>>) target(%dma_start3A_325 : memref<11264x64xf32, #tpu.memory_space<vmem_shared>>) offsets(%arg9 : memref<128xi32, #tpu.memory_space<vmem>>) semaphore(%arg15 : memref<!tpu.dma_semaphore, #tpu.memory_space<semaphore_mem>>) {add = true}
      %dma_start3A_326 = arith.constant 0 : i32
      %dma_start3A_327 = arith.constant 0 : i32
      %dma_start3A_328 = tpu.memref_slice %arg16[%dma_start3A_326, %dma_start3A_327] : memref<11264x64xf32, #tpu.memory_space<vmem_shared>> -> memref<11264x64xf32, #tpu.memory_space<vmem_shared>>
      tpu.enqueue_indirect_dma source(%arg7 : memref<128x64xf32, #tpu.memory_space<vmem>>) target(%dma_start3A_328 : memref<11264x64xf32, #tpu.memory_space<vmem_shared>>) offsets(%arg11 : memref<128xi32, #tpu.memory_space<vmem>>) semaphore(%arg15 : memref<!tpu.dma_semaphore, #tpu.memory_space<semaphore_mem>>) {add = true}
      %dma_wait3A_329 = arith.constant 0 : i32
      %dma_wait3A_330 = arith.constant 0 : i32
      %dma_wait3A_331 = tpu.memref_slice %arg16[%dma_wait3A_329, %dma_wait3A_330] : memref<11264x64xf32, #tpu.memory_space<vmem_shared>> -> memref<11264x64xf32, #tpu.memory_space<vmem_shared>>
      tpu.wait_indirect_dma semaphore(%arg15 : memref<!tpu.dma_semaphore, #tpu.memory_space<semaphore_mem>>) src(%arg7 : memref<128x64xf32, #tpu.memory_space<vmem>>) dst(%dma_wait3A_331 : memref<11264x64xf32, #tpu.memory_space<vmem_shared>>)
      %dma_wait3A_332 = arith.constant 0 : i32
      %dma_wait3A_333 = arith.constant 0 : i32
      %dma_wait3A_334 = tpu.memref_slice %arg16[%dma_wait3A_332, %dma_wait3A_333] : memref<11264x64xf32, #tpu.memory_space<vmem_shared>> -> memref<11264x64xf32, #tpu.memory_space<vmem_shared>>
      tpu.wait_indirect_dma semaphore(%arg15 : memref<!tpu.dma_semaphore, #tpu.memory_space<semaphore_mem>>) src(%arg7 : memref<128x64xf32, #tpu.memory_space<vmem>>) dst(%dma_wait3A_334 : memref<11264x64xf32, #tpu.memory_space<vmem_shared>>)
    }
    %scan3A_211 = arith.constant 40 : i32
    %barrier3A_212 = arith.constant 0 : index
    tpu.barrier barrier_id(%barrier3A_212)
    %mul3A_213 = arith.constant 704 : i32
    %mul3A_214 = arith.muli %arg1, %mul3A_213 : i32
    %mul3A_215 = arith.constant 704 : i32
    %mul3A_216 = arith.muli %arg1, %mul3A_215 : i32
    %run_scoped3A_217 = arith.constant 3 : i32
    "tpu.region"() ({
      %run_scoped3A_219 = tpu.sem_alloc : memref<!tpu.dma_semaphore, #tpu.memory_space<semaphore_mem>>
      %dma_start3A_220 = arith.constant 0 : i32
      %dma_start3A_221 = arith.constant 0 : i32
      %dma_start3A_222 = tpu.memref_slice %arg5[%run_scoped3A_217, %arg0, %dma_start3A_220, %dma_start3A_221] : memref<4x2x11264x64xf32, #tpu.memory_space<hbm>> -> memref<1x1x11264x64xf32, #tpu.memory_space<hbm>>
      %dma_start3A_223 = tpu.memref_squeeze %dma_start3A_222 : memref<1x1x11264x64xf32, #tpu.memory_space<hbm>> -> memref<11264x64xf32, #tpu.memory_space<hbm>>
      %dma_start3A_224 = arith.constant 0 : i32
      %dma_start3A_225 = tpu.memref_slice %dma_start3A_223[%mul3A_216, %dma_start3A_224] : memref<11264x64xf32, #tpu.memory_space<hbm>> -> memref<704x64xf32, #tpu.memory_space<hbm>>
      %dma_start3A_226 = arith.constant 0 : i32
      %dma_start3A_227 = tpu.memref_slice %arg16[%mul3A_214, %dma_start3A_226] : memref<11264x64xf32, #tpu.memory_space<vmem_shared>> -> memref<704x64xf32, #tpu.memory_space<vmem_shared>>
      tpu.enqueue_dma source(%dma_start3A_227 : memref<704x64xf32, #tpu.memory_space<vmem_shared>>) target(%dma_start3A_225 : memref<704x64xf32, #tpu.memory_space<hbm>>) target_semaphore(%run_scoped3A_219 : memref<!tpu.dma_semaphore, #tpu.memory_space<semaphore_mem>>)
      %dma_wait3A = arith.constant 0 : i32
      %dma_wait3A_228 = arith.constant 0 : i32
      %dma_wait3A_229 = tpu.memref_slice %arg5[%run_scoped3A_217, %arg0, %dma_wait3A, %dma_wait3A_228] : memref<4x2x11264x64xf32, #tpu.memory_space<hbm>> -> memref<1x1x11264x64xf32, #tpu.memory_space<hbm>>
      %dma_wait3A_230 = tpu.memref_squeeze %dma_wait3A_229 : memref<1x1x11264x64xf32, #tpu.memory_space<hbm>> -> memref<11264x64xf32, #tpu.memory_space<hbm>>
      %dma_wait3A_231 = arith.constant 0 : i32
      %dma_wait3A_232 = tpu.memref_slice %dma_wait3A_230[%mul3A_216, %dma_wait3A_231] : memref<11264x64xf32, #tpu.memory_space<hbm>> -> memref<704x64xf32, #tpu.memory_space<hbm>>
      %dma_wait3A_233 = arith.constant 0 : i32
      %dma_wait3A_234 = tpu.memref_slice %arg16[%mul3A_214, %dma_wait3A_233] : memref<11264x64xf32, #tpu.memory_space<vmem_shared>> -> memref<704x64xf32, #tpu.memory_space<vmem_shared>>
      tpu.wait_dma2 semaphore(%run_scoped3A_219 : memref<!tpu.dma_semaphore, #tpu.memory_space<semaphore_mem>>) src(%dma_wait3A_234 : memref<704x64xf32, #tpu.memory_space<vmem_shared>>) dst(%dma_wait3A_232 : memref<704x64xf32, #tpu.memory_space<hbm>>)
      tpu.yield
    }) : () -> ()
    %barrier3A_218 = arith.constant 0 : index
    tpu.barrier barrier_id(%barrier3A_218)
    return
  }
}

module attributes {stable_mosaic.version = 14 : i64} {
  func.func @_spatial_body(%arg0: i32, %arg1: memref<4x2048x2xf32, #tpu.memory_space<vmem>>, %arg2: memref<2x64xf32, #tpu.memory_space<vmem>>, %arg3: memref<1x64xf32, #tpu.memory_space<vmem>>, %arg4: memref<128x256xf32, #tpu.memory_space<vmem>>, %arg5: memref<1x256xf32, #tpu.memory_space<vmem>>, %arg6: memref<4x2048x64xf32, #tpu.memory_space<vmem>>) attributes {dimension_semantics = [#tpu.dimension_semantics<arbitrary>], iteration_bounds = array<i64: 80>, scalar_prefetch = 0 : i64, scratch_operands = 0 : i64, tpu.core_type = #tpu.core_type<tc>, window_params = [{transform_indices = @transform_0, window_bounds = array<i64: 4, 2048, 2>}, {pipeline_mode = #tpu.pipeline_mode<synchronous>, transform_indices = @transform_1, window_bounds = array<i64: 2, 64>}, {pipeline_mode = #tpu.pipeline_mode<synchronous>, transform_indices = @transform_2, window_bounds = array<i64: 1, 64>}, {pipeline_mode = #tpu.pipeline_mode<synchronous>, transform_indices = @transform_3, window_bounds = array<i64: 128, 256>}, {pipeline_mode = #tpu.pipeline_mode<synchronous>, transform_indices = @transform_4, window_bounds = array<i64: 1, 256>}, {transform_indices = @transform_5, window_bounds = array<i64: 4, 2048, 64>}]} {
    %broadcast_in_dim3A = arith.constant 0.000000e+00 : f32
    %broadcast_in_dim3A_0 = vector.broadcast %broadcast_in_dim3A : f32 to vector<2048x64xf32>
    %broadcast_in_dim3A_1 = arith.constant 0.000000e+00 : f32
    %broadcast_in_dim3A_2 = vector.broadcast %broadcast_in_dim3A_1 : f32 to vector<2048x64xf32>
    %get3A = arith.constant 0 : index
    %get3A_3 = arith.constant 0 : index
    %get3A_4 = vector.load %arg2[%get3A, %get3A_3] : memref<2x64xf32, #tpu.memory_space<vmem>>, vector<2x64xf32>
    %get3A_5 = arith.constant 0 : index
    %get3A_6 = arith.constant 0 : index
    %get3A_7 = vector.load %arg4[%get3A_5, %get3A_6] : memref<128x256xf32, #tpu.memory_space<vmem>>, vector<128x256xf32>
    %get3A_8 = arith.constant 0 : index
    %get3A_9 = arith.constant 0 : index
    %get3A_10 = vector.load %arg5[%get3A_8, %get3A_9] : memref<1x256xf32, #tpu.memory_space<vmem>>, vector<1x256xf32>
    %get3A_11 = arith.constant 0 : index
    %get3A_12 = arith.constant 0 : index
    %get3A_13 = vector.load %arg3[%get3A_11, %get3A_12] : memref<1x64xf32, #tpu.memory_space<vmem>>, vector<1x64xf32>
    %get3A_14 = arith.constant 0 : index
    %get3A_15 = arith.constant 0 : index
    %get3A_16 = arith.constant 0 : index
    %get3A_17 = vector.load %arg1[%get3A_14, %get3A_15, %get3A_16] : memref<4x2048x2xf32, #tpu.memory_space<vmem>>, vector<1x2048x2xf32>
    %get3A_18 = vector.shape_cast %get3A_17 : vector<1x2048x2xf32> to vector<2048x2xf32>
    %slice3A = vector.extract_strided_slice %get3A_18 {offsets = [0, 0], sizes = [2048, 1], strides = [1, 1]} : vector<2048x2xf32> to vector<2048x1xf32>
    %slice3A_19 = vector.extract_strided_slice %get3A_4 {offsets = [0, 0], sizes = [1, 64], strides = [1, 1]} : vector<2x64xf32> to vector<1x64xf32>
    %mul3A = vector.broadcast %slice3A : vector<2048x1xf32> to vector<2048x64xf32>
    %mul3A_20 = vector.broadcast %slice3A_19 : vector<1x64xf32> to vector<2048x64xf32>
    %mul3A_21 = arith.mulf %mul3A, %mul3A_20 : vector<2048x64xf32>
    %slice3A_22 = vector.extract_strided_slice %get3A_18 {offsets = [0, 1], sizes = [2048, 1], strides = [1, 1]} : vector<2048x2xf32> to vector<2048x1xf32>
    %slice3A_23 = vector.extract_strided_slice %get3A_4 {offsets = [1, 0], sizes = [1, 64], strides = [1, 1]} : vector<2x64xf32> to vector<1x64xf32>
    %mul3A_24 = vector.broadcast %slice3A_22 : vector<2048x1xf32> to vector<2048x64xf32>
    %mul3A_25 = vector.broadcast %slice3A_23 : vector<1x64xf32> to vector<2048x64xf32>
    %mul3A_26 = arith.mulf %mul3A_24, %mul3A_25 : vector<2048x64xf32>
    %add3A = arith.addf %mul3A_21, %mul3A_26 : vector<2048x64xf32>
    %add3A_27 = vector.broadcast %get3A_13 : vector<1x64xf32> to vector<2048x64xf32>
    %add3A_28 = arith.addf %add3A, %add3A_27 : vector<2048x64xf32>
    %max3A = arith.constant 0.000000e+00 : f32
    %max3A_29 = vector.broadcast %max3A : f32 to vector<2048x64xf32>
    %max3A_30 = arith.maximumf %add3A_28, %max3A_29 : vector<2048x64xf32>
    %concatenate3A = tpu.concatenate %max3A_30, %broadcast_in_dim3A_0 in 1 : vector<2048x64xf32>, vector<2048x64xf32> -> vector<2048x128xf32>
    %dot_general3A = arith.constant dense<0.000000e+00> : vector<2048x256xf32>
    %dot_general3A_31 = tpu.matmul %concatenate3A, %get3A_7, %dot_general3A {dimension_numbers = #tpu.dot_dimension_numbers<[1], [0], [0], [1], [0, 0, 1, 1], [], []>, transpose_lhs_hint = false} : vector<2048x128xf32>, vector<128x256xf32>, vector<2048x256xf32> -> vector<2048x256xf32>
    %add3A_32 = vector.broadcast %get3A_10 : vector<1x256xf32> to vector<2048x256xf32>
    %add3A_33 = arith.addf %dot_general3A_31, %add3A_32 : vector<2048x256xf32>
    %split3A = vector.extract_strided_slice %add3A_33 {offsets = [0, 0], sizes = [2048, 64], strides = [1, 1]} : vector<2048x256xf32> to vector<2048x64xf32>
    %split3A_34 = vector.extract_strided_slice %add3A_33 {offsets = [0, 64], sizes = [2048, 64], strides = [1, 1]} : vector<2048x256xf32> to vector<2048x64xf32>
    %split3A_35 = vector.extract_strided_slice %add3A_33 {offsets = [0, 128], sizes = [2048, 64], strides = [1, 1]} : vector<2048x256xf32> to vector<2048x64xf32>
    %split3A_36 = vector.extract_strided_slice %add3A_33 {offsets = [0, 192], sizes = [2048, 64], strides = [1, 1]} : vector<2048x256xf32> to vector<2048x64xf32>
    %mul3A_37 = arith.constant 5.000000e-01 : f32
    %mul3A_38 = vector.broadcast %mul3A_37 : f32 to vector<2048x64xf32>
    %mul3A_39 = arith.mulf %mul3A_38, %split3A_34 : vector<2048x64xf32>
    %tanh3A = math.tanh %mul3A_39 : vector<2048x64xf32>
    %mul3A_40 = arith.constant 5.000000e-01 : f32
    %mul3A_41 = vector.broadcast %mul3A_40 : f32 to vector<2048x64xf32>
    %mul3A_42 = arith.mulf %mul3A_41, %tanh3A : vector<2048x64xf32>
    %add3A_43 = arith.constant 5.000000e-01 : f32
    %add3A_44 = vector.broadcast %add3A_43 : f32 to vector<2048x64xf32>
    %add3A_45 = arith.addf %mul3A_42, %add3A_44 : vector<2048x64xf32>
    %mul3A_46 = arith.mulf %add3A_45, %broadcast_in_dim3A_2 : vector<2048x64xf32>
    %mul3A_47 = arith.constant 5.000000e-01 : f32
    %mul3A_48 = vector.broadcast %mul3A_47 : f32 to vector<2048x64xf32>
    %mul3A_49 = arith.mulf %mul3A_48, %split3A : vector<2048x64xf32>
    %tanh3A_50 = math.tanh %mul3A_49 : vector<2048x64xf32>
    %mul3A_51 = arith.constant 5.000000e-01 : f32
    %mul3A_52 = vector.broadcast %mul3A_51 : f32 to vector<2048x64xf32>
    %mul3A_53 = arith.mulf %mul3A_52, %tanh3A_50 : vector<2048x64xf32>
    %add3A_54 = arith.constant 5.000000e-01 : f32
    %add3A_55 = vector.broadcast %add3A_54 : f32 to vector<2048x64xf32>
    %add3A_56 = arith.addf %mul3A_53, %add3A_55 : vector<2048x64xf32>
    %tanh3A_57 = math.tanh %split3A_35 : vector<2048x64xf32>
    %mul3A_58 = arith.mulf %add3A_56, %tanh3A_57 : vector<2048x64xf32>
    %add3A_59 = arith.addf %mul3A_46, %mul3A_58 : vector<2048x64xf32>
    %mul3A_60 = arith.constant 5.000000e-01 : f32
    %mul3A_61 = vector.broadcast %mul3A_60 : f32 to vector<2048x64xf32>
    %mul3A_62 = arith.mulf %mul3A_61, %split3A_36 : vector<2048x64xf32>
    %tanh3A_63 = math.tanh %mul3A_62 : vector<2048x64xf32>
    %mul3A_64 = arith.constant 5.000000e-01 : f32
    %mul3A_65 = vector.broadcast %mul3A_64 : f32 to vector<2048x64xf32>
    %mul3A_66 = arith.mulf %mul3A_65, %tanh3A_63 : vector<2048x64xf32>
    %add3A_67 = arith.constant 5.000000e-01 : f32
    %add3A_68 = vector.broadcast %add3A_67 : f32 to vector<2048x64xf32>
    %add3A_69 = arith.addf %mul3A_66, %add3A_68 : vector<2048x64xf32>
    %tanh3A_70 = math.tanh %add3A_59 : vector<2048x64xf32>
    %mul3A_71 = arith.mulf %add3A_69, %tanh3A_70 : vector<2048x64xf32>
    %swap3A = arith.constant 0 : index
    %swap3A_72 = arith.constant 0 : index
    %swap3A_73 = arith.constant 0 : index
    %swap3A_74 = vector.load %arg6[%swap3A, %swap3A_72, %swap3A_73] : memref<4x2048x64xf32, #tpu.memory_space<vmem>>, vector<1x2048x64xf32>
    %swap3A_75 = vector.shape_cast %swap3A_74 : vector<1x2048x64xf32> to vector<2048x64xf32>
    %swap3A_76 = vector.shape_cast %mul3A_71 : vector<2048x64xf32> to vector<1x2048x64xf32>
    tpu.vector_store %arg6[%swap3A, %swap3A_72, %swap3A_73], %swap3A_76 {strides = array<i32>} : memref<4x2048x64xf32, #tpu.memory_space<vmem>>, vector<1x2048x64xf32>,
    %get3A_77 = arith.constant 1 : index
    %get3A_78 = arith.constant 0 : index
    %get3A_79 = arith.constant 0 : index
    %get3A_80 = vector.load %arg1[%get3A_77, %get3A_78, %get3A_79] : memref<4x2048x2xf32, #tpu.memory_space<vmem>>, vector<1x2048x2xf32>
    %get3A_81 = vector.shape_cast %get3A_80 : vector<1x2048x2xf32> to vector<2048x2xf32>
    %slice3A_82 = vector.extract_strided_slice %get3A_81 {offsets = [0, 0], sizes = [2048, 1], strides = [1, 1]} : vector<2048x2xf32> to vector<2048x1xf32>
    %slice3A_83 = vector.extract_strided_slice %get3A_4 {offsets = [0, 0], sizes = [1, 64], strides = [1, 1]} : vector<2x64xf32> to vector<1x64xf32>
    %mul3A_84 = vector.broadcast %slice3A_82 : vector<2048x1xf32> to vector<2048x64xf32>
    %mul3A_85 = vector.broadcast %slice3A_83 : vector<1x64xf32> to vector<2048x64xf32>
    %mul3A_86 = arith.mulf %mul3A_84, %mul3A_85 : vector<2048x64xf32>
    %slice3A_87 = vector.extract_strided_slice %get3A_81 {offsets = [0, 1], sizes = [2048, 1], strides = [1, 1]} : vector<2048x2xf32> to vector<2048x1xf32>
    %slice3A_88 = vector.extract_strided_slice %get3A_4 {offsets = [1, 0], sizes = [1, 64], strides = [1, 1]} : vector<2x64xf32> to vector<1x64xf32>
    %mul3A_89 = vector.broadcast %slice3A_87 : vector<2048x1xf32> to vector<2048x64xf32>
    %mul3A_90 = vector.broadcast %slice3A_88 : vector<1x64xf32> to vector<2048x64xf32>
    %mul3A_91 = arith.mulf %mul3A_89, %mul3A_90 : vector<2048x64xf32>
    %add3A_92 = arith.addf %mul3A_86, %mul3A_91 : vector<2048x64xf32>
    %add3A_93 = vector.broadcast %get3A_13 : vector<1x64xf32> to vector<2048x64xf32>
    %add3A_94 = arith.addf %add3A_92, %add3A_93 : vector<2048x64xf32>
    %max3A_95 = arith.constant 0.000000e+00 : f32
    %max3A_96 = vector.broadcast %max3A_95 : f32 to vector<2048x64xf32>
    %max3A_97 = arith.maximumf %add3A_94, %max3A_96 : vector<2048x64xf32>
    %concatenate3A_98 = tpu.concatenate %max3A_97, %mul3A_71 in 1 : vector<2048x64xf32>, vector<2048x64xf32> -> vector<2048x128xf32>
    %dot_general3A_99 = arith.constant dense<0.000000e+00> : vector<2048x256xf32>
    %dot_general3A_100 = tpu.matmul %concatenate3A_98, %get3A_7, %dot_general3A_99 {dimension_numbers = #tpu.dot_dimension_numbers<[1], [0], [0], [1], [0, 0, 1, 1], [], []>, transpose_lhs_hint = false} : vector<2048x128xf32>, vector<128x256xf32>, vector<2048x256xf32> -> vector<2048x256xf32>
    %add3A_101 = vector.broadcast %get3A_10 : vector<1x256xf32> to vector<2048x256xf32>
    %add3A_102 = arith.addf %dot_general3A_100, %add3A_101 : vector<2048x256xf32>
    %split3A_103 = vector.extract_strided_slice %add3A_102 {offsets = [0, 0], sizes = [2048, 64], strides = [1, 1]} : vector<2048x256xf32> to vector<2048x64xf32>
    %split3A_104 = vector.extract_strided_slice %add3A_102 {offsets = [0, 64], sizes = [2048, 64], strides = [1, 1]} : vector<2048x256xf32> to vector<2048x64xf32>
    %split3A_105 = vector.extract_strided_slice %add3A_102 {offsets = [0, 128], sizes = [2048, 64], strides = [1, 1]} : vector<2048x256xf32> to vector<2048x64xf32>
    %split3A_106 = vector.extract_strided_slice %add3A_102 {offsets = [0, 192], sizes = [2048, 64], strides = [1, 1]} : vector<2048x256xf32> to vector<2048x64xf32>
    %mul3A_107 = arith.constant 5.000000e-01 : f32
    %mul3A_108 = vector.broadcast %mul3A_107 : f32 to vector<2048x64xf32>
    %mul3A_109 = arith.mulf %mul3A_108, %split3A_104 : vector<2048x64xf32>
    %tanh3A_110 = math.tanh %mul3A_109 : vector<2048x64xf32>
    %mul3A_111 = arith.constant 5.000000e-01 : f32
    %mul3A_112 = vector.broadcast %mul3A_111 : f32 to vector<2048x64xf32>
    %mul3A_113 = arith.mulf %mul3A_112, %tanh3A_110 : vector<2048x64xf32>
    %add3A_114 = arith.constant 5.000000e-01 : f32
    %add3A_115 = vector.broadcast %add3A_114 : f32 to vector<2048x64xf32>
    %add3A_116 = arith.addf %mul3A_113, %add3A_115 : vector<2048x64xf32>
    %mul3A_117 = arith.mulf %add3A_116, %add3A_59 : vector<2048x64xf32>
    %mul3A_118 = arith.constant 5.000000e-01 : f32
    %mul3A_119 = vector.broadcast %mul3A_118 : f32 to vector<2048x64xf32>
    %mul3A_120 = arith.mulf %mul3A_119, %split3A_103 : vector<2048x64xf32>
    %tanh3A_121 = math.tanh %mul3A_120 : vector<2048x64xf32>
    %mul3A_122 = arith.constant 5.000000e-01 : f32
    %mul3A_123 = vector.broadcast %mul3A_122 : f32 to vector<2048x64xf32>
    %mul3A_124 = arith.mulf %mul3A_123, %tanh3A_121 : vector<2048x64xf32>
    %add3A_125 = arith.constant 5.000000e-01 : f32
    %add3A_126 = vector.broadcast %add3A_125 : f32 to vector<2048x64xf32>
    %add3A_127 = arith.addf %mul3A_124, %add3A_126 : vector<2048x64xf32>
    %tanh3A_128 = math.tanh %split3A_105 : vector<2048x64xf32>
    %mul3A_129 = arith.mulf %add3A_127, %tanh3A_128 : vector<2048x64xf32>
    %add3A_130 = arith.addf %mul3A_117, %mul3A_129 : vector<2048x64xf32>
    %mul3A_131 = arith.constant 5.000000e-01 : f32
    %mul3A_132 = vector.broadcast %mul3A_131 : f32 to vector<2048x64xf32>
    %mul3A_133 = arith.mulf %mul3A_132, %split3A_106 : vector<2048x64xf32>
    %tanh3A_134 = math.tanh %mul3A_133 : vector<2048x64xf32>
    %mul3A_135 = arith.constant 5.000000e-01 : f32
    %mul3A_136 = vector.broadcast %mul3A_135 : f32 to vector<2048x64xf32>
    %mul3A_137 = arith.mulf %mul3A_136, %tanh3A_134 : vector<2048x64xf32>
    %add3A_138 = arith.constant 5.000000e-01 : f32
    %add3A_139 = vector.broadcast %add3A_138 : f32 to vector<2048x64xf32>
    %add3A_140 = arith.addf %mul3A_137, %add3A_139 : vector<2048x64xf32>
    %tanh3A_141 = math.tanh %add3A_130 : vector<2048x64xf32>
    %mul3A_142 = arith.mulf %add3A_140, %tanh3A_141 : vector<2048x64xf32>
    %swap3A_143 = arith.constant 1 : index
    %swap3A_144 = arith.constant 0 : index
    %swap3A_145 = arith.constant 0 : index
    %swap3A_146 = vector.load %arg6[%swap3A_143, %swap3A_144, %swap3A_145] : memref<4x2048x64xf32, #tpu.memory_space<vmem>>, vector<1x2048x64xf32>
    %swap3A_147 = vector.shape_cast %swap3A_146 : vector<1x2048x64xf32> to vector<2048x64xf32>
    %swap3A_148 = vector.shape_cast %mul3A_142 : vector<2048x64xf32> to vector<1x2048x64xf32>
    tpu.vector_store %arg6[%swap3A_143, %swap3A_144, %swap3A_145], %swap3A_148 {strides = array<i32>} : memref<4x2048x64xf32, #tpu.memory_space<vmem>>, vector<1x2048x64xf32>,
    %get3A_149 = arith.constant 2 : index
    %get3A_150 = arith.constant 0 : index
    %get3A_151 = arith.constant 0 : index
    %get3A_152 = vector.load %arg1[%get3A_149, %get3A_150, %get3A_151] : memref<4x2048x2xf32, #tpu.memory_space<vmem>>, vector<1x2048x2xf32>
    %get3A_153 = vector.shape_cast %get3A_152 : vector<1x2048x2xf32> to vector<2048x2xf32>
    %slice3A_154 = vector.extract_strided_slice %get3A_153 {offsets = [0, 0], sizes = [2048, 1], strides = [1, 1]} : vector<2048x2xf32> to vector<2048x1xf32>
    %slice3A_155 = vector.extract_strided_slice %get3A_4 {offsets = [0, 0], sizes = [1, 64], strides = [1, 1]} : vector<2x64xf32> to vector<1x64xf32>
    %mul3A_156 = vector.broadcast %slice3A_154 : vector<2048x1xf32> to vector<2048x64xf32>
    %mul3A_157 = vector.broadcast %slice3A_155 : vector<1x64xf32> to vector<2048x64xf32>
    %mul3A_158 = arith.mulf %mul3A_156, %mul3A_157 : vector<2048x64xf32>
    %slice3A_159 = vector.extract_strided_slice %get3A_153 {offsets = [0, 1], sizes = [2048, 1], strides = [1, 1]} : vector<2048x2xf32> to vector<2048x1xf32>
    %slice3A_160 = vector.extract_strided_slice %get3A_4 {offsets = [1, 0], sizes = [1, 64], strides = [1, 1]} : vector<2x64xf32> to vector<1x64xf32>
    %mul3A_161 = vector.broadcast %slice3A_159 : vector<2048x1xf32> to vector<2048x64xf32>
    %mul3A_162 = vector.broadcast %slice3A_160 : vector<1x64xf32> to vector<2048x64xf32>
    %mul3A_163 = arith.mulf %mul3A_161, %mul3A_162 : vector<2048x64xf32>
    %add3A_164 = arith.addf %mul3A_158, %mul3A_163 : vector<2048x64xf32>
    %add3A_165 = vector.broadcast %get3A_13 : vector<1x64xf32> to vector<2048x64xf32>
    %add3A_166 = arith.addf %add3A_164, %add3A_165 : vector<2048x64xf32>
    %max3A_167 = arith.constant 0.000000e+00 : f32
    %max3A_168 = vector.broadcast %max3A_167 : f32 to vector<2048x64xf32>
    %max3A_169 = arith.maximumf %add3A_166, %max3A_168 : vector<2048x64xf32>
    %concatenate3A_170 = tpu.concatenate %max3A_169, %mul3A_142 in 1 : vector<2048x64xf32>, vector<2048x64xf32> -> vector<2048x128xf32>
    %dot_general3A_171 = arith.constant dense<0.000000e+00> : vector<2048x256xf32>
    %dot_general3A_172 = tpu.matmul %concatenate3A_170, %get3A_7, %dot_general3A_171 {dimension_numbers = #tpu.dot_dimension_numbers<[1], [0], [0], [1], [0, 0, 1, 1], [], []>, transpose_lhs_hint = false} : vector<2048x128xf32>, vector<128x256xf32>, vector<2048x256xf32> -> vector<2048x256xf32>
    %add3A_173 = vector.broadcast %get3A_10 : vector<1x256xf32> to vector<2048x256xf32>
    %add3A_174 = arith.addf %dot_general3A_172, %add3A_173 : vector<2048x256xf32>
    %split3A_175 = vector.extract_strided_slice %add3A_174 {offsets = [0, 0], sizes = [2048, 64], strides = [1, 1]} : vector<2048x256xf32> to vector<2048x64xf32>
    %split3A_176 = vector.extract_strided_slice %add3A_174 {offsets = [0, 64], sizes = [2048, 64], strides = [1, 1]} : vector<2048x256xf32> to vector<2048x64xf32>
    %split3A_177 = vector.extract_strided_slice %add3A_174 {offsets = [0, 128], sizes = [2048, 64], strides = [1, 1]} : vector<2048x256xf32> to vector<2048x64xf32>
    %split3A_178 = vector.extract_strided_slice %add3A_174 {offsets = [0, 192], sizes = [2048, 64], strides = [1, 1]} : vector<2048x256xf32> to vector<2048x64xf32>
    %mul3A_179 = arith.constant 5.000000e-01 : f32
    %mul3A_180 = vector.broadcast %mul3A_179 : f32 to vector<2048x64xf32>
    %mul3A_181 = arith.mulf %mul3A_180, %split3A_176 : vector<2048x64xf32>
    %tanh3A_182 = math.tanh %mul3A_181 : vector<2048x64xf32>
    %mul3A_183 = arith.constant 5.000000e-01 : f32
    %mul3A_184 = vector.broadcast %mul3A_183 : f32 to vector<2048x64xf32>
    %mul3A_185 = arith.mulf %mul3A_184, %tanh3A_182 : vector<2048x64xf32>
    %add3A_186 = arith.constant 5.000000e-01 : f32
    %add3A_187 = vector.broadcast %add3A_186 : f32 to vector<2048x64xf32>
    %add3A_188 = arith.addf %mul3A_185, %add3A_187 : vector<2048x64xf32>
    %mul3A_189 = arith.mulf %add3A_188, %add3A_130 : vector<2048x64xf32>
    %mul3A_190 = arith.constant 5.000000e-01 : f32
    %mul3A_191 = vector.broadcast %mul3A_190 : f32 to vector<2048x64xf32>
    %mul3A_192 = arith.mulf %mul3A_191, %split3A_175 : vector<2048x64xf32>
    %tanh3A_193 = math.tanh %mul3A_192 : vector<2048x64xf32>
    %mul3A_194 = arith.constant 5.000000e-01 : f32
    %mul3A_195 = vector.broadcast %mul3A_194 : f32 to vector<2048x64xf32>
    %mul3A_196 = arith.mulf %mul3A_195, %tanh3A_193 : vector<2048x64xf32>
    %add3A_197 = arith.constant 5.000000e-01 : f32
    %add3A_198 = vector.broadcast %add3A_197 : f32 to vector<2048x64xf32>
    %add3A_199 = arith.addf %mul3A_196, %add3A_198 : vector<2048x64xf32>
    %tanh3A_200 = math.tanh %split3A_177 : vector<2048x64xf32>
    %mul3A_201 = arith.mulf %add3A_199, %tanh3A_200 : vector<2048x64xf32>
    %add3A_202 = arith.addf %mul3A_189, %mul3A_201 : vector<2048x64xf32>
    %mul3A_203 = arith.constant 5.000000e-01 : f32
    %mul3A_204 = vector.broadcast %mul3A_203 : f32 to vector<2048x64xf32>
    %mul3A_205 = arith.mulf %mul3A_204, %split3A_178 : vector<2048x64xf32>
    %tanh3A_206 = math.tanh %mul3A_205 : vector<2048x64xf32>
    %mul3A_207 = arith.constant 5.000000e-01 : f32
    %mul3A_208 = vector.broadcast %mul3A_207 : f32 to vector<2048x64xf32>
    %mul3A_209 = arith.mulf %mul3A_208, %tanh3A_206 : vector<2048x64xf32>
    %add3A_210 = arith.constant 5.000000e-01 : f32
    %add3A_211 = vector.broadcast %add3A_210 : f32 to vector<2048x64xf32>
    %add3A_212 = arith.addf %mul3A_209, %add3A_211 : vector<2048x64xf32>
    %tanh3A_213 = math.tanh %add3A_202 : vector<2048x64xf32>
    %mul3A_214 = arith.mulf %add3A_212, %tanh3A_213 : vector<2048x64xf32>
    %swap3A_215 = arith.constant 2 : index
    %swap3A_216 = arith.constant 0 : index
    %swap3A_217 = arith.constant 0 : index
    %swap3A_218 = vector.load %arg6[%swap3A_215, %swap3A_216, %swap3A_217] : memref<4x2048x64xf32, #tpu.memory_space<vmem>>, vector<1x2048x64xf32>
    %swap3A_219 = vector.shape_cast %swap3A_218 : vector<1x2048x64xf32> to vector<2048x64xf32>
    %swap3A_220 = vector.shape_cast %mul3A_214 : vector<2048x64xf32> to vector<1x2048x64xf32>
    tpu.vector_store %arg6[%swap3A_215, %swap3A_216, %swap3A_217], %swap3A_220 {strides = array<i32>} : memref<4x2048x64xf32, #tpu.memory_space<vmem>>, vector<1x2048x64xf32>,
    %get3A_221 = arith.constant 3 : index
    %get3A_222 = arith.constant 0 : index
    %get3A_223 = arith.constant 0 : index
    %get3A_224 = vector.load %arg1[%get3A_221, %get3A_222, %get3A_223] : memref<4x2048x2xf32, #tpu.memory_space<vmem>>, vector<1x2048x2xf32>
    %get3A_225 = vector.shape_cast %get3A_224 : vector<1x2048x2xf32> to vector<2048x2xf32>
    %slice3A_226 = vector.extract_strided_slice %get3A_225 {offsets = [0, 0], sizes = [2048, 1], strides = [1, 1]} : vector<2048x2xf32> to vector<2048x1xf32>
    %slice3A_227 = vector.extract_strided_slice %get3A_4 {offsets = [0, 0], sizes = [1, 64], strides = [1, 1]} : vector<2x64xf32> to vector<1x64xf32>
    %mul3A_228 = vector.broadcast %slice3A_226 : vector<2048x1xf32> to vector<2048x64xf32>
    %mul3A_229 = vector.broadcast %slice3A_227 : vector<1x64xf32> to vector<2048x64xf32>
    %mul3A_230 = arith.mulf %mul3A_228, %mul3A_229 : vector<2048x64xf32>
    %slice3A_231 = vector.extract_strided_slice %get3A_225 {offsets = [0, 1], sizes = [2048, 1], strides = [1, 1]} : vector<2048x2xf32> to vector<2048x1xf32>
    %slice3A_232 = vector.extract_strided_slice %get3A_4 {offsets = [1, 0], sizes = [1, 64], strides = [1, 1]} : vector<2x64xf32> to vector<1x64xf32>
    %mul3A_233 = vector.broadcast %slice3A_231 : vector<2048x1xf32> to vector<2048x64xf32>
    %mul3A_234 = vector.broadcast %slice3A_232 : vector<1x64xf32> to vector<2048x64xf32>
    %mul3A_235 = arith.mulf %mul3A_233, %mul3A_234 : vector<2048x64xf32>
    %add3A_236 = arith.addf %mul3A_230, %mul3A_235 : vector<2048x64xf32>
    %add3A_237 = vector.broadcast %get3A_13 : vector<1x64xf32> to vector<2048x64xf32>
    %add3A_238 = arith.addf %add3A_236, %add3A_237 : vector<2048x64xf32>
    %max3A_239 = arith.constant 0.000000e+00 : f32
    %max3A_240 = vector.broadcast %max3A_239 : f32 to vector<2048x64xf32>
    %max3A_241 = arith.maximumf %add3A_238, %max3A_240 : vector<2048x64xf32>
    %concatenate3A_242 = tpu.concatenate %max3A_241, %mul3A_214 in 1 : vector<2048x64xf32>, vector<2048x64xf32> -> vector<2048x128xf32>
    %dot_general3A_243 = arith.constant dense<0.000000e+00> : vector<2048x256xf32>
    %dot_general3A_244 = tpu.matmul %concatenate3A_242, %get3A_7, %dot_general3A_243 {dimension_numbers = #tpu.dot_dimension_numbers<[1], [0], [0], [1], [0, 0, 1, 1], [], []>, transpose_lhs_hint = false} : vector<2048x128xf32>, vector<128x256xf32>, vector<2048x256xf32> -> vector<2048x256xf32>
    %add3A_245 = vector.broadcast %get3A_10 : vector<1x256xf32> to vector<2048x256xf32>
    %add3A_246 = arith.addf %dot_general3A_244, %add3A_245 : vector<2048x256xf32>
    %split3A_247 = vector.extract_strided_slice %add3A_246 {offsets = [0, 0], sizes = [2048, 64], strides = [1, 1]} : vector<2048x256xf32> to vector<2048x64xf32>
    %split3A_248 = vector.extract_strided_slice %add3A_246 {offsets = [0, 64], sizes = [2048, 64], strides = [1, 1]} : vector<2048x256xf32> to vector<2048x64xf32>
    %split3A_249 = vector.extract_strided_slice %add3A_246 {offsets = [0, 128], sizes = [2048, 64], strides = [1, 1]} : vector<2048x256xf32> to vector<2048x64xf32>
    %split3A_250 = vector.extract_strided_slice %add3A_246 {offsets = [0, 192], sizes = [2048, 64], strides = [1, 1]} : vector<2048x256xf32> to vector<2048x64xf32>
    %mul3A_251 = arith.constant 5.000000e-01 : f32
    %mul3A_252 = vector.broadcast %mul3A_251 : f32 to vector<2048x64xf32>
    %mul3A_253 = arith.mulf %mul3A_252, %split3A_248 : vector<2048x64xf32>
    %tanh3A_254 = math.tanh %mul3A_253 : vector<2048x64xf32>
    %mul3A_255 = arith.constant 5.000000e-01 : f32
    %mul3A_256 = vector.broadcast %mul3A_255 : f32 to vector<2048x64xf32>
    %mul3A_257 = arith.mulf %mul3A_256, %tanh3A_254 : vector<2048x64xf32>
    %add3A_258 = arith.constant 5.000000e-01 : f32
    %add3A_259 = vector.broadcast %add3A_258 : f32 to vector<2048x64xf32>
    %add3A_260 = arith.addf %mul3A_257, %add3A_259 : vector<2048x64xf32>
    %mul3A_261 = arith.mulf %add3A_260, %add3A_202 : vector<2048x64xf32>
    %mul3A_262 = arith.constant 5.000000e-01 : f32
    %mul3A_263 = vector.broadcast %mul3A_262 : f32 to vector<2048x64xf32>
    %mul3A_264 = arith.mulf %mul3A_263, %split3A_247 : vector<2048x64xf32>
    %tanh3A_265 = math.tanh %mul3A_264 : vector<2048x64xf32>
    %mul3A_266 = arith.constant 5.000000e-01 : f32
    %mul3A_267 = vector.broadcast %mul3A_266 : f32 to vector<2048x64xf32>
    %mul3A_268 = arith.mulf %mul3A_267, %tanh3A_265 : vector<2048x64xf32>
    %add3A_269 = arith.constant 5.000000e-01 : f32
    %add3A_270 = vector.broadcast %add3A_269 : f32 to vector<2048x64xf32>
    %add3A_271 = arith.addf %mul3A_268, %add3A_270 : vector<2048x64xf32>
    %tanh3A_272 = math.tanh %split3A_249 : vector<2048x64xf32>
    %mul3A_273 = arith.mulf %add3A_271, %tanh3A_272 : vector<2048x64xf32>
    %add3A_274 = arith.addf %mul3A_261, %mul3A_273 : vector<2048x64xf32>
    %mul3A_275 = arith.constant 5.000000e-01 : f32
    %mul3A_276 = vector.broadcast %mul3A_275 : f32 to vector<2048x64xf32>
    %mul3A_277 = arith.mulf %mul3A_276, %split3A_250 : vector<2048x64xf32>
    %tanh3A_278 = math.tanh %mul3A_277 : vector<2048x64xf32>
    %mul3A_279 = arith.constant 5.000000e-01 : f32
    %mul3A_280 = vector.broadcast %mul3A_279 : f32 to vector<2048x64xf32>
    %mul3A_281 = arith.mulf %mul3A_280, %tanh3A_278 : vector<2048x64xf32>
    %add3A_282 = arith.constant 5.000000e-01 : f32
    %add3A_283 = vector.broadcast %add3A_282 : f32 to vector<2048x64xf32>
    %add3A_284 = arith.addf %mul3A_281, %add3A_283 : vector<2048x64xf32>
    %tanh3A_285 = math.tanh %add3A_274 : vector<2048x64xf32>
    %mul3A_286 = arith.mulf %add3A_284, %tanh3A_285 : vector<2048x64xf32>
    %swap3A_287 = arith.constant 3 : index
    %swap3A_288 = arith.constant 0 : index
    %swap3A_289 = arith.constant 0 : index
    %swap3A_290 = vector.load %arg6[%swap3A_287, %swap3A_288, %swap3A_289] : memref<4x2048x64xf32, #tpu.memory_space<vmem>>, vector<1x2048x64xf32>
    %swap3A_291 = vector.shape_cast %swap3A_290 : vector<1x2048x64xf32> to vector<2048x64xf32>
    %swap3A_292 = vector.shape_cast %mul3A_286 : vector<2048x64xf32> to vector<1x2048x64xf32>
    tpu.vector_store %arg6[%swap3A_287, %swap3A_288, %swap3A_289], %swap3A_292 {strides = array<i32>} : memref<4x2048x64xf32, #tpu.memory_space<vmem>>, vector<1x2048x64xf32>,
    return
  }
  func.func @transform_0(%arg0: i32) -> (i32, i32, i32) {
    %c0_i32 = arith.constant 0 : i32
    %c0_i32_0 = arith.constant 0 : i32
    %c0_i32_1 = arith.constant 0 : i32
    return %c0_i32, %arg0, %c0_i32_0 : i32, i32, i32
  }
  func.func @transform_1(%arg0: i32) -> (i32, i32) {
    %c0_i32 = arith.constant 0 : i32
    %c0_i32_0 = arith.constant 0 : i32
    %c0_i32_1 = arith.constant 0 : i32
    return %c0_i32, %c0_i32_0 : i32, i32
  }
  func.func @transform_2(%arg0: i32) -> (i32, i32) {
    %c0_i32 = arith.constant 0 : i32
    %c0_i32_0 = arith.constant 0 : i32
    %c0_i32_1 = arith.constant 0 : i32
    return %c0_i32, %c0_i32_0 : i32, i32
  }
  func.func @transform_3(%arg0: i32) -> (i32, i32) {
    %c0_i32 = arith.constant 0 : i32
    %c0_i32_0 = arith.constant 0 : i32
    %c0_i32_1 = arith.constant 0 : i32
    return %c0_i32, %c0_i32_0 : i32, i32
  }
  func.func @transform_4(%arg0: i32) -> (i32, i32) {
    %c0_i32 = arith.constant 0 : i32
    %c0_i32_0 = arith.constant 0 : i32
    %c0_i32_1 = arith.constant 0 : i32
    return %c0_i32, %c0_i32_0 : i32, i32
  }
  func.func @transform_5(%arg0: i32) -> (i32, i32, i32) {
    %c0_i32 = arith.constant 0 : i32
    %c0_i32_0 = arith.constant 0 : i32
    %c0_i32_1 = arith.constant 0 : i32
    return %c0_i32, %arg0, %c0_i32_0 : i32, i32, i32
  }
}

module attributes {stable_mosaic.version = 14 : i64} {
  func.func @_node_body(%arg0: i32, %arg1: memref<4x512x2xf32, #tpu.memory_space<vmem>>, %arg2: memref<4x512x1xf32, #tpu.memory_space<vmem>>, %arg3: memref<4x2x512x64xf32, #tpu.memory_space<vmem>>, %arg4: memref<2x64xf32, #tpu.memory_space<vmem>>, %arg5: memref<1x64xf32, #tpu.memory_space<vmem>>, %arg6: memref<128x256xf32, #tpu.memory_space<vmem>>, %arg7: memref<1x256xf32, #tpu.memory_space<vmem>>, %arg8: memref<1x64xf32, #tpu.memory_space<vmem>>, %arg9: memref<1x64xf32, #tpu.memory_space<vmem>>, %arg10: memref<128x64xf32, #tpu.memory_space<vmem>>, %arg11: memref<1x64xf32, #tpu.memory_space<vmem>>, %arg12: memref<192x256xf32, #tpu.memory_space<vmem>>, %arg13: memref<1x256xf32, #tpu.memory_space<vmem>>, %arg14: memref<64x8xf32, #tpu.memory_space<vmem>>, %arg15: memref<1x8xf32, #tpu.memory_space<vmem>>, %arg16: memref<4x512x8xf32, #tpu.memory_space<vmem>>) attributes {dimension_semantics = [#tpu.dimension_semantics<arbitrary>], iteration_bounds = array<i64: 20>, scalar_prefetch = 0 : i64, scratch_operands = 0 : i64, tpu.core_type = #tpu.core_type<tc>, window_params = [{transform_indices = @transform_0, window_bounds = array<i64: 4, 512, 2>}, {transform_indices = @transform_1, window_bounds = array<i64: 4, 512, 1>}, {transform_indices = @transform_2, window_bounds = array<i64: 4, 2, 512, 64>}, {pipeline_mode = #tpu.pipeline_mode<synchronous>, transform_indices = @transform_3, window_bounds = array<i64: 2, 64>}, {pipeline_mode = #tpu.pipeline_mode<synchronous>, transform_indices = @transform_4, window_bounds = array<i64: 1, 64>}, {pipeline_mode = #tpu.pipeline_mode<synchronous>, transform_indices = @transform_5, window_bounds = array<i64: 128, 256>}, {pipeline_mode = #tpu.pipeline_mode<synchronous>, transform_indices = @transform_6, window_bounds = array<i64: 1, 256>}, {pipeline_mode = #tpu.pipeline_mode<synchronous>, transform_indices = @transform_7, window_bounds = array<i64: 1, 64>}, {pipeline_mode = #tpu.pipeline_mode<synchronous>, transform_indices = @transform_8, window_bounds = array<i64: 1, 64>}, {pipeline_mode = #tpu.pipeline_mode<synchronous>, transform_indices = @transform_9, window_bounds = array<i64: 128, 64>}, {pipeline_mode = #tpu.pipeline_mode<synchronous>, transform_indices = @transform_10, window_bounds = array<i64: 1, 64>}, {pipeline_mode = #tpu.pipeline_mode<synchronous>, transform_indices = @transform_11, window_bounds = array<i64: 192, 256>}, {pipeline_mode = #tpu.pipeline_mode<synchronous>, transform_indices = @transform_12, window_bounds = array<i64: 1, 256>}, {pipeline_mode = #tpu.pipeline_mode<synchronous>, transform_indices = @transform_13, window_bounds = array<i64: 64, 8>}, {pipeline_mode = #tpu.pipeline_mode<synchronous>, transform_indices = @transform_14, window_bounds = array<i64: 1, 8>}, {transform_indices = @transform_15, window_bounds = array<i64: 4, 512, 8>}]} {
    %broadcast_in_dim3A = arith.constant 0.000000e+00 : f32
    %broadcast_in_dim3A_0 = vector.broadcast %broadcast_in_dim3A : f32 to vector<512x64xf32>
    %broadcast_in_dim3A_1 = arith.constant 0.000000e+00 : f32
    %broadcast_in_dim3A_2 = vector.broadcast %broadcast_in_dim3A_1 : f32 to vector<512x64xf32>
    %broadcast_in_dim3A_3 = arith.constant 0.000000e+00 : f32
    %broadcast_in_dim3A_4 = vector.broadcast %broadcast_in_dim3A_3 : f32 to vector<512x64xf32>
    %broadcast_in_dim3A_5 = arith.constant 0.000000e+00 : f32
    %broadcast_in_dim3A_6 = vector.broadcast %broadcast_in_dim3A_5 : f32 to vector<512x64xf32>
    %get3A = arith.constant 0 : index
    %get3A_7 = arith.constant 0 : index
    %get3A_8 = vector.load %arg4[%get3A, %get3A_7] : memref<2x64xf32, #tpu.memory_space<vmem>>, vector<2x64xf32>
    %get3A_9 = arith.constant 0 : index
    %get3A_10 = arith.constant 0 : index
    %get3A_11 = vector.load %arg8[%get3A_9, %get3A_10] : memref<1x64xf32, #tpu.memory_space<vmem>>, vector<1x64xf32>
    %get3A_12 = arith.constant 0 : index
    %get3A_13 = arith.constant 0 : index
    %get3A_14 = vector.load %arg10[%get3A_12, %get3A_13] : memref<128x64xf32, #tpu.memory_space<vmem>>, vector<128x64xf32>
    %get3A_15 = arith.constant 0 : index
    %get3A_16 = arith.constant 0 : index
    %get3A_17 = vector.load %arg6[%get3A_15, %get3A_16] : memref<128x256xf32, #tpu.memory_space<vmem>>, vector<128x256xf32>
    %get3A_18 = arith.constant 0 : index
    %get3A_19 = arith.constant 0 : index
    %get3A_20 = vector.load %arg12[%get3A_18, %get3A_19] : memref<192x256xf32, #tpu.memory_space<vmem>>, vector<192x256xf32>
    %get3A_21 = arith.constant 0 : index
    %get3A_22 = arith.constant 0 : index
    %get3A_23 = arith.constant 0 : index
    %get3A_24 = vector.load %arg1[%get3A_21, %get3A_22, %get3A_23] : memref<4x512x2xf32, #tpu.memory_space<vmem>>, vector<1x512x2xf32>
    %get3A_25 = vector.shape_cast %get3A_24 : vector<1x512x2xf32> to vector<512x2xf32>
    %slice3A = vector.extract_strided_slice %get3A_25 {offsets = [0, 0], sizes = [512, 1], strides = [1, 1]} : vector<512x2xf32> to vector<512x1xf32>
    %slice3A_26 = vector.extract_strided_slice %get3A_8 {offsets = [0, 0], sizes = [1, 64], strides = [1, 1]} : vector<2x64xf32> to vector<1x64xf32>
    %mul3A = vector.broadcast %slice3A : vector<512x1xf32> to vector<512x64xf32>
    %mul3A_27 = vector.broadcast %slice3A_26 : vector<1x64xf32> to vector<512x64xf32>
    %mul3A_28 = arith.mulf %mul3A, %mul3A_27 : vector<512x64xf32>
    %slice3A_29 = vector.extract_strided_slice %get3A_25 {offsets = [0, 1], sizes = [512, 1], strides = [1, 1]} : vector<512x2xf32> to vector<512x1xf32>
    %slice3A_30 = vector.extract_strided_slice %get3A_8 {offsets = [1, 0], sizes = [1, 64], strides = [1, 1]} : vector<2x64xf32> to vector<1x64xf32>
    %mul3A_31 = vector.broadcast %slice3A_29 : vector<512x1xf32> to vector<512x64xf32>
    %mul3A_32 = vector.broadcast %slice3A_30 : vector<1x64xf32> to vector<512x64xf32>
    %mul3A_33 = arith.mulf %mul3A_31, %mul3A_32 : vector<512x64xf32>
    %add3A = arith.addf %mul3A_28, %mul3A_33 : vector<512x64xf32>
    %get3A_34 = arith.constant 0 : index
    %get3A_35 = arith.constant 0 : index
    %get3A_36 = vector.load %arg5[%get3A_34, %get3A_35] : memref<1x64xf32, #tpu.memory_space<vmem>>, vector<1x64xf32>
    %add3A_37 = vector.broadcast %get3A_36 : vector<1x64xf32> to vector<512x64xf32>
    %add3A_38 = arith.addf %add3A, %add3A_37 : vector<512x64xf32>
    %max3A = arith.constant 0.000000e+00 : f32
    %max3A_39 = vector.broadcast %max3A : f32 to vector<512x64xf32>
    %max3A_40 = arith.maximumf %add3A_38, %max3A_39 : vector<512x64xf32>
    %concatenate3A = tpu.concatenate %max3A_40, %broadcast_in_dim3A_0 in 1 : vector<512x64xf32>, vector<512x64xf32> -> vector<512x128xf32>
    %get3A_41 = arith.constant 0 : index
    %get3A_42 = arith.constant 0 : index
    %get3A_43 = vector.load %arg7[%get3A_41, %get3A_42] : memref<1x256xf32, #tpu.memory_space<vmem>>, vector<1x256xf32>
    %dot_general3A = arith.constant dense<0.000000e+00> : vector<512x256xf32>
    %dot_general3A_44 = tpu.matmul %concatenate3A, %get3A_17, %dot_general3A {dimension_numbers = #tpu.dot_dimension_numbers<[1], [0], [0], [1], [0, 0, 1, 1], [], []>, transpose_lhs_hint = false} : vector<512x128xf32>, vector<128x256xf32>, vector<512x256xf32> -> vector<512x256xf32>
    %add3A_45 = vector.broadcast %get3A_43 : vector<1x256xf32> to vector<512x256xf32>
    %add3A_46 = arith.addf %dot_general3A_44, %add3A_45 : vector<512x256xf32>
    %split3A = vector.extract_strided_slice %add3A_46 {offsets = [0, 0], sizes = [512, 64], strides = [1, 1]} : vector<512x256xf32> to vector<512x64xf32>
    %split3A_47 = vector.extract_strided_slice %add3A_46 {offsets = [0, 64], sizes = [512, 64], strides = [1, 1]} : vector<512x256xf32> to vector<512x64xf32>
    %split3A_48 = vector.extract_strided_slice %add3A_46 {offsets = [0, 128], sizes = [512, 64], strides = [1, 1]} : vector<512x256xf32> to vector<512x64xf32>
    %split3A_49 = vector.extract_strided_slice %add3A_46 {offsets = [0, 192], sizes = [512, 64], strides = [1, 1]} : vector<512x256xf32> to vector<512x64xf32>
    %mul3A_50 = arith.constant 5.000000e-01 : f32
    %mul3A_51 = vector.broadcast %mul3A_50 : f32 to vector<512x64xf32>
    %mul3A_52 = arith.mulf %mul3A_51, %split3A_47 : vector<512x64xf32>
    %tanh3A = math.tanh %mul3A_52 : vector<512x64xf32>
    %mul3A_53 = arith.constant 5.000000e-01 : f32
    %mul3A_54 = vector.broadcast %mul3A_53 : f32 to vector<512x64xf32>
    %mul3A_55 = arith.mulf %mul3A_54, %tanh3A : vector<512x64xf32>
    %add3A_56 = arith.constant 5.000000e-01 : f32
    %add3A_57 = vector.broadcast %add3A_56 : f32 to vector<512x64xf32>
    %add3A_58 = arith.addf %mul3A_55, %add3A_57 : vector<512x64xf32>
    %mul3A_59 = arith.mulf %add3A_58, %broadcast_in_dim3A_2 : vector<512x64xf32>
    %mul3A_60 = arith.constant 5.000000e-01 : f32
    %mul3A_61 = vector.broadcast %mul3A_60 : f32 to vector<512x64xf32>
    %mul3A_62 = arith.mulf %mul3A_61, %split3A : vector<512x64xf32>
    %tanh3A_63 = math.tanh %mul3A_62 : vector<512x64xf32>
    %mul3A_64 = arith.constant 5.000000e-01 : f32
    %mul3A_65 = vector.broadcast %mul3A_64 : f32 to vector<512x64xf32>
    %mul3A_66 = arith.mulf %mul3A_65, %tanh3A_63 : vector<512x64xf32>
    %add3A_67 = arith.constant 5.000000e-01 : f32
    %add3A_68 = vector.broadcast %add3A_67 : f32 to vector<512x64xf32>
    %add3A_69 = arith.addf %mul3A_66, %add3A_68 : vector<512x64xf32>
    %tanh3A_70 = math.tanh %split3A_48 : vector<512x64xf32>
    %mul3A_71 = arith.mulf %add3A_69, %tanh3A_70 : vector<512x64xf32>
    %add3A_72 = arith.addf %mul3A_59, %mul3A_71 : vector<512x64xf32>
    %mul3A_73 = arith.constant 5.000000e-01 : f32
    %mul3A_74 = vector.broadcast %mul3A_73 : f32 to vector<512x64xf32>
    %mul3A_75 = arith.mulf %mul3A_74, %split3A_49 : vector<512x64xf32>
    %tanh3A_76 = math.tanh %mul3A_75 : vector<512x64xf32>
    %mul3A_77 = arith.constant 5.000000e-01 : f32
    %mul3A_78 = vector.broadcast %mul3A_77 : f32 to vector<512x64xf32>
    %mul3A_79 = arith.mulf %mul3A_78, %tanh3A_76 : vector<512x64xf32>
    %add3A_80 = arith.constant 5.000000e-01 : f32
    %add3A_81 = vector.broadcast %add3A_80 : f32 to vector<512x64xf32>
    %add3A_82 = arith.addf %mul3A_79, %add3A_81 : vector<512x64xf32>
    %tanh3A_83 = math.tanh %add3A_72 : vector<512x64xf32>
    %mul3A_84 = arith.mulf %add3A_82, %tanh3A_83 : vector<512x64xf32>
    %get3A_85 = arith.constant 0 : index
    %get3A_86 = arith.constant 0 : index
    %get3A_87 = arith.constant 0 : index
    %get3A_88 = arith.constant 0 : index
    %get3A_89 = vector.load %arg3[%get3A_85, %get3A_86, %get3A_87, %get3A_88] : memref<4x2x512x64xf32, #tpu.memory_space<vmem>>, vector<1x1x512x64xf32>
    %get3A_90 = vector.shape_cast %get3A_89 : vector<1x1x512x64xf32> to vector<512x64xf32>
    %get3A_91 = arith.constant 0 : index
    %get3A_92 = arith.constant 1 : index
    %get3A_93 = arith.constant 0 : index
    %get3A_94 = arith.constant 0 : index
    %get3A_95 = vector.load %arg3[%get3A_91, %get3A_92, %get3A_93, %get3A_94] : memref<4x2x512x64xf32, #tpu.memory_space<vmem>>, vector<1x1x512x64xf32>
    %get3A_96 = vector.shape_cast %get3A_95 : vector<1x1x512x64xf32> to vector<512x64xf32>
    %add3A_97 = arith.addf %get3A_90, %get3A_96 : vector<512x64xf32>
    %concatenate3A_98 = tpu.concatenate %mul3A_84, %add3A_97 in 1 : vector<512x64xf32>, vector<512x64xf32> -> vector<512x128xf32>
    %dot_general3A_99 = arith.constant dense<0.000000e+00> : vector<512x64xf32>
    %dot_general3A_100 = tpu.matmul %concatenate3A_98, %get3A_14, %dot_general3A_99 {dimension_numbers = #tpu.dot_dimension_numbers<[1], [0], [0], [1], [0, 0, 1, 1], [], []>, transpose_lhs_hint = false} : vector<512x128xf32>, vector<128x64xf32>, vector<512x64xf32> -> vector<512x64xf32>
    %get3A_101 = arith.constant 0 : index
    %get3A_102 = arith.constant 0 : index
    %get3A_103 = vector.load %arg11[%get3A_101, %get3A_102] : memref<1x64xf32, #tpu.memory_space<vmem>>, vector<1x64xf32>
    %add3A_104 = vector.broadcast %get3A_103 : vector<1x64xf32> to vector<512x64xf32>
    %add3A_105 = arith.addf %dot_general3A_100, %add3A_104 : vector<512x64xf32>
    %max3A_106 = arith.constant 0.000000e+00 : f32
    %max3A_107 = vector.broadcast %max3A_106 : f32 to vector<512x64xf32>
    %max3A_108 = arith.maximumf %add3A_105, %max3A_107 : vector<512x64xf32>
    %get3A_109 = arith.constant 0 : index
    %get3A_110 = arith.constant 0 : index
    %get3A_111 = arith.constant 0 : index
    %get3A_112 = vector.load %arg2[%get3A_109, %get3A_110, %get3A_111] : memref<4x512x1xf32, #tpu.memory_space<vmem>>, vector<1x512x1xf32>
    %get3A_113 = vector.shape_cast %get3A_112 : vector<1x512x1xf32> to vector<512x1xf32>
    %mul3A_114 = vector.broadcast %get3A_113 : vector<512x1xf32> to vector<512x64xf32>
    %mul3A_115 = vector.broadcast %get3A_11 : vector<1x64xf32> to vector<512x64xf32>
    %mul3A_116 = arith.mulf %mul3A_114, %mul3A_115 : vector<512x64xf32>
    %get3A_117 = arith.constant 0 : index
    %get3A_118 = arith.constant 0 : index
    %get3A_119 = vector.load %arg9[%get3A_117, %get3A_118] : memref<1x64xf32, #tpu.memory_space<vmem>>, vector<1x64xf32>
    %add3A_120 = vector.broadcast %get3A_119 : vector<1x64xf32> to vector<512x64xf32>
    %add3A_121 = arith.addf %mul3A_116, %add3A_120 : vector<512x64xf32>
    %max3A_122 = arith.constant 0.000000e+00 : f32
    %max3A_123 = vector.broadcast %max3A_122 : f32 to vector<512x64xf32>
    %max3A_124 = arith.maximumf %add3A_121, %max3A_123 : vector<512x64xf32>
    %concatenate3A_125 = tpu.concatenate %max3A_124, %max3A_108, %broadcast_in_dim3A_4 in 1 : vector<512x64xf32>, vector<512x64xf32>, vector<512x64xf32> -> vector<512x192xf32>
    %get3A_126 = arith.constant 0 : index
    %get3A_127 = arith.constant 0 : index
    %get3A_128 = vector.load %arg13[%get3A_126, %get3A_127] : memref<1x256xf32, #tpu.memory_space<vmem>>, vector<1x256xf32>
    %dot_general3A_129 = arith.constant dense<0.000000e+00> : vector<512x256xf32>
    %dot_general3A_130 = tpu.matmul %concatenate3A_125, %get3A_20, %dot_general3A_129 {dimension_numbers = #tpu.dot_dimension_numbers<[1], [0], [0], [1], [0, 0, 1, 1], [], []>, transpose_lhs_hint = false} : vector<512x192xf32>, vector<192x256xf32>, vector<512x256xf32> -> vector<512x256xf32>
    %add3A_131 = vector.broadcast %get3A_128 : vector<1x256xf32> to vector<512x256xf32>
    %add3A_132 = arith.addf %dot_general3A_130, %add3A_131 : vector<512x256xf32>
    %split3A_133 = vector.extract_strided_slice %add3A_132 {offsets = [0, 0], sizes = [512, 64], strides = [1, 1]} : vector<512x256xf32> to vector<512x64xf32>
    %split3A_134 = vector.extract_strided_slice %add3A_132 {offsets = [0, 64], sizes = [512, 64], strides = [1, 1]} : vector<512x256xf32> to vector<512x64xf32>
    %split3A_135 = vector.extract_strided_slice %add3A_132 {offsets = [0, 128], sizes = [512, 64], strides = [1, 1]} : vector<512x256xf32> to vector<512x64xf32>
    %split3A_136 = vector.extract_strided_slice %add3A_132 {offsets = [0, 192], sizes = [512, 64], strides = [1, 1]} : vector<512x256xf32> to vector<512x64xf32>
    %mul3A_137 = arith.constant 5.000000e-01 : f32
    %mul3A_138 = vector.broadcast %mul3A_137 : f32 to vector<512x64xf32>
    %mul3A_139 = arith.mulf %mul3A_138, %split3A_134 : vector<512x64xf32>
    %tanh3A_140 = math.tanh %mul3A_139 : vector<512x64xf32>
    %mul3A_141 = arith.constant 5.000000e-01 : f32
    %mul3A_142 = vector.broadcast %mul3A_141 : f32 to vector<512x64xf32>
    %mul3A_143 = arith.mulf %mul3A_142, %tanh3A_140 : vector<512x64xf32>
    %add3A_144 = arith.constant 5.000000e-01 : f32
    %add3A_145 = vector.broadcast %add3A_144 : f32 to vector<512x64xf32>
    %add3A_146 = arith.addf %mul3A_143, %add3A_145 : vector<512x64xf32>
    %mul3A_147 = arith.mulf %add3A_146, %broadcast_in_dim3A_6 : vector<512x64xf32>
    %mul3A_148 = arith.constant 5.000000e-01 : f32
    %mul3A_149 = vector.broadcast %mul3A_148 : f32 to vector<512x64xf32>
    %mul3A_150 = arith.mulf %mul3A_149, %split3A_133 : vector<512x64xf32>
    %tanh3A_151 = math.tanh %mul3A_150 : vector<512x64xf32>
    %mul3A_152 = arith.constant 5.000000e-01 : f32
    %mul3A_153 = vector.broadcast %mul3A_152 : f32 to vector<512x64xf32>
    %mul3A_154 = arith.mulf %mul3A_153, %tanh3A_151 : vector<512x64xf32>
    %add3A_155 = arith.constant 5.000000e-01 : f32
    %add3A_156 = vector.broadcast %add3A_155 : f32 to vector<512x64xf32>
    %add3A_157 = arith.addf %mul3A_154, %add3A_156 : vector<512x64xf32>
    %tanh3A_158 = math.tanh %split3A_135 : vector<512x64xf32>
    %mul3A_159 = arith.mulf %add3A_157, %tanh3A_158 : vector<512x64xf32>
    %add3A_160 = arith.addf %mul3A_147, %mul3A_159 : vector<512x64xf32>
    %mul3A_161 = arith.constant 5.000000e-01 : f32
    %mul3A_162 = vector.broadcast %mul3A_161 : f32 to vector<512x64xf32>
    %mul3A_163 = arith.mulf %mul3A_162, %split3A_136 : vector<512x64xf32>
    %tanh3A_164 = math.tanh %mul3A_163 : vector<512x64xf32>
    %mul3A_165 = arith.constant 5.000000e-01 : f32
    %mul3A_166 = vector.broadcast %mul3A_165 : f32 to vector<512x64xf32>
    %mul3A_167 = arith.mulf %mul3A_166, %tanh3A_164 : vector<512x64xf32>
    %add3A_168 = arith.constant 5.000000e-01 : f32
    %add3A_169 = vector.broadcast %add3A_168 : f32 to vector<512x64xf32>
    %add3A_170 = arith.addf %mul3A_167, %add3A_169 : vector<512x64xf32>
    %tanh3A_171 = math.tanh %add3A_160 : vector<512x64xf32>
    %mul3A_172 = arith.mulf %add3A_170, %tanh3A_171 : vector<512x64xf32>
    %get3A_173 = arith.constant 0 : index
    %get3A_174 = arith.constant 0 : index
    %get3A_175 = vector.load %arg14[%get3A_173, %get3A_174] : memref<64x8xf32, #tpu.memory_space<vmem>>, vector<64x8xf32>
    %dot_general3A_176 = arith.constant dense<0.000000e+00> : vector<512x8xf32>
    %dot_general3A_177 = tpu.matmul %mul3A_172, %get3A_175, %dot_general3A_176 {dimension_numbers = #tpu.dot_dimension_numbers<[1], [0], [0], [1], [0, 0, 1, 1], [], []>, transpose_lhs_hint = false} : vector<512x64xf32>, vector<64x8xf32>, vector<512x8xf32> -> vector<512x8xf32>
    %get3A_178 = arith.constant 0 : index
    %get3A_179 = arith.constant 0 : index
    %get3A_180 = vector.load %arg15[%get3A_178, %get3A_179] : memref<1x8xf32, #tpu.memory_space<vmem>>, vector<1x8xf32>
    %add3A_181 = vector.broadcast %get3A_180 : vector<1x8xf32> to vector<512x8xf32>
    %add3A_182 = arith.addf %dot_general3A_177, %add3A_181 : vector<512x8xf32>
    %swap3A = arith.constant 0 : index
    %swap3A_183 = arith.constant 0 : index
    %swap3A_184 = arith.constant 0 : index
    %swap3A_185 = vector.load %arg16[%swap3A, %swap3A_183, %swap3A_184] : memref<4x512x8xf32, #tpu.memory_space<vmem>>, vector<1x512x8xf32>
    %swap3A_186 = vector.shape_cast %swap3A_185 : vector<1x512x8xf32> to vector<512x8xf32>
    %swap3A_187 = vector.shape_cast %add3A_182 : vector<512x8xf32> to vector<1x512x8xf32>
    tpu.vector_store %arg16[%swap3A, %swap3A_183, %swap3A_184], %swap3A_187 {strides = array<i32>} : memref<4x512x8xf32, #tpu.memory_space<vmem>>, vector<1x512x8xf32>,
    %get3A_188 = arith.constant 1 : index
    %get3A_189 = arith.constant 0 : index
    %get3A_190 = arith.constant 0 : index
    %get3A_191 = vector.load %arg1[%get3A_188, %get3A_189, %get3A_190] : memref<4x512x2xf32, #tpu.memory_space<vmem>>, vector<1x512x2xf32>
    %get3A_192 = vector.shape_cast %get3A_191 : vector<1x512x2xf32> to vector<512x2xf32>
    %slice3A_193 = vector.extract_strided_slice %get3A_192 {offsets = [0, 0], sizes = [512, 1], strides = [1, 1]} : vector<512x2xf32> to vector<512x1xf32>
    %slice3A_194 = vector.extract_strided_slice %get3A_8 {offsets = [0, 0], sizes = [1, 64], strides = [1, 1]} : vector<2x64xf32> to vector<1x64xf32>
    %mul3A_195 = vector.broadcast %slice3A_193 : vector<512x1xf32> to vector<512x64xf32>
    %mul3A_196 = vector.broadcast %slice3A_194 : vector<1x64xf32> to vector<512x64xf32>
    %mul3A_197 = arith.mulf %mul3A_195, %mul3A_196 : vector<512x64xf32>
    %slice3A_198 = vector.extract_strided_slice %get3A_192 {offsets = [0, 1], sizes = [512, 1], strides = [1, 1]} : vector<512x2xf32> to vector<512x1xf32>
    %slice3A_199 = vector.extract_strided_slice %get3A_8 {offsets = [1, 0], sizes = [1, 64], strides = [1, 1]} : vector<2x64xf32> to vector<1x64xf32>
    %mul3A_200 = vector.broadcast %slice3A_198 : vector<512x1xf32> to vector<512x64xf32>
    %mul3A_201 = vector.broadcast %slice3A_199 : vector<1x64xf32> to vector<512x64xf32>
    %mul3A_202 = arith.mulf %mul3A_200, %mul3A_201 : vector<512x64xf32>
    %add3A_203 = arith.addf %mul3A_197, %mul3A_202 : vector<512x64xf32>
    %get3A_204 = arith.constant 0 : index
    %get3A_205 = arith.constant 0 : index
    %get3A_206 = vector.load %arg5[%get3A_204, %get3A_205] : memref<1x64xf32, #tpu.memory_space<vmem>>, vector<1x64xf32>
    %add3A_207 = vector.broadcast %get3A_206 : vector<1x64xf32> to vector<512x64xf32>
    %add3A_208 = arith.addf %add3A_203, %add3A_207 : vector<512x64xf32>
    %max3A_209 = arith.constant 0.000000e+00 : f32
    %max3A_210 = vector.broadcast %max3A_209 : f32 to vector<512x64xf32>
    %max3A_211 = arith.maximumf %add3A_208, %max3A_210 : vector<512x64xf32>
    %concatenate3A_212 = tpu.concatenate %max3A_211, %mul3A_84 in 1 : vector<512x64xf32>, vector<512x64xf32> -> vector<512x128xf32>
    %get3A_213 = arith.constant 0 : index
    %get3A_214 = arith.constant 0 : index
    %get3A_215 = vector.load %arg7[%get3A_213, %get3A_214] : memref<1x256xf32, #tpu.memory_space<vmem>>, vector<1x256xf32>
    %dot_general3A_216 = arith.constant dense<0.000000e+00> : vector<512x256xf32>
    %dot_general3A_217 = tpu.matmul %concatenate3A_212, %get3A_17, %dot_general3A_216 {dimension_numbers = #tpu.dot_dimension_numbers<[1], [0], [0], [1], [0, 0, 1, 1], [], []>, transpose_lhs_hint = false} : vector<512x128xf32>, vector<128x256xf32>, vector<512x256xf32> -> vector<512x256xf32>
    %add3A_218 = vector.broadcast %get3A_215 : vector<1x256xf32> to vector<512x256xf32>
    %add3A_219 = arith.addf %dot_general3A_217, %add3A_218 : vector<512x256xf32>
    %split3A_220 = vector.extract_strided_slice %add3A_219 {offsets = [0, 0], sizes = [512, 64], strides = [1, 1]} : vector<512x256xf32> to vector<512x64xf32>
    %split3A_221 = vector.extract_strided_slice %add3A_219 {offsets = [0, 64], sizes = [512, 64], strides = [1, 1]} : vector<512x256xf32> to vector<512x64xf32>
    %split3A_222 = vector.extract_strided_slice %add3A_219 {offsets = [0, 128], sizes = [512, 64], strides = [1, 1]} : vector<512x256xf32> to vector<512x64xf32>
    %split3A_223 = vector.extract_strided_slice %add3A_219 {offsets = [0, 192], sizes = [512, 64], strides = [1, 1]} : vector<512x256xf32> to vector<512x64xf32>
    %mul3A_224 = arith.constant 5.000000e-01 : f32
    %mul3A_225 = vector.broadcast %mul3A_224 : f32 to vector<512x64xf32>
    %mul3A_226 = arith.mulf %mul3A_225, %split3A_221 : vector<512x64xf32>
    %tanh3A_227 = math.tanh %mul3A_226 : vector<512x64xf32>
    %mul3A_228 = arith.constant 5.000000e-01 : f32
    %mul3A_229 = vector.broadcast %mul3A_228 : f32 to vector<512x64xf32>
    %mul3A_230 = arith.mulf %mul3A_229, %tanh3A_227 : vector<512x64xf32>
    %add3A_231 = arith.constant 5.000000e-01 : f32
    %add3A_232 = vector.broadcast %add3A_231 : f32 to vector<512x64xf32>
    %add3A_233 = arith.addf %mul3A_230, %add3A_232 : vector<512x64xf32>
    %mul3A_234 = arith.mulf %add3A_233, %add3A_72 : vector<512x64xf32>
    %mul3A_235 = arith.constant 5.000000e-01 : f32
    %mul3A_236 = vector.broadcast %mul3A_235 : f32 to vector<512x64xf32>
    %mul3A_237 = arith.mulf %mul3A_236, %split3A_220 : vector<512x64xf32>
    %tanh3A_238 = math.tanh %mul3A_237 : vector<512x64xf32>
    %mul3A_239 = arith.constant 5.000000e-01 : f32
    %mul3A_240 = vector.broadcast %mul3A_239 : f32 to vector<512x64xf32>
    %mul3A_241 = arith.mulf %mul3A_240, %tanh3A_238 : vector<512x64xf32>
    %add3A_242 = arith.constant 5.000000e-01 : f32
    %add3A_243 = vector.broadcast %add3A_242 : f32 to vector<512x64xf32>
    %add3A_244 = arith.addf %mul3A_241, %add3A_243 : vector<512x64xf32>
    %tanh3A_245 = math.tanh %split3A_222 : vector<512x64xf32>
    %mul3A_246 = arith.mulf %add3A_244, %tanh3A_245 : vector<512x64xf32>
    %add3A_247 = arith.addf %mul3A_234, %mul3A_246 : vector<512x64xf32>
    %mul3A_248 = arith.constant 5.000000e-01 : f32
    %mul3A_249 = vector.broadcast %mul3A_248 : f32 to vector<512x64xf32>
    %mul3A_250 = arith.mulf %mul3A_249, %split3A_223 : vector<512x64xf32>
    %tanh3A_251 = math.tanh %mul3A_250 : vector<512x64xf32>
    %mul3A_252 = arith.constant 5.000000e-01 : f32
    %mul3A_253 = vector.broadcast %mul3A_252 : f32 to vector<512x64xf32>
    %mul3A_254 = arith.mulf %mul3A_253, %tanh3A_251 : vector<512x64xf32>
    %add3A_255 = arith.constant 5.000000e-01 : f32
    %add3A_256 = vector.broadcast %add3A_255 : f32 to vector<512x64xf32>
    %add3A_257 = arith.addf %mul3A_254, %add3A_256 : vector<512x64xf32>
    %tanh3A_258 = math.tanh %add3A_247 : vector<512x64xf32>
    %mul3A_259 = arith.mulf %add3A_257, %tanh3A_258 : vector<512x64xf32>
    %get3A_260 = arith.constant 1 : index
    %get3A_261 = arith.constant 0 : index
    %get3A_262 = arith.constant 0 : index
    %get3A_263 = arith.constant 0 : index
    %get3A_264 = vector.load %arg3[%get3A_260, %get3A_261, %get3A_262, %get3A_263] : memref<4x2x512x64xf32, #tpu.memory_space<vmem>>, vector<1x1x512x64xf32>
    %get3A_265 = vector.shape_cast %get3A_264 : vector<1x1x512x64xf32> to vector<512x64xf32>
    %get3A_266 = arith.constant 1 : index
    %get3A_267 = arith.constant 1 : index
    %get3A_268 = arith.constant 0 : index
    %get3A_269 = arith.constant 0 : index
    %get3A_270 = vector.load %arg3[%get3A_266, %get3A_267, %get3A_268, %get3A_269] : memref<4x2x512x64xf32, #tpu.memory_space<vmem>>, vector<1x1x512x64xf32>
    %get3A_271 = vector.shape_cast %get3A_270 : vector<1x1x512x64xf32> to vector<512x64xf32>
    %add3A_272 = arith.addf %get3A_265, %get3A_271 : vector<512x64xf32>
    %concatenate3A_273 = tpu.concatenate %mul3A_259, %add3A_272 in 1 : vector<512x64xf32>, vector<512x64xf32> -> vector<512x128xf32>
    %dot_general3A_274 = arith.constant dense<0.000000e+00> : vector<512x64xf32>
    %dot_general3A_275 = tpu.matmul %concatenate3A_273, %get3A_14, %dot_general3A_274 {dimension_numbers = #tpu.dot_dimension_numbers<[1], [0], [0], [1], [0, 0, 1, 1], [], []>, transpose_lhs_hint = false} : vector<512x128xf32>, vector<128x64xf32>, vector<512x64xf32> -> vector<512x64xf32>
    %get3A_276 = arith.constant 0 : index
    %get3A_277 = arith.constant 0 : index
    %get3A_278 = vector.load %arg11[%get3A_276, %get3A_277] : memref<1x64xf32, #tpu.memory_space<vmem>>, vector<1x64xf32>
    %add3A_279 = vector.broadcast %get3A_278 : vector<1x64xf32> to vector<512x64xf32>
    %add3A_280 = arith.addf %dot_general3A_275, %add3A_279 : vector<512x64xf32>
    %max3A_281 = arith.constant 0.000000e+00 : f32
    %max3A_282 = vector.broadcast %max3A_281 : f32 to vector<512x64xf32>
    %max3A_283 = arith.maximumf %add3A_280, %max3A_282 : vector<512x64xf32>
    %get3A_284 = arith.constant 1 : index
    %get3A_285 = arith.constant 0 : index
    %get3A_286 = arith.constant 0 : index
    %get3A_287 = vector.load %arg2[%get3A_284, %get3A_285, %get3A_286] : memref<4x512x1xf32, #tpu.memory_space<vmem>>, vector<1x512x1xf32>
    %get3A_288 = vector.shape_cast %get3A_287 : vector<1x512x1xf32> to vector<512x1xf32>
    %mul3A_289 = vector.broadcast %get3A_288 : vector<512x1xf32> to vector<512x64xf32>
    %mul3A_290 = vector.broadcast %get3A_11 : vector<1x64xf32> to vector<512x64xf32>
    %mul3A_291 = arith.mulf %mul3A_289, %mul3A_290 : vector<512x64xf32>
    %get3A_292 = arith.constant 0 : index
    %get3A_293 = arith.constant 0 : index
    %get3A_294 = vector.load %arg9[%get3A_292, %get3A_293] : memref<1x64xf32, #tpu.memory_space<vmem>>, vector<1x64xf32>
    %add3A_295 = vector.broadcast %get3A_294 : vector<1x64xf32> to vector<512x64xf32>
    %add3A_296 = arith.addf %mul3A_291, %add3A_295 : vector<512x64xf32>
    %max3A_297 = arith.constant 0.000000e+00 : f32
    %max3A_298 = vector.broadcast %max3A_297 : f32 to vector<512x64xf32>
    %max3A_299 = arith.maximumf %add3A_296, %max3A_298 : vector<512x64xf32>
    %concatenate3A_300 = tpu.concatenate %max3A_299, %max3A_283, %mul3A_172 in 1 : vector<512x64xf32>, vector<512x64xf32>, vector<512x64xf32> -> vector<512x192xf32>
    %get3A_301 = arith.constant 0 : index
    %get3A_302 = arith.constant 0 : index
    %get3A_303 = vector.load %arg13[%get3A_301, %get3A_302] : memref<1x256xf32, #tpu.memory_space<vmem>>, vector<1x256xf32>
    %dot_general3A_304 = arith.constant dense<0.000000e+00> : vector<512x256xf32>
    %dot_general3A_305 = tpu.matmul %concatenate3A_300, %get3A_20, %dot_general3A_304 {dimension_numbers = #tpu.dot_dimension_numbers<[1], [0], [0], [1], [0, 0, 1, 1], [], []>, transpose_lhs_hint = false} : vector<512x192xf32>, vector<192x256xf32>, vector<512x256xf32> -> vector<512x256xf32>
    %add3A_306 = vector.broadcast %get3A_303 : vector<1x256xf32> to vector<512x256xf32>
    %add3A_307 = arith.addf %dot_general3A_305, %add3A_306 : vector<512x256xf32>
    %split3A_308 = vector.extract_strided_slice %add3A_307 {offsets = [0, 0], sizes = [512, 64], strides = [1, 1]} : vector<512x256xf32> to vector<512x64xf32>
    %split3A_309 = vector.extract_strided_slice %add3A_307 {offsets = [0, 64], sizes = [512, 64], strides = [1, 1]} : vector<512x256xf32> to vector<512x64xf32>
    %split3A_310 = vector.extract_strided_slice %add3A_307 {offsets = [0, 128], sizes = [512, 64], strides = [1, 1]} : vector<512x256xf32> to vector<512x64xf32>
    %split3A_311 = vector.extract_strided_slice %add3A_307 {offsets = [0, 192], sizes = [512, 64], strides = [1, 1]} : vector<512x256xf32> to vector<512x64xf32>
    %mul3A_312 = arith.constant 5.000000e-01 : f32
    %mul3A_313 = vector.broadcast %mul3A_312 : f32 to vector<512x64xf32>
    %mul3A_314 = arith.mulf %mul3A_313, %split3A_309 : vector<512x64xf32>
    %tanh3A_315 = math.tanh %mul3A_314 : vector<512x64xf32>
    %mul3A_316 = arith.constant 5.000000e-01 : f32
    %mul3A_317 = vector.broadcast %mul3A_316 : f32 to vector<512x64xf32>
    %mul3A_318 = arith.mulf %mul3A_317, %tanh3A_315 : vector<512x64xf32>
    %add3A_319 = arith.constant 5.000000e-01 : f32
    %add3A_320 = vector.broadcast %add3A_319 : f32 to vector<512x64xf32>
    %add3A_321 = arith.addf %mul3A_318, %add3A_320 : vector<512x64xf32>
    %mul3A_322 = arith.mulf %add3A_321, %add3A_160 : vector<512x64xf32>
    %mul3A_323 = arith.constant 5.000000e-01 : f32
    %mul3A_324 = vector.broadcast %mul3A_323 : f32 to vector<512x64xf32>
    %mul3A_325 = arith.mulf %mul3A_324, %split3A_308 : vector<512x64xf32>
    %tanh3A_326 = math.tanh %mul3A_325 : vector<512x64xf32>
    %mul3A_327 = arith.constant 5.000000e-01 : f32
    %mul3A_328 = vector.broadcast %mul3A_327 : f32 to vector<512x64xf32>
    %mul3A_329 = arith.mulf %mul3A_328, %tanh3A_326 : vector<512x64xf32>
    %add3A_330 = arith.constant 5.000000e-01 : f32
    %add3A_331 = vector.broadcast %add3A_330 : f32 to vector<512x64xf32>
    %add3A_332 = arith.addf %mul3A_329, %add3A_331 : vector<512x64xf32>
    %tanh3A_333 = math.tanh %split3A_310 : vector<512x64xf32>
    %mul3A_334 = arith.mulf %add3A_332, %tanh3A_333 : vector<512x64xf32>
    %add3A_335 = arith.addf %mul3A_322, %mul3A_334 : vector<512x64xf32>
    %mul3A_336 = arith.constant 5.000000e-01 : f32
    %mul3A_337 = vector.broadcast %mul3A_336 : f32 to vector<512x64xf32>
    %mul3A_338 = arith.mulf %mul3A_337, %split3A_311 : vector<512x64xf32>
    %tanh3A_339 = math.tanh %mul3A_338 : vector<512x64xf32>
    %mul3A_340 = arith.constant 5.000000e-01 : f32
    %mul3A_341 = vector.broadcast %mul3A_340 : f32 to vector<512x64xf32>
    %mul3A_342 = arith.mulf %mul3A_341, %tanh3A_339 : vector<512x64xf32>
    %add3A_343 = arith.constant 5.000000e-01 : f32
    %add3A_344 = vector.broadcast %add3A_343 : f32 to vector<512x64xf32>
    %add3A_345 = arith.addf %mul3A_342, %add3A_344 : vector<512x64xf32>
    %tanh3A_346 = math.tanh %add3A_335 : vector<512x64xf32>
    %mul3A_347 = arith.mulf %add3A_345, %tanh3A_346 : vector<512x64xf32>
    %get3A_348 = arith.constant 0 : index
    %get3A_349 = arith.constant 0 : index
    %get3A_350 = vector.load %arg14[%get3A_348, %get3A_349] : memref<64x8xf32, #tpu.memory_space<vmem>>, vector<64x8xf32>
    %dot_general3A_351 = arith.constant dense<0.000000e+00> : vector<512x8xf32>
    %dot_general3A_352 = tpu.matmul %mul3A_347, %get3A_350, %dot_general3A_351 {dimension_numbers = #tpu.dot_dimension_numbers<[1], [0], [0], [1], [0, 0, 1, 1], [], []>, transpose_lhs_hint = false} : vector<512x64xf32>, vector<64x8xf32>, vector<512x8xf32> -> vector<512x8xf32>
    %get3A_353 = arith.constant 0 : index
    %get3A_354 = arith.constant 0 : index
    %get3A_355 = vector.load %arg15[%get3A_353, %get3A_354] : memref<1x8xf32, #tpu.memory_space<vmem>>, vector<1x8xf32>
    %add3A_356 = vector.broadcast %get3A_355 : vector<1x8xf32> to vector<512x8xf32>
    %add3A_357 = arith.addf %dot_general3A_352, %add3A_356 : vector<512x8xf32>
    %swap3A_358 = arith.constant 1 : index
    %swap3A_359 = arith.constant 0 : index
    %swap3A_360 = arith.constant 0 : index
    %swap3A_361 = vector.load %arg16[%swap3A_358, %swap3A_359, %swap3A_360] : memref<4x512x8xf32, #tpu.memory_space<vmem>>, vector<1x512x8xf32>
    %swap3A_362 = vector.shape_cast %swap3A_361 : vector<1x512x8xf32> to vector<512x8xf32>
    %swap3A_363 = vector.shape_cast %add3A_357 : vector<512x8xf32> to vector<1x512x8xf32>
    tpu.vector_store %arg16[%swap3A_358, %swap3A_359, %swap3A_360], %swap3A_363 {strides = array<i32>} : memref<4x512x8xf32, #tpu.memory_space<vmem>>, vector<1x512x8xf32>,
    %get3A_364 = arith.constant 2 : index
    %get3A_365 = arith.constant 0 : index
    %get3A_366 = arith.constant 0 : index
    %get3A_367 = vector.load %arg1[%get3A_364, %get3A_365, %get3A_366] : memref<4x512x2xf32, #tpu.memory_space<vmem>>, vector<1x512x2xf32>
    %get3A_368 = vector.shape_cast %get3A_367 : vector<1x512x2xf32> to vector<512x2xf32>
    %slice3A_369 = vector.extract_strided_slice %get3A_368 {offsets = [0, 0], sizes = [512, 1], strides = [1, 1]} : vector<512x2xf32> to vector<512x1xf32>
    %slice3A_370 = vector.extract_strided_slice %get3A_8 {offsets = [0, 0], sizes = [1, 64], strides = [1, 1]} : vector<2x64xf32> to vector<1x64xf32>
    %mul3A_371 = vector.broadcast %slice3A_369 : vector<512x1xf32> to vector<512x64xf32>
    %mul3A_372 = vector.broadcast %slice3A_370 : vector<1x64xf32> to vector<512x64xf32>
    %mul3A_373 = arith.mulf %mul3A_371, %mul3A_372 : vector<512x64xf32>
    %slice3A_374 = vector.extract_strided_slice %get3A_368 {offsets = [0, 1], sizes = [512, 1], strides = [1, 1]} : vector<512x2xf32> to vector<512x1xf32>
    %slice3A_375 = vector.extract_strided_slice %get3A_8 {offsets = [1, 0], sizes = [1, 64], strides = [1, 1]} : vector<2x64xf32> to vector<1x64xf32>
    %mul3A_376 = vector.broadcast %slice3A_374 : vector<512x1xf32> to vector<512x64xf32>
    %mul3A_377 = vector.broadcast %slice3A_375 : vector<1x64xf32> to vector<512x64xf32>
    %mul3A_378 = arith.mulf %mul3A_376, %mul3A_377 : vector<512x64xf32>
    %add3A_379 = arith.addf %mul3A_373, %mul3A_378 : vector<512x64xf32>
    %get3A_380 = arith.constant 0 : index
    %get3A_381 = arith.constant 0 : index
    %get3A_382 = vector.load %arg5[%get3A_380, %get3A_381] : memref<1x64xf32, #tpu.memory_space<vmem>>, vector<1x64xf32>
    %add3A_383 = vector.broadcast %get3A_382 : vector<1x64xf32> to vector<512x64xf32>
    %add3A_384 = arith.addf %add3A_379, %add3A_383 : vector<512x64xf32>
    %max3A_385 = arith.constant 0.000000e+00 : f32
    %max3A_386 = vector.broadcast %max3A_385 : f32 to vector<512x64xf32>
    %max3A_387 = arith.maximumf %add3A_384, %max3A_386 : vector<512x64xf32>
    %concatenate3A_388 = tpu.concatenate %max3A_387, %mul3A_259 in 1 : vector<512x64xf32>, vector<512x64xf32> -> vector<512x128xf32>
    %get3A_389 = arith.constant 0 : index
    %get3A_390 = arith.constant 0 : index
    %get3A_391 = vector.load %arg7[%get3A_389, %get3A_390] : memref<1x256xf32, #tpu.memory_space<vmem>>, vector<1x256xf32>
    %dot_general3A_392 = arith.constant dense<0.000000e+00> : vector<512x256xf32>
    %dot_general3A_393 = tpu.matmul %concatenate3A_388, %get3A_17, %dot_general3A_392 {dimension_numbers = #tpu.dot_dimension_numbers<[1], [0], [0], [1], [0, 0, 1, 1], [], []>, transpose_lhs_hint = false} : vector<512x128xf32>, vector<128x256xf32>, vector<512x256xf32> -> vector<512x256xf32>
    %add3A_394 = vector.broadcast %get3A_391 : vector<1x256xf32> to vector<512x256xf32>
    %add3A_395 = arith.addf %dot_general3A_393, %add3A_394 : vector<512x256xf32>
    %split3A_396 = vector.extract_strided_slice %add3A_395 {offsets = [0, 0], sizes = [512, 64], strides = [1, 1]} : vector<512x256xf32> to vector<512x64xf32>
    %split3A_397 = vector.extract_strided_slice %add3A_395 {offsets = [0, 64], sizes = [512, 64], strides = [1, 1]} : vector<512x256xf32> to vector<512x64xf32>
    %split3A_398 = vector.extract_strided_slice %add3A_395 {offsets = [0, 128], sizes = [512, 64], strides = [1, 1]} : vector<512x256xf32> to vector<512x64xf32>
    %split3A_399 = vector.extract_strided_slice %add3A_395 {offsets = [0, 192], sizes = [512, 64], strides = [1, 1]} : vector<512x256xf32> to vector<512x64xf32>
    %mul3A_400 = arith.constant 5.000000e-01 : f32
    %mul3A_401 = vector.broadcast %mul3A_400 : f32 to vector<512x64xf32>
    %mul3A_402 = arith.mulf %mul3A_401, %split3A_397 : vector<512x64xf32>
    %tanh3A_403 = math.tanh %mul3A_402 : vector<512x64xf32>
    %mul3A_404 = arith.constant 5.000000e-01 : f32
    %mul3A_405 = vector.broadcast %mul3A_404 : f32 to vector<512x64xf32>
    %mul3A_406 = arith.mulf %mul3A_405, %tanh3A_403 : vector<512x64xf32>
    %add3A_407 = arith.constant 5.000000e-01 : f32
    %add3A_408 = vector.broadcast %add3A_407 : f32 to vector<512x64xf32>
    %add3A_409 = arith.addf %mul3A_406, %add3A_408 : vector<512x64xf32>
    %mul3A_410 = arith.mulf %add3A_409, %add3A_247 : vector<512x64xf32>
    %mul3A_411 = arith.constant 5.000000e-01 : f32
    %mul3A_412 = vector.broadcast %mul3A_411 : f32 to vector<512x64xf32>
    %mul3A_413 = arith.mulf %mul3A_412, %split3A_396 : vector<512x64xf32>
    %tanh3A_414 = math.tanh %mul3A_413 : vector<512x64xf32>
    %mul3A_415 = arith.constant 5.000000e-01 : f32
    %mul3A_416 = vector.broadcast %mul3A_415 : f32 to vector<512x64xf32>
    %mul3A_417 = arith.mulf %mul3A_416, %tanh3A_414 : vector<512x64xf32>
    %add3A_418 = arith.constant 5.000000e-01 : f32
    %add3A_419 = vector.broadcast %add3A_418 : f32 to vector<512x64xf32>
    %add3A_420 = arith.addf %mul3A_417, %add3A_419 : vector<512x64xf32>
    %tanh3A_421 = math.tanh %split3A_398 : vector<512x64xf32>
    %mul3A_422 = arith.mulf %add3A_420, %tanh3A_421 : vector<512x64xf32>
    %add3A_423 = arith.addf %mul3A_410, %mul3A_422 : vector<512x64xf32>
    %mul3A_424 = arith.constant 5.000000e-01 : f32
    %mul3A_425 = vector.broadcast %mul3A_424 : f32 to vector<512x64xf32>
    %mul3A_426 = arith.mulf %mul3A_425, %split3A_399 : vector<512x64xf32>
    %tanh3A_427 = math.tanh %mul3A_426 : vector<512x64xf32>
    %mul3A_428 = arith.constant 5.000000e-01 : f32
    %mul3A_429 = vector.broadcast %mul3A_428 : f32 to vector<512x64xf32>
    %mul3A_430 = arith.mulf %mul3A_429, %tanh3A_427 : vector<512x64xf32>
    %add3A_431 = arith.constant 5.000000e-01 : f32
    %add3A_432 = vector.broadcast %add3A_431 : f32 to vector<512x64xf32>
    %add3A_433 = arith.addf %mul3A_430, %add3A_432 : vector<512x64xf32>
    %tanh3A_434 = math.tanh %add3A_423 : vector<512x64xf32>
    %mul3A_435 = arith.mulf %add3A_433, %tanh3A_434 : vector<512x64xf32>
    %get3A_436 = arith.constant 2 : index
    %get3A_437 = arith.constant 0 : index
    %get3A_438 = arith.constant 0 : index
    %get3A_439 = arith.constant 0 : index
    %get3A_440 = vector.load %arg3[%get3A_436, %get3A_437, %get3A_438, %get3A_439] : memref<4x2x512x64xf32, #tpu.memory_space<vmem>>, vector<1x1x512x64xf32>
    %get3A_441 = vector.shape_cast %get3A_440 : vector<1x1x512x64xf32> to vector<512x64xf32>
    %get3A_442 = arith.constant 2 : index
    %get3A_443 = arith.constant 1 : index
    %get3A_444 = arith.constant 0 : index
    %get3A_445 = arith.constant 0 : index
    %get3A_446 = vector.load %arg3[%get3A_442, %get3A_443, %get3A_444, %get3A_445] : memref<4x2x512x64xf32, #tpu.memory_space<vmem>>, vector<1x1x512x64xf32>
    %get3A_447 = vector.shape_cast %get3A_446 : vector<1x1x512x64xf32> to vector<512x64xf32>
    %add3A_448 = arith.addf %get3A_441, %get3A_447 : vector<512x64xf32>
    %concatenate3A_449 = tpu.concatenate %mul3A_435, %add3A_448 in 1 : vector<512x64xf32>, vector<512x64xf32> -> vector<512x128xf32>
    %dot_general3A_450 = arith.constant dense<0.000000e+00> : vector<512x64xf32>
    %dot_general3A_451 = tpu.matmul %concatenate3A_449, %get3A_14, %dot_general3A_450 {dimension_numbers = #tpu.dot_dimension_numbers<[1], [0], [0], [1], [0, 0, 1, 1], [], []>, transpose_lhs_hint = false} : vector<512x128xf32>, vector<128x64xf32>, vector<512x64xf32> -> vector<512x64xf32>
    %get3A_452 = arith.constant 0 : index
    %get3A_453 = arith.constant 0 : index
    %get3A_454 = vector.load %arg11[%get3A_452, %get3A_453] : memref<1x64xf32, #tpu.memory_space<vmem>>, vector<1x64xf32>
    %add3A_455 = vector.broadcast %get3A_454 : vector<1x64xf32> to vector<512x64xf32>
    %add3A_456 = arith.addf %dot_general3A_451, %add3A_455 : vector<512x64xf32>
    %max3A_457 = arith.constant 0.000000e+00 : f32
    %max3A_458 = vector.broadcast %max3A_457 : f32 to vector<512x64xf32>
    %max3A_459 = arith.maximumf %add3A_456, %max3A_458 : vector<512x64xf32>
    %get3A_460 = arith.constant 2 : index
    %get3A_461 = arith.constant 0 : index
    %get3A_462 = arith.constant 0 : index
    %get3A_463 = vector.load %arg2[%get3A_460, %get3A_461, %get3A_462] : memref<4x512x1xf32, #tpu.memory_space<vmem>>, vector<1x512x1xf32>
    %get3A_464 = vector.shape_cast %get3A_463 : vector<1x512x1xf32> to vector<512x1xf32>
    %mul3A_465 = vector.broadcast %get3A_464 : vector<512x1xf32> to vector<512x64xf32>
    %mul3A_466 = vector.broadcast %get3A_11 : vector<1x64xf32> to vector<512x64xf32>
    %mul3A_467 = arith.mulf %mul3A_465, %mul3A_466 : vector<512x64xf32>
    %get3A_468 = arith.constant 0 : index
    %get3A_469 = arith.constant 0 : index
    %get3A_470 = vector.load %arg9[%get3A_468, %get3A_469] : memref<1x64xf32, #tpu.memory_space<vmem>>, vector<1x64xf32>
    %add3A_471 = vector.broadcast %get3A_470 : vector<1x64xf32> to vector<512x64xf32>
    %add3A_472 = arith.addf %mul3A_467, %add3A_471 : vector<512x64xf32>
    %max3A_473 = arith.constant 0.000000e+00 : f32
    %max3A_474 = vector.broadcast %max3A_473 : f32 to vector<512x64xf32>
    %max3A_475 = arith.maximumf %add3A_472, %max3A_474 : vector<512x64xf32>
    %concatenate3A_476 = tpu.concatenate %max3A_475, %max3A_459, %mul3A_347 in 1 : vector<512x64xf32>, vector<512x64xf32>, vector<512x64xf32> -> vector<512x192xf32>
    %get3A_477 = arith.constant 0 : index
    %get3A_478 = arith.constant 0 : index
    %get3A_479 = vector.load %arg13[%get3A_477, %get3A_478] : memref<1x256xf32, #tpu.memory_space<vmem>>, vector<1x256xf32>
    %dot_general3A_480 = arith.constant dense<0.000000e+00> : vector<512x256xf32>
    %dot_general3A_481 = tpu.matmul %concatenate3A_476, %get3A_20, %dot_general3A_480 {dimension_numbers = #tpu.dot_dimension_numbers<[1], [0], [0], [1], [0, 0, 1, 1], [], []>, transpose_lhs_hint = false} : vector<512x192xf32>, vector<192x256xf32>, vector<512x256xf32> -> vector<512x256xf32>
    %add3A_482 = vector.broadcast %get3A_479 : vector<1x256xf32> to vector<512x256xf32>
    %add3A_483 = arith.addf %dot_general3A_481, %add3A_482 : vector<512x256xf32>
    %split3A_484 = vector.extract_strided_slice %add3A_483 {offsets = [0, 0], sizes = [512, 64], strides = [1, 1]} : vector<512x256xf32> to vector<512x64xf32>
    %split3A_485 = vector.extract_strided_slice %add3A_483 {offsets = [0, 64], sizes = [512, 64], strides = [1, 1]} : vector<512x256xf32> to vector<512x64xf32>
    %split3A_486 = vector.extract_strided_slice %add3A_483 {offsets = [0, 128], sizes = [512, 64], strides = [1, 1]} : vector<512x256xf32> to vector<512x64xf32>
    %split3A_487 = vector.extract_strided_slice %add3A_483 {offsets = [0, 192], sizes = [512, 64], strides = [1, 1]} : vector<512x256xf32> to vector<512x64xf32>
    %mul3A_488 = arith.constant 5.000000e-01 : f32
    %mul3A_489 = vector.broadcast %mul3A_488 : f32 to vector<512x64xf32>
    %mul3A_490 = arith.mulf %mul3A_489, %split3A_485 : vector<512x64xf32>
    %tanh3A_491 = math.tanh %mul3A_490 : vector<512x64xf32>
    %mul3A_492 = arith.constant 5.000000e-01 : f32
    %mul3A_493 = vector.broadcast %mul3A_492 : f32 to vector<512x64xf32>
    %mul3A_494 = arith.mulf %mul3A_493, %tanh3A_491 : vector<512x64xf32>
    %add3A_495 = arith.constant 5.000000e-01 : f32
    %add3A_496 = vector.broadcast %add3A_495 : f32 to vector<512x64xf32>
    %add3A_497 = arith.addf %mul3A_494, %add3A_496 : vector<512x64xf32>
    %mul3A_498 = arith.mulf %add3A_497, %add3A_335 : vector<512x64xf32>
    %mul3A_499 = arith.constant 5.000000e-01 : f32
    %mul3A_500 = vector.broadcast %mul3A_499 : f32 to vector<512x64xf32>
    %mul3A_501 = arith.mulf %mul3A_500, %split3A_484 : vector<512x64xf32>
    %tanh3A_502 = math.tanh %mul3A_501 : vector<512x64xf32>
    %mul3A_503 = arith.constant 5.000000e-01 : f32
    %mul3A_504 = vector.broadcast %mul3A_503 : f32 to vector<512x64xf32>
    %mul3A_505 = arith.mulf %mul3A_504, %tanh3A_502 : vector<512x64xf32>
    %add3A_506 = arith.constant 5.000000e-01 : f32
    %add3A_507 = vector.broadcast %add3A_506 : f32 to vector<512x64xf32>
    %add3A_508 = arith.addf %mul3A_505, %add3A_507 : vector<512x64xf32>
    %tanh3A_509 = math.tanh %split3A_486 : vector<512x64xf32>
    %mul3A_510 = arith.mulf %add3A_508, %tanh3A_509 : vector<512x64xf32>
    %add3A_511 = arith.addf %mul3A_498, %mul3A_510 : vector<512x64xf32>
    %mul3A_512 = arith.constant 5.000000e-01 : f32
    %mul3A_513 = vector.broadcast %mul3A_512 : f32 to vector<512x64xf32>
    %mul3A_514 = arith.mulf %mul3A_513, %split3A_487 : vector<512x64xf32>
    %tanh3A_515 = math.tanh %mul3A_514 : vector<512x64xf32>
    %mul3A_516 = arith.constant 5.000000e-01 : f32
    %mul3A_517 = vector.broadcast %mul3A_516 : f32 to vector<512x64xf32>
    %mul3A_518 = arith.mulf %mul3A_517, %tanh3A_515 : vector<512x64xf32>
    %add3A_519 = arith.constant 5.000000e-01 : f32
    %add3A_520 = vector.broadcast %add3A_519 : f32 to vector<512x64xf32>
    %add3A_521 = arith.addf %mul3A_518, %add3A_520 : vector<512x64xf32>
    %tanh3A_522 = math.tanh %add3A_511 : vector<512x64xf32>
    %mul3A_523 = arith.mulf %add3A_521, %tanh3A_522 : vector<512x64xf32>
    %get3A_524 = arith.constant 0 : index
    %get3A_525 = arith.constant 0 : index
    %get3A_526 = vector.load %arg14[%get3A_524, %get3A_525] : memref<64x8xf32, #tpu.memory_space<vmem>>, vector<64x8xf32>
    %dot_general3A_527 = arith.constant dense<0.000000e+00> : vector<512x8xf32>
    %dot_general3A_528 = tpu.matmul %mul3A_523, %get3A_526, %dot_general3A_527 {dimension_numbers = #tpu.dot_dimension_numbers<[1], [0], [0], [1], [0, 0, 1, 1], [], []>, transpose_lhs_hint = false} : vector<512x64xf32>, vector<64x8xf32>, vector<512x8xf32> -> vector<512x8xf32>
    %get3A_529 = arith.constant 0 : index
    %get3A_530 = arith.constant 0 : index
    %get3A_531 = vector.load %arg15[%get3A_529, %get3A_530] : memref<1x8xf32, #tpu.memory_space<vmem>>, vector<1x8xf32>
    %add3A_532 = vector.broadcast %get3A_531 : vector<1x8xf32> to vector<512x8xf32>
    %add3A_533 = arith.addf %dot_general3A_528, %add3A_532 : vector<512x8xf32>
    %swap3A_534 = arith.constant 2 : index
    %swap3A_535 = arith.constant 0 : index
    %swap3A_536 = arith.constant 0 : index
    %swap3A_537 = vector.load %arg16[%swap3A_534, %swap3A_535, %swap3A_536] : memref<4x512x8xf32, #tpu.memory_space<vmem>>, vector<1x512x8xf32>
    %swap3A_538 = vector.shape_cast %swap3A_537 : vector<1x512x8xf32> to vector<512x8xf32>
    %swap3A_539 = vector.shape_cast %add3A_533 : vector<512x8xf32> to vector<1x512x8xf32>
    tpu.vector_store %arg16[%swap3A_534, %swap3A_535, %swap3A_536], %swap3A_539 {strides = array<i32>} : memref<4x512x8xf32, #tpu.memory_space<vmem>>, vector<1x512x8xf32>,
    %get3A_540 = arith.constant 3 : index
    %get3A_541 = arith.constant 0 : index
    %get3A_542 = arith.constant 0 : index
    %get3A_543 = vector.load %arg1[%get3A_540, %get3A_541, %get3A_542] : memref<4x512x2xf32, #tpu.memory_space<vmem>>, vector<1x512x2xf32>
    %get3A_544 = vector.shape_cast %get3A_543 : vector<1x512x2xf32> to vector<512x2xf32>
    %slice3A_545 = vector.extract_strided_slice %get3A_544 {offsets = [0, 0], sizes = [512, 1], strides = [1, 1]} : vector<512x2xf32> to vector<512x1xf32>
    %slice3A_546 = vector.extract_strided_slice %get3A_8 {offsets = [0, 0], sizes = [1, 64], strides = [1, 1]} : vector<2x64xf32> to vector<1x64xf32>
    %mul3A_547 = vector.broadcast %slice3A_545 : vector<512x1xf32> to vector<512x64xf32>
    %mul3A_548 = vector.broadcast %slice3A_546 : vector<1x64xf32> to vector<512x64xf32>
    %mul3A_549 = arith.mulf %mul3A_547, %mul3A_548 : vector<512x64xf32>
    %slice3A_550 = vector.extract_strided_slice %get3A_544 {offsets = [0, 1], sizes = [512, 1], strides = [1, 1]} : vector<512x2xf32> to vector<512x1xf32>
    %slice3A_551 = vector.extract_strided_slice %get3A_8 {offsets = [1, 0], sizes = [1, 64], strides = [1, 1]} : vector<2x64xf32> to vector<1x64xf32>
    %mul3A_552 = vector.broadcast %slice3A_550 : vector<512x1xf32> to vector<512x64xf32>
    %mul3A_553 = vector.broadcast %slice3A_551 : vector<1x64xf32> to vector<512x64xf32>
    %mul3A_554 = arith.mulf %mul3A_552, %mul3A_553 : vector<512x64xf32>
    %add3A_555 = arith.addf %mul3A_549, %mul3A_554 : vector<512x64xf32>
    %get3A_556 = arith.constant 0 : index
    %get3A_557 = arith.constant 0 : index
    %get3A_558 = vector.load %arg5[%get3A_556, %get3A_557] : memref<1x64xf32, #tpu.memory_space<vmem>>, vector<1x64xf32>
    %add3A_559 = vector.broadcast %get3A_558 : vector<1x64xf32> to vector<512x64xf32>
    %add3A_560 = arith.addf %add3A_555, %add3A_559 : vector<512x64xf32>
    %max3A_561 = arith.constant 0.000000e+00 : f32
    %max3A_562 = vector.broadcast %max3A_561 : f32 to vector<512x64xf32>
    %max3A_563 = arith.maximumf %add3A_560, %max3A_562 : vector<512x64xf32>
    %concatenate3A_564 = tpu.concatenate %max3A_563, %mul3A_435 in 1 : vector<512x64xf32>, vector<512x64xf32> -> vector<512x128xf32>
    %get3A_565 = arith.constant 0 : index
    %get3A_566 = arith.constant 0 : index
    %get3A_567 = vector.load %arg7[%get3A_565, %get3A_566] : memref<1x256xf32, #tpu.memory_space<vmem>>, vector<1x256xf32>
    %dot_general3A_568 = arith.constant dense<0.000000e+00> : vector<512x256xf32>
    %dot_general3A_569 = tpu.matmul %concatenate3A_564, %get3A_17, %dot_general3A_568 {dimension_numbers = #tpu.dot_dimension_numbers<[1], [0], [0], [1], [0, 0, 1, 1], [], []>, transpose_lhs_hint = false} : vector<512x128xf32>, vector<128x256xf32>, vector<512x256xf32> -> vector<512x256xf32>
    %add3A_570 = vector.broadcast %get3A_567 : vector<1x256xf32> to vector<512x256xf32>
    %add3A_571 = arith.addf %dot_general3A_569, %add3A_570 : vector<512x256xf32>
    %split3A_572 = vector.extract_strided_slice %add3A_571 {offsets = [0, 0], sizes = [512, 64], strides = [1, 1]} : vector<512x256xf32> to vector<512x64xf32>
    %split3A_573 = vector.extract_strided_slice %add3A_571 {offsets = [0, 64], sizes = [512, 64], strides = [1, 1]} : vector<512x256xf32> to vector<512x64xf32>
    %split3A_574 = vector.extract_strided_slice %add3A_571 {offsets = [0, 128], sizes = [512, 64], strides = [1, 1]} : vector<512x256xf32> to vector<512x64xf32>
    %split3A_575 = vector.extract_strided_slice %add3A_571 {offsets = [0, 192], sizes = [512, 64], strides = [1, 1]} : vector<512x256xf32> to vector<512x64xf32>
    %mul3A_576 = arith.constant 5.000000e-01 : f32
    %mul3A_577 = vector.broadcast %mul3A_576 : f32 to vector<512x64xf32>
    %mul3A_578 = arith.mulf %mul3A_577, %split3A_573 : vector<512x64xf32>
    %tanh3A_579 = math.tanh %mul3A_578 : vector<512x64xf32>
    %mul3A_580 = arith.constant 5.000000e-01 : f32
    %mul3A_581 = vector.broadcast %mul3A_580 : f32 to vector<512x64xf32>
    %mul3A_582 = arith.mulf %mul3A_581, %tanh3A_579 : vector<512x64xf32>
    %add3A_583 = arith.constant 5.000000e-01 : f32
    %add3A_584 = vector.broadcast %add3A_583 : f32 to vector<512x64xf32>
    %add3A_585 = arith.addf %mul3A_582, %add3A_584 : vector<512x64xf32>
    %mul3A_586 = arith.mulf %add3A_585, %add3A_423 : vector<512x64xf32>
    %mul3A_587 = arith.constant 5.000000e-01 : f32
    %mul3A_588 = vector.broadcast %mul3A_587 : f32 to vector<512x64xf32>
    %mul3A_589 = arith.mulf %mul3A_588, %split3A_572 : vector<512x64xf32>
    %tanh3A_590 = math.tanh %mul3A_589 : vector<512x64xf32>
    %mul3A_591 = arith.constant 5.000000e-01 : f32
    %mul3A_592 = vector.broadcast %mul3A_591 : f32 to vector<512x64xf32>
    %mul3A_593 = arith.mulf %mul3A_592, %tanh3A_590 : vector<512x64xf32>
    %add3A_594 = arith.constant 5.000000e-01 : f32
    %add3A_595 = vector.broadcast %add3A_594 : f32 to vector<512x64xf32>
    %add3A_596 = arith.addf %mul3A_593, %add3A_595 : vector<512x64xf32>
    %tanh3A_597 = math.tanh %split3A_574 : vector<512x64xf32>
    %mul3A_598 = arith.mulf %add3A_596, %tanh3A_597 : vector<512x64xf32>
    %add3A_599 = arith.addf %mul3A_586, %mul3A_598 : vector<512x64xf32>
    %mul3A_600 = arith.constant 5.000000e-01 : f32
    %mul3A_601 = vector.broadcast %mul3A_600 : f32 to vector<512x64xf32>
    %mul3A_602 = arith.mulf %mul3A_601, %split3A_575 : vector<512x64xf32>
    %tanh3A_603 = math.tanh %mul3A_602 : vector<512x64xf32>
    %mul3A_604 = arith.constant 5.000000e-01 : f32
    %mul3A_605 = vector.broadcast %mul3A_604 : f32 to vector<512x64xf32>
    %mul3A_606 = arith.mulf %mul3A_605, %tanh3A_603 : vector<512x64xf32>
    %add3A_607 = arith.constant 5.000000e-01 : f32
    %add3A_608 = vector.broadcast %add3A_607 : f32 to vector<512x64xf32>
    %add3A_609 = arith.addf %mul3A_606, %add3A_608 : vector<512x64xf32>
    %tanh3A_610 = math.tanh %add3A_599 : vector<512x64xf32>
    %mul3A_611 = arith.mulf %add3A_609, %tanh3A_610 : vector<512x64xf32>
    %get3A_612 = arith.constant 3 : index
    %get3A_613 = arith.constant 0 : index
    %get3A_614 = arith.constant 0 : index
    %get3A_615 = arith.constant 0 : index
    %get3A_616 = vector.load %arg3[%get3A_612, %get3A_613, %get3A_614, %get3A_615] : memref<4x2x512x64xf32, #tpu.memory_space<vmem>>, vector<1x1x512x64xf32>
    %get3A_617 = vector.shape_cast %get3A_616 : vector<1x1x512x64xf32> to vector<512x64xf32>
    %get3A_618 = arith.constant 3 : index
    %get3A_619 = arith.constant 1 : index
    %get3A_620 = arith.constant 0 : index
    %get3A_621 = arith.constant 0 : index
    %get3A_622 = vector.load %arg3[%get3A_618, %get3A_619, %get3A_620, %get3A_621] : memref<4x2x512x64xf32, #tpu.memory_space<vmem>>, vector<1x1x512x64xf32>
    %get3A_623 = vector.shape_cast %get3A_622 : vector<1x1x512x64xf32> to vector<512x64xf32>
    %add3A_624 = arith.addf %get3A_617, %get3A_623 : vector<512x64xf32>
    %concatenate3A_625 = tpu.concatenate %mul3A_611, %add3A_624 in 1 : vector<512x64xf32>, vector<512x64xf32> -> vector<512x128xf32>
    %dot_general3A_626 = arith.constant dense<0.000000e+00> : vector<512x64xf32>
    %dot_general3A_627 = tpu.matmul %concatenate3A_625, %get3A_14, %dot_general3A_626 {dimension_numbers = #tpu.dot_dimension_numbers<[1], [0], [0], [1], [0, 0, 1, 1], [], []>, transpose_lhs_hint = false} : vector<512x128xf32>, vector<128x64xf32>, vector<512x64xf32> -> vector<512x64xf32>
    %get3A_628 = arith.constant 0 : index
    %get3A_629 = arith.constant 0 : index
    %get3A_630 = vector.load %arg11[%get3A_628, %get3A_629] : memref<1x64xf32, #tpu.memory_space<vmem>>, vector<1x64xf32>
    %add3A_631 = vector.broadcast %get3A_630 : vector<1x64xf32> to vector<512x64xf32>
    %add3A_632 = arith.addf %dot_general3A_627, %add3A_631 : vector<512x64xf32>
    %max3A_633 = arith.constant 0.000000e+00 : f32
    %max3A_634 = vector.broadcast %max3A_633 : f32 to vector<512x64xf32>
    %max3A_635 = arith.maximumf %add3A_632, %max3A_634 : vector<512x64xf32>
    %get3A_636 = arith.constant 3 : index
    %get3A_637 = arith.constant 0 : index
    %get3A_638 = arith.constant 0 : index
    %get3A_639 = vector.load %arg2[%get3A_636, %get3A_637, %get3A_638] : memref<4x512x1xf32, #tpu.memory_space<vmem>>, vector<1x512x1xf32>
    %get3A_640 = vector.shape_cast %get3A_639 : vector<1x512x1xf32> to vector<512x1xf32>
    %mul3A_641 = vector.broadcast %get3A_640 : vector<512x1xf32> to vector<512x64xf32>
    %mul3A_642 = vector.broadcast %get3A_11 : vector<1x64xf32> to vector<512x64xf32>
    %mul3A_643 = arith.mulf %mul3A_641, %mul3A_642 : vector<512x64xf32>
    %get3A_644 = arith.constant 0 : index
    %get3A_645 = arith.constant 0 : index
    %get3A_646 = vector.load %arg9[%get3A_644, %get3A_645] : memref<1x64xf32, #tpu.memory_space<vmem>>, vector<1x64xf32>
    %add3A_647 = vector.broadcast %get3A_646 : vector<1x64xf32> to vector<512x64xf32>
    %add3A_648 = arith.addf %mul3A_643, %add3A_647 : vector<512x64xf32>
    %max3A_649 = arith.constant 0.000000e+00 : f32
    %max3A_650 = vector.broadcast %max3A_649 : f32 to vector<512x64xf32>
    %max3A_651 = arith.maximumf %add3A_648, %max3A_650 : vector<512x64xf32>
    %concatenate3A_652 = tpu.concatenate %max3A_651, %max3A_635, %mul3A_523 in 1 : vector<512x64xf32>, vector<512x64xf32>, vector<512x64xf32> -> vector<512x192xf32>
    %get3A_653 = arith.constant 0 : index
    %get3A_654 = arith.constant 0 : index
    %get3A_655 = vector.load %arg13[%get3A_653, %get3A_654] : memref<1x256xf32, #tpu.memory_space<vmem>>, vector<1x256xf32>
    %dot_general3A_656 = arith.constant dense<0.000000e+00> : vector<512x256xf32>
    %dot_general3A_657 = tpu.matmul %concatenate3A_652, %get3A_20, %dot_general3A_656 {dimension_numbers = #tpu.dot_dimension_numbers<[1], [0], [0], [1], [0, 0, 1, 1], [], []>, transpose_lhs_hint = false} : vector<512x192xf32>, vector<192x256xf32>, vector<512x256xf32> -> vector<512x256xf32>
    %add3A_658 = vector.broadcast %get3A_655 : vector<1x256xf32> to vector<512x256xf32>
    %add3A_659 = arith.addf %dot_general3A_657, %add3A_658 : vector<512x256xf32>
    %split3A_660 = vector.extract_strided_slice %add3A_659 {offsets = [0, 0], sizes = [512, 64], strides = [1, 1]} : vector<512x256xf32> to vector<512x64xf32>
    %split3A_661 = vector.extract_strided_slice %add3A_659 {offsets = [0, 64], sizes = [512, 64], strides = [1, 1]} : vector<512x256xf32> to vector<512x64xf32>
    %split3A_662 = vector.extract_strided_slice %add3A_659 {offsets = [0, 128], sizes = [512, 64], strides = [1, 1]} : vector<512x256xf32> to vector<512x64xf32>
    %split3A_663 = vector.extract_strided_slice %add3A_659 {offsets = [0, 192], sizes = [512, 64], strides = [1, 1]} : vector<512x256xf32> to vector<512x64xf32>
    %mul3A_664 = arith.constant 5.000000e-01 : f32
    %mul3A_665 = vector.broadcast %mul3A_664 : f32 to vector<512x64xf32>
    %mul3A_666 = arith.mulf %mul3A_665, %split3A_661 : vector<512x64xf32>
    %tanh3A_667 = math.tanh %mul3A_666 : vector<512x64xf32>
    %mul3A_668 = arith.constant 5.000000e-01 : f32
    %mul3A_669 = vector.broadcast %mul3A_668 : f32 to vector<512x64xf32>
    %mul3A_670 = arith.mulf %mul3A_669, %tanh3A_667 : vector<512x64xf32>
    %add3A_671 = arith.constant 5.000000e-01 : f32
    %add3A_672 = vector.broadcast %add3A_671 : f32 to vector<512x64xf32>
    %add3A_673 = arith.addf %mul3A_670, %add3A_672 : vector<512x64xf32>
    %mul3A_674 = arith.mulf %add3A_673, %add3A_511 : vector<512x64xf32>
    %mul3A_675 = arith.constant 5.000000e-01 : f32
    %mul3A_676 = vector.broadcast %mul3A_675 : f32 to vector<512x64xf32>
    %mul3A_677 = arith.mulf %mul3A_676, %split3A_660 : vector<512x64xf32>
    %tanh3A_678 = math.tanh %mul3A_677 : vector<512x64xf32>
    %mul3A_679 = arith.constant 5.000000e-01 : f32
    %mul3A_680 = vector.broadcast %mul3A_679 : f32 to vector<512x64xf32>
    %mul3A_681 = arith.mulf %mul3A_680, %tanh3A_678 : vector<512x64xf32>
    %add3A_682 = arith.constant 5.000000e-01 : f32
    %add3A_683 = vector.broadcast %add3A_682 : f32 to vector<512x64xf32>
    %add3A_684 = arith.addf %mul3A_681, %add3A_683 : vector<512x64xf32>
    %tanh3A_685 = math.tanh %split3A_662 : vector<512x64xf32>
    %mul3A_686 = arith.mulf %add3A_684, %tanh3A_685 : vector<512x64xf32>
    %add3A_687 = arith.addf %mul3A_674, %mul3A_686 : vector<512x64xf32>
    %mul3A_688 = arith.constant 5.000000e-01 : f32
    %mul3A_689 = vector.broadcast %mul3A_688 : f32 to vector<512x64xf32>
    %mul3A_690 = arith.mulf %mul3A_689, %split3A_663 : vector<512x64xf32>
    %tanh3A_691 = math.tanh %mul3A_690 : vector<512x64xf32>
    %mul3A_692 = arith.constant 5.000000e-01 : f32
    %mul3A_693 = vector.broadcast %mul3A_692 : f32 to vector<512x64xf32>
    %mul3A_694 = arith.mulf %mul3A_693, %tanh3A_691 : vector<512x64xf32>
    %add3A_695 = arith.constant 5.000000e-01 : f32
    %add3A_696 = vector.broadcast %add3A_695 : f32 to vector<512x64xf32>
    %add3A_697 = arith.addf %mul3A_694, %add3A_696 : vector<512x64xf32>
    %tanh3A_698 = math.tanh %add3A_687 : vector<512x64xf32>
    %mul3A_699 = arith.mulf %add3A_697, %tanh3A_698 : vector<512x64xf32>
    %get3A_700 = arith.constant 0 : index
    %get3A_701 = arith.constant 0 : index
    %get3A_702 = vector.load %arg14[%get3A_700, %get3A_701] : memref<64x8xf32, #tpu.memory_space<vmem>>, vector<64x8xf32>
    %dot_general3A_703 = arith.constant dense<0.000000e+00> : vector<512x8xf32>
    %dot_general3A_704 = tpu.matmul %mul3A_699, %get3A_702, %dot_general3A_703 {dimension_numbers = #tpu.dot_dimension_numbers<[1], [0], [0], [1], [0, 0, 1, 1], [], []>, transpose_lhs_hint = false} : vector<512x64xf32>, vector<64x8xf32>, vector<512x8xf32> -> vector<512x8xf32>
    %get3A_705 = arith.constant 0 : index
    %get3A_706 = arith.constant 0 : index
    %get3A_707 = vector.load %arg15[%get3A_705, %get3A_706] : memref<1x8xf32, #tpu.memory_space<vmem>>, vector<1x8xf32>
    %add3A_708 = vector.broadcast %get3A_707 : vector<1x8xf32> to vector<512x8xf32>
    %add3A_709 = arith.addf %dot_general3A_704, %add3A_708 : vector<512x8xf32>
    %swap3A_710 = arith.constant 3 : index
    %swap3A_711 = arith.constant 0 : index
    %swap3A_712 = arith.constant 0 : index
    %swap3A_713 = vector.load %arg16[%swap3A_710, %swap3A_711, %swap3A_712] : memref<4x512x8xf32, #tpu.memory_space<vmem>>, vector<1x512x8xf32>
    %swap3A_714 = vector.shape_cast %swap3A_713 : vector<1x512x8xf32> to vector<512x8xf32>
    %swap3A_715 = vector.shape_cast %add3A_709 : vector<512x8xf32> to vector<1x512x8xf32>
    tpu.vector_store %arg16[%swap3A_710, %swap3A_711, %swap3A_712], %swap3A_715 {strides = array<i32>} : memref<4x512x8xf32, #tpu.memory_space<vmem>>, vector<1x512x8xf32>,
    return
  }
  func.func @transform_0(%arg0: i32) -> (i32, i32, i32) {
    %c0_i32 = arith.constant 0 : i32
    %c0_i32_0 = arith.constant 0 : i32
    %c0_i32_1 = arith.constant 0 : i32
    return %c0_i32, %arg0, %c0_i32_0 : i32, i32, i32
  }
  func.func @transform_1(%arg0: i32) -> (i32, i32, i32) {
    %c0_i32 = arith.constant 0 : i32
    %c0_i32_0 = arith.constant 0 : i32
    %c0_i32_1 = arith.constant 0 : i32
    return %c0_i32, %arg0, %c0_i32_0 : i32, i32, i32
  }
  func.func @transform_2(%arg0: i32) -> (i32, i32, i32, i32) {
    %ge3A = arith.constant 11 : i32
    %ge3A_0 = arith.cmpi sge, %arg0, %ge3A : i32
    %add3A = arith.constant 1 : i32
    %add3A_1 = arith.addi %arg0, %add3A : i32
    %select_n3A = arith.select %ge3A_0, %add3A_1, %arg0 : i32
    %c0_i32 = arith.constant 0 : i32
    %c0_i32_2 = arith.constant 0 : i32
    %c0_i32_3 = arith.constant 0 : i32
    %c0_i32_4 = arith.constant 0 : i32
    return %c0_i32, %c0_i32_2, %select_n3A, %c0_i32_3 : i32, i32, i32, i32
  }
  func.func @transform_3(%arg0: i32) -> (i32, i32) {
    %c0_i32 = arith.constant 0 : i32
    %c0_i32_0 = arith.constant 0 : i32
    %c0_i32_1 = arith.constant 0 : i32
    return %c0_i32, %c0_i32_0 : i32, i32
  }
  func.func @transform_4(%arg0: i32) -> (i32, i32) {
    %c0_i32 = arith.constant 0 : i32
    %c0_i32_0 = arith.constant 0 : i32
    %c0_i32_1 = arith.constant 0 : i32
    return %c0_i32, %c0_i32_0 : i32, i32
  }
  func.func @transform_5(%arg0: i32) -> (i32, i32) {
    %c0_i32 = arith.constant 0 : i32
    %c0_i32_0 = arith.constant 0 : i32
    %c0_i32_1 = arith.constant 0 : i32
    return %c0_i32, %c0_i32_0 : i32, i32
  }
  func.func @transform_6(%arg0: i32) -> (i32, i32) {
    %c0_i32 = arith.constant 0 : i32
    %c0_i32_0 = arith.constant 0 : i32
    %c0_i32_1 = arith.constant 0 : i32
    return %c0_i32, %c0_i32_0 : i32, i32
  }
  func.func @transform_7(%arg0: i32) -> (i32, i32) {
    %c0_i32 = arith.constant 0 : i32
    %c0_i32_0 = arith.constant 0 : i32
    %c0_i32_1 = arith.constant 0 : i32
    return %c0_i32, %c0_i32_0 : i32, i32
  }
  func.func @transform_8(%arg0: i32) -> (i32, i32) {
    %c0_i32 = arith.constant 0 : i32
    %c0_i32_0 = arith.constant 0 : i32
    %c0_i32_1 = arith.constant 0 : i32
    return %c0_i32, %c0_i32_0 : i32, i32
  }
  func.func @transform_9(%arg0: i32) -> (i32, i32) {
    %c0_i32 = arith.constant 0 : i32
    %c0_i32_0 = arith.constant 0 : i32
    %c0_i32_1 = arith.constant 0 : i32
    return %c0_i32, %c0_i32_0 : i32, i32
  }
  func.func @transform_10(%arg0: i32) -> (i32, i32) {
    %c0_i32 = arith.constant 0 : i32
    %c0_i32_0 = arith.constant 0 : i32
    %c0_i32_1 = arith.constant 0 : i32
    return %c0_i32, %c0_i32_0 : i32, i32
  }
  func.func @transform_11(%arg0: i32) -> (i32, i32) {
    %c0_i32 = arith.constant 0 : i32
    %c0_i32_0 = arith.constant 0 : i32
    %c0_i32_1 = arith.constant 0 : i32
    return %c0_i32, %c0_i32_0 : i32, i32
  }
  func.func @transform_12(%arg0: i32) -> (i32, i32) {
    %c0_i32 = arith.constant 0 : i32
    %c0_i32_0 = arith.constant 0 : i32
    %c0_i32_1 = arith.constant 0 : i32
    return %c0_i32, %c0_i32_0 : i32, i32
  }
  func.func @transform_13(%arg0: i32) -> (i32, i32) {
    %c0_i32 = arith.constant 0 : i32
    %c0_i32_0 = arith.constant 0 : i32
    %c0_i32_1 = arith.constant 0 : i32
    return %c0_i32, %c0_i32_0 : i32, i32
  }
  func.func @transform_14(%arg0: i32) -> (i32, i32) {
    %c0_i32 = arith.constant 0 : i32
    %c0_i32_0 = arith.constant 0 : i32
    %c0_i32_1 = arith.constant 0 : i32
    return %c0_i32, %c0_i32_0 : i32, i32
  }
  func.func @transform_15(%arg0: i32) -> (i32, i32, i32) {
    %c0_i32 = arith.constant 0 : i32
    %c0_i32_0 = arith.constant 0 : i32
    %c0_i32_1 = arith.constant 0 : i32
    return %c0_i32, %arg0, %c0_i32_0 : i32, i32, i32
  }
}

</mosaic_0001>

<sc_bundles>
// kernel: kernel.5.cloned.1.call-start
scs
__scs_entry_jumppad:
0x0: {  	(pc) =	sbr.rel $0x88, $3  }
0x1: {  	(tag) =	ssettag $0x0;
	lr =	simm.s32 $0x1  }
0x2: {  	[smem:$0x3F87] =	sst lr;
	_ =	strace $0xD0000000  }
0x3: {  	_ = 	snop  }
0x4: {  	_ = 	snop  }
0x5: {  	_ = 	snop  }
0x6: {  	_ = 	snop  }
0x7: {  	_ = 	snop  }
__scs_overlays_trampoline_lowered:
0x8: {  	[smem:$0x3F96] =	sst s0  }
0x9: {  	[smem:$0x3F97] =	sst s1  }
0xa: {  	[smem:$0x3F98] =	sst s2  }
0xb: {  	[smem:$0x3F99] =	sst s3  }
0xc: {  	[smem:$0x3F9A] =	sst s4  }
0xd: {  	[smem:$0x3F9B] =	sst s5  }
0xe: {  	[smem:$0x3F9C] =	sst s6  }
0xf: {  	[smem:$0x3F9D] =	sst s7  }
0x10: {  	[smem:$0x3F9E] =	sst s8  }
0x11: {  	[smem:$0x3F9F] =	sst s9;
	s0 =	simm.s32 @!p0 $0x0  }
0x12: {  	s1 =	sld [smem:$0x3F85];
	s0 =	simm.s32 @p0 $0x1  }
0x13: {  	[smem:$0x3FA0] =	sst s0;
	s0 =	simm.s32 @!p1 $0x0  }
0x14: {  	s2 =	sld [smem:$0x3F84];
	s0 =	simm.s32 @p1 $0x1  }
0x15: {  	[smem:$0x3FA1] =	sst s0;
	s0 =	simm.s32 @!p2 $0x0  }
0x16: {  	s3 =	sld [smem:$0x3FDB];
	s0 =	simm.s32 @p2 $0x1  }
0x17: {  	s4 =	simm.s32 $0x1BF5;
	[smem:$0x3FA3] =	sst s0  }
0x18: {  	s0 =	sld [smem:$0x3F86];
	_ =	swait.ge [sflag:s4], $0x0  }
0x19: {  	s7 =	sld [smem:$0x3F87]  }
0x1a: {  	s8 =	sadd.s32 $0xFFFFE003, lr  }
0x1b: {  	s9 =	sadd.s32 $0xFFFFFEF7, lr;
	s5 =	simm.s32 $0xFFFFFFFF;
	p2 =	slt.u32 s8, $0xFFFFF086  }
0x1c: {  	p1 =	slt.u32 s9, $0xF7A;
	s5 =	simm.s32 @!p2 $0x0  }
0x1d: {  	s5 =	simm.s32 @p1 $0x1;
	p0 =	seq.s32 s7, s2  }
0x1e: {  	s7 =	smul.u32 @!p0 $0xF7A, s2;
	p2 =	seq.s32 @!p0 s5, $0x0  }
0x1f: {  	s9 =	smul.u32 $0xF7A, s1;
	s8 =	simm.s32 @!p0 $0x1BF5;
	p2 =	por !p2, p0  }
0x20: {  	[sflag:s8] =	ssyncset.s32 @!p0 $0xFFFFF086;
	s6 =	sadd.s32 @!p0 s3, s7;
	s7 =	simm.s32 @!p0 $0x108  }
0x21: {  	s3 =	sadd.s32 s3, s9;
	s6 =	sadd.s32 @!p0 $0x88, s6;
	s7 =	simm.s32 @p2 $0x1082  }
0x22: {  	[simem:s7], [sflag:s8] =	dma.local @!p0 [hbm:s6], $0xF7A  }
0x23: {  	s9 =	sor.u32 $0xD0000000, s2;
	s6 =	simm.s32 $0x108;
	_ =	swait.ge @!p0 [sflag:s8], $0x0  }
0x24: {  	s3 =	sadd.s32 $0x88, s3;
	s6 =	simm.s32 @!p1 $0x1082;
	[sflag:s4] =	ssyncset.s32 $0xFFFFF086  }
0x25: {  	[simem:s6], [sflag:s4] =	dma.local [hbm:s3], $0xF7A  }
0x26: {  	[smem:$0x3F87] =	sst s1;
	(tag) =	ssettag s2;
	_ =	strace s9  }
0x27: {  	s1 =	sld [smem:$0x3F97]  }
0x28: {  	s2 =	sld [smem:$0x3F98]  }
0x29: {  	s4 =	sld [smem:$0x3F9A]  }
0x2a: {  	p0 =	seq.s32 s5, $0x0;
	s5 =	sld [smem:$0x3F9B]  }
0x2b: {  	s6 =	sld [smem:$0x3F9C]  }
0x2c: {  	s7 =	sld [smem:$0x3F9D]  }
0x2d: {  	s3 =	simm.s32 $0x108;
	s8 =	sld [smem:$0x3F9E]  }
0x2e: {  	s3 =	simm.s32 @!p0 $0x1082;
	s9 =	sld [smem:$0x3F9F]  }
0x2f: {  	lr =	sadd.s32 s0, s3;
	s0 =	sld [smem:$0x3F96]  }
0x30: {  	s3 =	sld [smem:$0x3F99]  }
0x31: {  	[smem:$0x3FA2] =	sst s10  }
0x32: {  	s10 =	sld [smem:$0x3FA0];
	_ =	sdelay $0x3  }
0x33: {  	p0 =	seq.s32 s10, $0x1;
	s10 =	sld [smem:$0x3FA2];
	_ =	sdelay $0x3  }
0x34: {  	[smem:$0x3FA2] =	sst s10  }
0x35: {  	s10 =	sld [smem:$0x3FA1];
	_ =	sdelay $0x3  }
0x36: {  	p1 =	seq.s32 s10, $0x1;
	s10 =	sld [smem:$0x3FA2];
	_ =	sdelay $0x3  }
0x37: {  	[smem:$0x3FA2] =	sst s10  }
0x38: {  	s10 =	sld [smem:$0x3FA3]  }
0x39: {  	_ = 	snop;
	(pc) =	sbr.ind lr, $3  }
0x3a: {  	_ = 	snop  }
0x3b: {  	_ = 	snop  }
0x3c: {  	p2 =	seq.s32 s10, $0x1;
	s10 =	sld [smem:$0x3FA2]  }
0x3d: {  	_ =	shalt  }
0x3e: {  	_ =	shalt  }
0x3f: {  	_ =	shalt  }
0x40: {  	_ =	shalt  }
0x41: {  	_ =	shalt  }
0x42: {  	_ =	shalt  }
0x43: {  	_ =	shalt  }
0x44: {  	_ =	shalt  }
0x45: {  	_ =	shalt  }
0x46: {  	_ =	shalt  }
0x47: {  	_ =	shalt  }
0x48: {  	_ =	shalt  }
0x49: {  	_ =	shalt  }
0x4a: {  	_ =	shalt  }
0x4b: {  	_ =	shalt  }
0x4c: {  	_ =	shalt  }
0x4d: {  	_ =	shalt  }
0x4e: {  	_ =	shalt  }
0x4f: {  	_ =	shalt  }
0x50: {  	_ =	shalt  }
0x51: {  	_ =	shalt  }
0x52: {  	_ =	shalt  }
0x53: {  	_ =	shalt  }
0x54: {  	_ =	shalt  }
0x55: {  	_ =	shalt  }
0x56: {  	_ =	shalt  }
0x57: {  	_ =	shalt  }
0x58: {  	_ =	shalt  }
0x59: {  	_ =	shalt  }
0x5a: {  	_ =	shalt  }
0x5b: {  	_ =	shalt  }
0x5c: {  	_ =	shalt  }
0x5d: {  	_ =	shalt  }
0x5e: {  	_ =	shalt  }
0x5f: {  	_ =	shalt  }
0x60: {  	_ =	shalt  }
0x61: {  	_ =	shalt  }
0x62: {  	_ =	shalt  }
0x63: {  	_ =	shalt  }
0x64: {  	_ =	shalt  }
0x65: {  	_ =	shalt  }
0x66: {  	_ =	shalt  }
0x67: {  	_ =	shalt  }
0x68: {  	_ =	shalt  }
0x69: {  	_ =	shalt  }
0x6a: {  	_ =	shalt  }
0x6b: {  	_ =	shalt  }
0x6c: {  	_ =	shalt  }
0x6d: {  	_ =	shalt  }
0x6e: {  	_ =	shalt  }
0x6f: {  	_ =	shalt  }
0x70: {  	_ =	shalt  }
0x71: {  	_ =	shalt  }
0x72: {  	_ =	shalt  }
0x73: {  	_ =	shalt  }
0x74: {  	_ =	shalt  }
0x75: {  	_ =	shalt  }
0x76: {  	_ =	shalt  }
0x77: {  	_ =	shalt  }
0x78: {  	_ =	shalt  }
0x79: {  	_ =	shalt  }
0x7a: {  	_ =	shalt  }
0x7b: {  	_ =	shalt  }
0x7c: {  	_ =	shalt  }
0x7d: {  	_ =	shalt  }
0x7e: {  	_ =	shalt  }
0x7f: {  	_ =	shalt  }
0x80: {  	_ =	shalt  }
0x81: {  	_ =	shalt  }
0x82: {  	_ =	shalt  }
0x83: {  	_ =	shalt  }
0x84: {  	_ =	shalt  }
0x85: {  	_ =	shalt  }
0x86: {  	_ =	shalt  }
0x87: {  	_ =	shalt  }
.Lfunc_end0:
.L_simem_size_0:
called_computation_lowered:
.L_overlay_start_0:
0x88: {  	s2 =	sld [smem:$0x3FD9]  }
0x89: {  	s3 =	sld [smem:$0x3FFE];
	_ =	sdelay $0x1  }
0x8a: {  	s1 =	srdreg.scid  }
0x8b: {  	s0 =	sand.u32 $0x1, s1  }
0x8c: {  	s16 =	sshll.u32 s0, $0xA;
	s2 =	sadd.s32 s3, s2  }
0x8d: {  	s2 =	sadd.s32 s2, s16  }
0x8e: {  	[smem:$0x3FAE] =	sst s2  }
0x8f: {  	_ = 	snop  }
0x90: {  	(tm) =	ssettm $0x1  }
0x91: {  	s17 =	sld [smem:$0x3FFB];
	_ =	sdelay $0x3  }
0x92: {  	_ =	strace s17  }
0x93: {  	s2 =	sld [smem:$0x3FFC];
	_ =	sdelay $0x3  }
0x94: {  	_ =	strace s2  }
0x95: {  	s2 =	sld [smem:$0x3FFD];
	_ =	sdelay $0x3  }
0x96: {  	_ =	strace s2  }
0x97: {  	_ =	strace $0x8FFFFFFF  }
0x98: {  	s18 =	sld [smem:$0x3FDB];
	_ =	sdelay $0x1  }
0x99: {  	s19 =	simm.s32 $_scs_section_size  }
0x9a: {  	s4 =	simm.s32 $_size__tile_overlayer_lowered;
	s5 =	simm.s32 $_tile_overlayer_lowered  }
0x9b: {  	s22 =	simm.s32 $0x1BFF;
	s21 =	sshll.u32 s5, $0x1;
	s2 =	sadd.s32 s19, s18  }
0x9c: {  	s6 =	simm.s32 $0x0;
	s20 =	sshll.u32 s4, $0x1;
	s4 =	sadd.s32 s21, s2  }
0x9d: {  	[timem:s6], [sflag:s22] =	dma.local [hbm:s4], s20  }
0x9e: {  	_ =	swait.ge [sflag:s22], s20  }
0x9f: {  	s3 =	ssub.s32 $0x0, s20;
	[sflag:s22] =	ssyncset.done $0x0  }
0xa0: {  	[sflag:s22] =	ssyncadd.s32 s3;
	_ =	sdelay $0x1  }
0xa1: {  	s23 =	simm.s32 $0x1B8B  }
0xa2: {  	_ =	swait.ge [sflag:s23], $0x1  }
0xa3: {  	[sflag:s23] =	ssyncset.done $0x0  }
0xa4: {  	s25 =	simm.s32 $0x1B8E;
	s24 =	sld [smem:$0x3FFE];
	[sflag:s23] =	ssyncadd.s32 $0xFFFFFFFF  }
0xa5: {  	s26 =	simm.s32 $execute0_lowered;
	[smem:$0x3FD2] =	sst s25  }
0xa6: {  	s4 =	sshll.u32 s26, $0x1;
	_ =	strace $0x80000046;
	[dreg:$0x1] =	wrdreg $0xFFFFFFFF  }
0xa7: {  	s28 =	simm.s32 $_size_execute0_lowered;
	s2 =	sadd.s32 s2, s4;
	[dreg:$0x0] =	wrdreg $0x0  }
0xa8: {  	s4 =	sshll.u32 s28, $0x1;
	[dreg:$0x2] =	wrdreg s2  }
0xa9: {  	[dreg:$0x3] =	wrdreg s4  }
0xaa: {  	[dreg:$0x4] =	wrdreg $0xC0  }
0xab: {  	_ =	task [dreg:s6], $0x5FFFF  }
0xac: {  	[dreg:$0x1] =	wrdreg $0xFFFFFFFF  }
0xad: {  	[dreg:$0x0] =	wrdreg $0x60  }
0xae: {  	[dreg:$0x2] =	wrdreg s24  }
0xaf: {  	[dreg:$0x3] =	wrdreg $0x82000  }
0xb0: {  	[dreg:$0x4] =	wrdreg $0x9  }
0xb1: {  	_ =	task.clear_ibuf [dreg:s6], $0x5FFFF;
	_ =	strace $0x90000046  }
0xb2: {  	s29 =	simm.s32 $0x9;
	_ =	strace $0x80000048  }
0xb3: {  	_ =	swait.ge [sflag:s29], $0x1  }
0xb4: {  	[sflag:s29] =	ssyncadd.s32 $0xFFFFFFFF  }
0xb5: {  	_ =	strace $0x90000048  }
0xb6: {  	_ =	sfence  }
0xb7: {  	s30 =	sld [smem:$0x0];
	_ =	sdelay $0x2  }
0xb8: {  	s31 =	sshll.u32 s1, $0xD;
	s1 =	sshrl.u32 s1, $0x2  }
0xb9: {  	s3 =	sand.u32 $0x4000, s31;
	s1 =	sadd.s32 s1, s30  }
0xba: {  	s0 =	sor.u32 s3, s0;
	s1 =	sshll.u32 s1, $0x11  }
0xbb: {  	s0 =	sor.u32 s1, s0  }
0xbc: {  	s0 =	sadd.s32 $0x8F2B, s0  }
0xbd: {  	[sflag:s0] =	ssyncadd.remote.s32 $0x1  }
0xbe: {  	_ =	sfence.sel $0xFFFF  }
0xbf: {  	[dreg:$0x0] =	wrdreg $0xFFFFFFFF;
	(pc) =	sbr.abs _section_cstart, $3  }
0xc0: {  	[dreg:$0x1] =	wrdreg $0xFFFFFFFF  }
0xc1: {  	_ =	task.clear_ibuf [dreg:s6], $0x2FFFF;
	_ =	strace $0x9FFFFFFF  }
0xc2: {  	(tm) =	ssettm $0x7FFFFFFF  }
0xc3: {  	_ =	shalt  }
tec
execute0_lowered:
.L_overlay_start_1:
0x0: {  	(tag) =	ssettag $0x1  }
0x1: {  	s0 =	rddreg [dreg:$0x0]  }
0x2: {  	s2 =	rddreg [dreg:$0x1]  }
0x3: {  	s11 =	stileid.u32;
	s1 =	srdreg.scid  }
0x4: {  	s3 =	simm.s32 $0x0;
	s28 =	simm.s32 $0x8100;
	s29 =	simm.s32 $0x4000  }
0x5: {  	s30 =	simm.s32 $0x8080;
	s31 =	simm.s32 $0x8180;
	s4 =	smul.u32 $0x2C00, s11  }
0x6: {  	s1 =	sand.u32 $0x1, s1;
	s8 =	sadd.s32 $0x13DBA00, s0;
	s14 =	sadd.s32 $0x9C7A00, s0  }
0x7: {  	[smem:$0x7FF] =	sst s3;
	s10 =	smul.u32 $0x58000, s11;
	s19 =	sadd.s32 $0x165BA00, s0  }
0x8: {  	s13 =	sshll.u32 s11, $0x6;
	s5 =	smul.u32 $0x160000, s1;
	_ =	strace $0x80000047  }
0x9: {  	s7 =	ssub.s32 $0x2, s1;
	s9 =	sshll.u32 s1, $0x4;
	[dreg:$0x6] =	wrdreg s19  }
0xa: {  	s6 =	sadd.s32 s4, s0;
	s26 =	sshrl.u32 s7, $0x1;
	s9 =	sor.u32 s11, s9  }
0xb: {  	s10 =	sshrl.u32 s10, $0x2;
	s5 =	sshrl.u32 s5, $0x3;
	s12 =	smul.u32 $0x5000, s9  }
0xc: {  	s16 =	ssub.s32 s7, s26;
	s17 =	smul.u32 $0x14000, s9;
	s7 =	sor.u32 $0x1C05, s13  }
0xd: {  	s13 =	smul.u32 $0x50000, s1;
	s15 =	sadd.s32 s5, s0;
	s5 =	sadd.s32 s10, s2  }
0xe: {  	s6 =	sadd.s32 $0x3A00, s6;
	s1 =	smul.u32 $0xA00000, s1;
	[dreg:$0x3] =	wrdreg s5  }
0xf: {  	s24 =	smax.u32 s16, $0x1;
	s18 =	sshrl.u32 s12, $0x3;
	[dreg:$0x4] =	wrdreg s17  }
0x10: {  	s5 =	sadd.s32 s8, s17;
	s17 =	smul.u32 $0x5000, s11;
	s19 =	sadd.s32 $0x2FA00, s15  }
0x11: {  	s21 =	sadd.s32 $0x87A00, s15;
	s12 =	sadd.s32 $0x18DBA00, s0;
	[dreg:$0x7] =	wrdreg s24  }
0x12: {  	s22 =	sadd.s32 $0xDFA00, s15;
	s23 =	sadd.s32 $0x137A00, s15;
	[dreg:$0x5] =	wrdreg s5  }
0x13: {  	s9 =	sadd.s32 s14, s18;
	s18 =	smul.u32 $0xA0000, s11;
	s24 =	sadd.s32 s4, s21  }
0x14: {  	s21 =	simm.s32 $0x0;
	s10 =	sadd.s32 $0x10, s9;
	s17 =	sadd.s32 s17, s13  }
0x15: {  	s13 =	sadd.s32 $0x1B5BA00, s0;
	[dreg:$0xb] =	wrdreg s24;
	s20 =	sor.u32 $0x100, s17  }
0x16: {  	s25 =	sadd.s32 s18, s1;
	s26 =	sor.u32 $0x200, s17;
	s0 =	sshrl.u32 s20, $0x3  }
0x17: {  	s5 =	sor.u32 $0x2000, s25;
	s1 =	sshrl.u32 s26, $0x3;
	s20 =	sadd.s32 s4, s19  }
0x18: {  	s26 =	sadd.s32 s4, s23;
	s15 =	sadd.s32 s0, s14;
	s0 =	sor.u32 $0x4000, s25  }
0x19: {  	s16 =	sshrl.u32 s5, $0x3;
	s17 =	sadd.s32 s1, s14;
	[dreg:$0xa] =	wrdreg s20  }
0x1a: {  	s25 =	sadd.s32 s4, s22;
	[dreg:$0xd] =	wrdreg s26;
	s26 =	simm.s32 $0x8000  }
0x1b: {  	s1 =	simm.s32 $0x80;
	s4 =	simm.s32 $0x3;
	s18 =	sshrl.u32 s0, $0x3  }
0x1c: {  	s11 =	sadd.s32 s16, s8;
	[dreg:$0xc] =	wrdreg s25;
	s25 =	simm.s32 $0x5  }
0x1d: {  	s0 =	simm.s32 $0x1;
	[dreg:$0x8] =	wrdreg s11;
	s14 =	sadd.s32 s18, s8  }
0x1e: {  	s8 =	simm.s32 $0x2;
	[dreg:$0x9] =	wrdreg s14;
	s14 =	simm.s32 $0x4  }
.LBB2_1:
0x1f: {  	s5 =	rddreg [dreg:$0x3]  }
0x20: {  	s22 =	sshrl.u32 s5, $0x3  }
0x21: {  	[spmem:s22], [sflag:s7] =	dma.local [hbm:s6], $0x2C00  }
0x22: {  	_ =	swait.ge [sflag:s25], $0x2C00  }
0x23: {  	[sflag:s25] =	ssyncset.done $0x0  }
0x24: {  	[sflag:s25] =	ssyncadd.s32 $0xFFFFD400  }
0x25: {  	[bflag:$0x0] =	sbarrier.arrive $0xFFFF  }
0x26: {  	s19 =	rddreg [dreg:$0x5]  }
0x27: {  	[tilespmem:s3], [sflag:$0x1] =	stream.linear.gather [hbm4b:s19+s3], $0x2000, $0x38;
	[tilespmem:$0x13200] =	vst v63  }
0x28: {  	_ = 	snop  }
0x29: {  	[tilespmem:s26], [sflag:$0x1] =	stream.linear.gather [hbm4b:s9+s3], $0x80, $0x38;
	[tilespmem:$0x13200] =	vst v63  }
0x2a: {  	_ = 	snop  }
0x2b: {  	[tilespmem:s28], [sflag:$0x1] =	stream.linear.gather [hbm4b:s10+s3], $0x80, $0x38;
	[tilespmem:$0x13200] =	vst v63  }
0x2c: {  	s20 =	rddreg [dreg:$0x8]  }
0x2d: {  	[tilespmem:s29], [sflag:$0x2] =	stream.linear.gather [hbm4b:s20+s3], $0x2000, $0x38;
	[tilespmem:$0x13200] =	vst v63  }
0x2e: {  	s19 =	sadd.s32 $0x0, s15  }
0x2f: {  	[tilespmem:s30], [sflag:$0x2] =	stream.linear.gather [hbm4b:s19+s3], $0x80, $0x38;
	[tilespmem:$0x13200] =	vst v63  }
0x30: {  	s19 =	sadd.s32 $0x10, s19  }
0x31: {  	[tilespmem:s31], [sflag:$0x2] =	stream.linear.gather [hbm4b:s19+s3], $0x80, $0x38;
	[tilespmem:$0x13200] =	vst v63  }
0x32: {  	_ =	swait.ge [sflag:s0], $0x2000  }
0x33: {  	[sflag:s0] =	ssyncset.done $0x0  }
0x34: {  	[sflag:s0] =	ssyncadd.s32 $0xFFFFE000  }
0x35: {  	_ =	swait.ge [sflag:s0], $0x80  }
0x36: {  	[sflag:s0] =	ssyncset.done $0x0  }
0x37: {  	[sflag:s0] =	ssyncadd.s32 $0xFFFFFF80  }
0x38: {  	_ =	swait.ge [sflag:s0], $0x80  }
0x39: {  	[sflag:s0] =	ssyncset.done $0x0  }
0x3a: {  	[sflag:s0] =	ssyncadd.s32 $0xFFFFFF80  }
0x3b: {  	[spmem:s2] =	stream.indirect.scatter.add.f32 [tilespmem:s3], [sflag:$0x3], $0x40, s26, s1, $0xb8;
	[tilespmem:$0x13200] =	vst v63  }
0x3c: {  	_ = 	snop  }
0x3d: {  	[spmem:s2] =	stream.indirect.scatter.add.f32 [tilespmem:s3], [sflag:$0x3], $0x40, s28, s1, $0xb8;
	[tilespmem:$0x13200] =	vst v63  }
0x3e: {  	_ =	swait.ge [sflag:s4], $0x2000  }
0x3f: {  	[sflag:s4] =	ssyncset.done $0x0  }
0x40: {  	[sflag:s4] =	ssyncadd.s32 $0xFFFFE000  }
0x41: {  	_ =	swait.ge [sflag:s4], $0x2000  }
0x42: {  	p0 =	por $0x0, $0x0;
	[sflag:s4] =	ssyncset.done $0x0  }
0x43: {  	s19 =	simm.s32 @!p0 $0x0;
	s11 =	rddreg [dreg:$0x9];
	[sflag:s4] =	ssyncadd.s32 $0xFFFFE000  }
0x44: {  	[tilespmem:s19], [sflag:$0x1] =	stream.linear.gather @!p0 [hbm4b:s11+s19], $0x2000, $0x38;
	[tilespmem:$0x13200] =	vst v63  }
0x45: {  	s23 =	sadd.s32 @!p0 $0x0, s17;
	s24 =	simm.s32 @!p0 $0x8000  }
0x46: {  	[tilespmem:s24], [sflag:$0x1] =	stream.linear.gather @!p0 [hbm4b:s23+s19], $0x80, $0x38;
	[tilespmem:$0x13200] =	vst v63  }
0x47: {  	s23 =	sadd.s32 @!p0 $0x10, s23;
	s24 =	simm.s32 @!p0 $0x8100  }
0x48: {  	[tilespmem:s24], [sflag:$0x1] =	stream.linear.gather @!p0 [hbm4b:s23+s19], $0x80, $0x38;
	[tilespmem:$0x13200] =	vst v63  }
0x49: {  	_ =	swait.ge [sflag:s8], $0x2000  }
0x4a: {  	[sflag:s8] =	ssyncset.done $0x0  }
0x4b: {  	[sflag:s8] =	ssyncadd.s32 $0xFFFFE000  }
0x4c: {  	_ =	swait.ge [sflag:s8], $0x80  }
0x4d: {  	[sflag:s8] =	ssyncset.done $0x0  }
0x4e: {  	[sflag:s8] =	ssyncadd.s32 $0xFFFFFF80  }
0x4f: {  	_ =	swait.ge [sflag:s8], $0x80  }
0x50: {  	[sflag:s8] =	ssyncset.done $0x0  }
0x51: {  	[sflag:s8] =	ssyncadd.s32 $0xFFFFFF80  }
0x52: {  	[spmem:s2] =	stream.indirect.scatter.add.f32 [tilespmem:s29], [sflag:$0x4], $0x40, s30, s1, $0xb8;
	[tilespmem:$0x13200] =	vst v63  }
0x53: {  	_ = 	snop  }
0x54: {  	[spmem:s2] =	stream.indirect.scatter.add.f32 [tilespmem:s29], [sflag:$0x4], $0x40, s31, s1, $0xb8;
	[tilespmem:$0x13200] =	vst v63  }
0x55: {  	_ =	swait.ge [sflag:s14], $0x2000  }
0x56: {  	[sflag:s14] =	ssyncset.done $0x0  }
0x57: {  	[sflag:s14] =	ssyncadd.s32 $0xFFFFE000  }
0x58: {  	s23 =	simm.s32 $0x40;
	_ =	swait.ge [sflag:s14], $0x2000  }
0x59: {  	s24 =	sadd.s32 $0x800, s11;
	s19 =	smov.u32 s20;
	[sflag:s14] =	ssyncset.done $0x0  }
.LBB2_2:
0x5a: {  	[sflag:s14] =	ssyncadd.s32 $0xFFFFE000  }
0x5b: {  	s19 =	sadd.s32 $0x800, s19;
	s20 =	smov.u32 s23;
	s23 =	sadd.s32 $0x40, s23  }
0x5c: {  	[tilespmem:s29], [sflag:$0x2] =	stream.linear.gather [hbm4b:s19+s3], $0x2000, $0x38;
	[tilespmem:$0x13200] =	vst v63  }
0x5d: {  	s5 =	sadd.s32 s20, s15;
	p0 =	sne.s32 s23, $0xA00  }
0x5e: {  	[tilespmem:s30], [sflag:$0x2] =	stream.linear.gather [hbm4b:s5+s3], $0x80, $0x38;
	[tilespmem:$0x13200] =	vst v63  }
0x5f: {  	s5 =	sadd.s32 $0x10, s5  }
0x60: {  	[tilespmem:s31], [sflag:$0x2] =	stream.linear.gather [hbm4b:s5+s3], $0x80, $0x38;
	[tilespmem:$0x13200] =	vst v63  }
0x61: {  	_ =	swait.ge [sflag:s0], $0x2000  }
0x62: {  	[sflag:s0] =	ssyncset.done $0x0  }
0x63: {  	[sflag:s0] =	ssyncadd.s32 $0xFFFFE000  }
0x64: {  	_ =	swait.ge [sflag:s0], $0x80  }
0x65: {  	[sflag:s0] =	ssyncset.done $0x0  }
0x66: {  	[sflag:s0] =	ssyncadd.s32 $0xFFFFFF80  }
0x67: {  	_ =	swait.ge [sflag:s0], $0x80  }
0x68: {  	[sflag:s0] =	ssyncset.done $0x0  }
0x69: {  	[sflag:s0] =	ssyncadd.s32 $0xFFFFFF80  }
0x6a: {  	[spmem:s2] =	stream.indirect.scatter.add.f32 [tilespmem:s3], [sflag:$0x3], $0x40, s26, s1, $0xb8;
	[tilespmem:$0x13200] =	vst v63  }
0x6b: {  	_ = 	snop  }
0x6c: {  	[spmem:s2] =	stream.indirect.scatter.add.f32 [tilespmem:s3], [sflag:$0x3], $0x40, s28, s1, $0xb8;
	[tilespmem:$0x13200] =	vst v63  }
0x6d: {  	_ =	swait.ge [sflag:s4], $0x2000  }
0x6e: {  	[sflag:s4] =	ssyncset.done $0x0  }
0x6f: {  	[sflag:s4] =	ssyncadd.s32 $0xFFFFE000  }
0x70: {  	_ =	swait.ge [sflag:s4], $0x2000  }
0x71: {  	p1 =	seq.s32 s20, $0x9C0;
	[sflag:s4] =	ssyncset.done $0x0  }
0x72: {  	s5 =	simm.s32 @!p1 $0x0;
	[sflag:s4] =	ssyncadd.s32 $0xFFFFE000  }
0x73: {  	[tilespmem:s5], [sflag:$0x1] =	stream.linear.gather @!p1 [hbm4b:s24+s5], $0x2000, $0x38;
	[tilespmem:$0x13200] =	vst v63  }
0x74: {  	s20 =	sadd.s32 @!p1 s20, s17;
	s11 =	simm.s32 @!p1 $0x8000  }
0x75: {  	[tilespmem:s11], [sflag:$0x1] =	stream.linear.gather @!p1 [hbm4b:s20+s5], $0x80, $0x38;
	[tilespmem:$0x13200] =	vst v63  }
0x76: {  	s11 =	sadd.s32 @!p1 $0x10, s20;
	s20 =	simm.s32 @!p1 $0x8100  }
0x77: {  	[tilespmem:s20], [sflag:$0x1] =	stream.linear.gather @!p1 [hbm4b:s11+s5], $0x80, $0x38;
	[tilespmem:$0x13200] =	vst v63  }
0x78: {  	_ =	swait.ge [sflag:s8], $0x2000  }
0x79: {  	[sflag:s8] =	ssyncset.done $0x0  }
0x7a: {  	[sflag:s8] =	ssyncadd.s32 $0xFFFFE000  }
0x7b: {  	_ =	swait.ge [sflag:s8], $0x80  }
0x7c: {  	[sflag:s8] =	ssyncset.done $0x0  }
0x7d: {  	[sflag:s8] =	ssyncadd.s32 $0xFFFFFF80  }
0x7e: {  	_ =	swait.ge [sflag:s8], $0x80  }
0x7f: {  	[sflag:s8] =	ssyncset.done $0x0  }
0x80: {  	[sflag:s8] =	ssyncadd.s32 $0xFFFFFF80  }
0x81: {  	[spmem:s2] =	stream.indirect.scatter.add.f32 [tilespmem:s29], [sflag:$0x4], $0x40, s30, s1, $0xb8;
	[tilespmem:$0x13200] =	vst v63  }
0x82: {  	_ = 	snop  }
0x83: {  	[spmem:s2] =	stream.indirect.scatter.add.f32 [tilespmem:s29], [sflag:$0x4], $0x40, s31, s1, $0xb8;
	[tilespmem:$0x13200] =	vst v63  }
.Ltmp0:
0x84: {  	_ =	swait.ge [sflag:s14], $0x2000;
	(pc) =	sbr.rel @p0 .LBB2_2-.Ltmp0, $4  }
0x85: {  	[sflag:s14] =	ssyncset.done $0x0  }
0x86: {  	[sflag:s14] =	ssyncadd.s32 $0xFFFFE000  }
0x87: {  	_ =	swait.ge [sflag:s14], $0x2000  }
0x88: {  	s24 =	sadd.s32 $0x800, s24;
	[sflag:s14] =	ssyncset.done $0x0  }
0x89: {  	[sflag:s14] =	ssyncadd.s32 $0xFFFFE000  }
0x8a: {  	[bflag:$0x0] =	sbarrier.arrive $0xFFFF  }
0x8b: {  	s5 =	rddreg [dreg:$0xa]  }
0x8c: {  	[hbm:s5], [sflag:s7] =	dma.local [spmem:s22], $0x2C00  }
0x8d: {  	_ =	swait.ge [sflag:s25], $0x2C00  }
0x8e: {  	[sflag:s25] =	ssyncset.done $0x0  }
0x8f: {  	[sflag:s25] =	ssyncadd.s32 $0xFFFFD400  }
0x90: {  	[bflag:$0x0] =	sbarrier.arrive $0xFFFF  }
0x91: {  	[spmem:s22], [sflag:s7] =	dma.local [hbm:s6], $0x2C00  }
0x92: {  	_ =	swait.ge [sflag:s25], $0x2C00  }
0x93: {  	[sflag:s25] =	ssyncset.done $0x0  }
0x94: {  	[sflag:s25] =	ssyncadd.s32 $0xFFFFD400  }
0x95: {  	[bflag:$0x0] =	sbarrier.arrive $0xFFFF  }
0x96: {  	s23 =	rddreg [dreg:$0x4]  }
0x97: {  	s19 =	rddreg [dreg:$0x6]  }
0x98: {  	s11 =	simm.s32 $0x0;
	s5 =	sadd.s32 s23, s19  }
0x99: {  	[tilespmem:s11], [sflag:$0x1] =	stream.linear.gather [hbm4b:s5+s11], $0x2000, $0x38;
	[tilespmem:$0x13200] =	vst v63  }
0x9a: {  	_ = 	snop  }
0x9b: {  	[tilespmem:s26], [sflag:$0x1] =	stream.linear.gather [hbm4b:s9+s11], $0x80, $0x38;
	[tilespmem:$0x13200] =	vst v63  }
0x9c: {  	_ = 	snop  }
0x9d: {  	[tilespmem:s28], [sflag:$0x1] =	stream.linear.gather [hbm4b:s10+s11], $0x80, $0x38;
	[tilespmem:$0x13200] =	vst v63  }
0x9e: {  	s23 =	sadd.s32 s19, s16  }
0x9f: {  	[tilespmem:s29], [sflag:$0x2] =	stream.linear.gather [hbm4b:s23+s3], $0x2000, $0x38;
	[tilespmem:$0x13200] =	vst v63  }
0xa0: {  	s24 =	sadd.s32 $0x0, s15  }
0xa1: {  	[tilespmem:s30], [sflag:$0x2] =	stream.linear.gather [hbm4b:s24+s3], $0x80, $0x38;
	[tilespmem:$0x13200] =	vst v63  }
0xa2: {  	s5 =	sadd.s32 $0x10, s24  }
0xa3: {  	[tilespmem:s31], [sflag:$0x2] =	stream.linear.gather [hbm4b:s5+s3], $0x80, $0x38;
	[tilespmem:$0x13200] =	vst v63  }
0xa4: {  	_ =	swait.ge [sflag:s0], $0x2000  }
0xa5: {  	[sflag:s0] =	ssyncset.done $0x0  }
0xa6: {  	[sflag:s0] =	ssyncadd.s32 $0xFFFFE000  }
0xa7: {  	_ =	swait.ge [sflag:s0], $0x80  }
0xa8: {  	[sflag:s0] =	ssyncset.done $0x0  }
0xa9: {  	[sflag:s0] =	ssyncadd.s32 $0xFFFFFF80  }
0xaa: {  	_ =	swait.ge [sflag:s0], $0x80  }
0xab: {  	[sflag:s0] =	ssyncset.done $0x0  }
0xac: {  	[sflag:s0] =	ssyncadd.s32 $0xFFFFFF80  }
0xad: {  	[spmem:s2] =	stream.indirect.scatter.add.f32 [tilespmem:s3], [sflag:$0x3], $0x40, s26, s1, $0xb8;
	[tilespmem:$0x13200] =	vst v63  }
0xae: {  	_ = 	snop  }
0xaf: {  	[spmem:s2] =	stream.indirect.scatter.add.f32 [tilespmem:s3], [sflag:$0x3], $0x40, s28, s1, $0xb8;
	[tilespmem:$0x13200] =	vst v63  }
0xb0: {  	_ =	swait.ge [sflag:s4], $0x2000  }
0xb1: {  	[sflag:s4] =	ssyncset.done $0x0  }
0xb2: {  	[sflag:s4] =	ssyncadd.s32 $0xFFFFE000  }
0xb3: {  	_ =	swait.ge [sflag:s4], $0x2000  }
0xb4: {  	p0 =	por $0x0, $0x0;
	[sflag:s4] =	ssyncset.done $0x0  }
0xb5: {  	s11 =	simm.s32 @!p0 $0x0;
	s5 =	sadd.s32 s19, s18;
	[sflag:s4] =	ssyncadd.s32 $0xFFFFE000  }
0xb6: {  	[tilespmem:s11], [sflag:$0x1] =	stream.linear.gather @!p0 [hbm4b:s5+s11], $0x2000, $0x38;
	[tilespmem:$0x13200] =	vst v63  }
0xb7: {  	s20 =	simm.s32 @!p0 $0x8000;
	s19 =	sadd.s32 @!p0 $0x0, s17  }
0xb8: {  	[tilespmem:s20], [sflag:$0x1] =	stream.linear.gather @!p0 [hbm4b:s19+s11], $0x80, $0x38;
	[tilespmem:$0x13200] =	vst v63  }
0xb9: {  	s19 =	sadd.s32 @!p0 $0x10, s19;
	s20 =	simm.s32 @!p0 $0x8100  }
0xba: {  	[tilespmem:s20], [sflag:$0x1] =	stream.linear.gather @!p0 [hbm4b:s19+s11], $0x80, $0x38;
	[tilespmem:$0x13200] =	vst v63  }
0xbb: {  	_ =	swait.ge [sflag:s8], $0x2000  }
0xbc: {  	[sflag:s8] =	ssyncset.done $0x0  }
0xbd: {  	[sflag:s8] =	ssyncadd.s32 $0xFFFFE000  }
0xbe: {  	_ =	swait.ge [sflag:s8], $0x80  }
0xbf: {  	[sflag:s8] =	ssyncset.done $0x0  }
0xc0: {  	[sflag:s8] =	ssyncadd.s32 $0xFFFFFF80  }
0xc1: {  	_ =	swait.ge [sflag:s8], $0x80  }
0xc2: {  	[sflag:s8] =	ssyncset.done $0x0  }
0xc3: {  	[sflag:s8] =	ssyncadd.s32 $0xFFFFFF80  }
0xc4: {  	[spmem:s2] =	stream.indirect.scatter.add.f32 [tilespmem:s29], [sflag:$0x4], $0x40, s30, s1, $0xb8;
	[tilespmem:$0x13200] =	vst v63  }
0xc5: {  	_ = 	snop  }
0xc6: {  	[spmem:s2] =	stream.indirect.scatter.add.f32 [tilespmem:s29], [sflag:$0x4], $0x40, s31, s1, $0xb8;
	[tilespmem:$0x13200] =	vst v63  }
0xc7: {  	_ =	swait.ge [sflag:s14], $0x2000  }
0xc8: {  	[sflag:s14] =	ssyncset.done $0x0  }
0xc9: {  	[sflag:s14] =	ssyncadd.s32 $0xFFFFE000  }
0xca: {  	_ =	swait.ge [sflag:s14], $0x2000  }
0xcb: {  	s24 =	simm.s32 $0x40;
	s19 =	sadd.s32 $0x800, s5;
	[sflag:s14] =	ssyncset.done $0x0  }
.LBB2_4:
0xcc: {  	[sflag:s14] =	ssyncadd.s32 $0xFFFFE000  }
0xcd: {  	s23 =	sadd.s32 $0x800, s23;
	s5 =	smov.u32 s24;
	s24 =	sadd.s32 $0x40, s24  }
0xce: {  	[tilespmem:s29], [sflag:$0x2] =	stream.linear.gather [hbm4b:s23+s3], $0x2000, $0x38;
	[tilespmem:$0x13200] =	vst v63  }
0xcf: {  	s11 =	sadd.s32 s5, s15;
	p0 =	sne.s32 s24, $0xA00  }
0xd0: {  	[tilespmem:s30], [sflag:$0x2] =	stream.linear.gather [hbm4b:s11+s3], $0x80, $0x38;
	[tilespmem:$0x13200] =	vst v63  }
0xd1: {  	s11 =	sadd.s32 $0x10, s11  }
0xd2: {  	[tilespmem:s31], [sflag:$0x2] =	stream.linear.gather [hbm4b:s11+s3], $0x80, $0x38;
	[tilespmem:$0x13200] =	vst v63  }
0xd3: {  	_ =	swait.ge [sflag:s0], $0x2000  }
0xd4: {  	[sflag:s0] =	ssyncset.done $0x0  }
0xd5: {  	[sflag:s0] =	ssyncadd.s32 $0xFFFFE000  }
0xd6: {  	_ =	swait.ge [sflag:s0], $0x80  }
0xd7: {  	[sflag:s0] =	ssyncset.done $0x0  }
0xd8: {  	[sflag:s0] =	ssyncadd.s32 $0xFFFFFF80  }
0xd9: {  	_ =	swait.ge [sflag:s0], $0x80  }
0xda: {  	[sflag:s0] =	ssyncset.done $0x0  }
0xdb: {  	[sflag:s0] =	ssyncadd.s32 $0xFFFFFF80  }
0xdc: {  	[spmem:s2] =	stream.indirect.scatter.add.f32 [tilespmem:s3], [sflag:$0x3], $0x40, s26, s1, $0xb8;
	[tilespmem:$0x13200] =	vst v63  }
0xdd: {  	_ = 	snop  }
0xde: {  	[spmem:s2] =	stream.indirect.scatter.add.f32 [tilespmem:s3], [sflag:$0x3], $0x40, s28, s1, $0xb8;
	[tilespmem:$0x13200] =	vst v63  }
0xdf: {  	_ =	swait.ge [sflag:s4], $0x2000  }
0xe0: {  	[sflag:s4] =	ssyncset.done $0x0  }
0xe1: {  	[sflag:s4] =	ssyncadd.s32 $0xFFFFE000  }
0xe2: {  	_ =	swait.ge [sflag:s4], $0x2000  }
0xe3: {  	p1 =	seq.s32 s5, $0x9C0;
	[sflag:s4] =	ssyncset.done $0x0  }
0xe4: {  	s11 =	simm.s32 @!p1 $0x0;
	[sflag:s4] =	ssyncadd.s32 $0xFFFFE000  }
0xe5: {  	[tilespmem:s11], [sflag:$0x1] =	stream.linear.gather @!p1 [hbm4b:s19+s11], $0x2000, $0x38;
	[tilespmem:$0x13200] =	vst v63  }
0xe6: {  	s5 =	sadd.s32 @!p1 s5, s17;
	s20 =	simm.s32 @!p1 $0x8000  }
0xe7: {  	[tilespmem:s20], [sflag:$0x1] =	stream.linear.gather @!p1 [hbm4b:s5+s11], $0x80, $0x38;
	[tilespmem:$0x13200] =	vst v63  }
0xe8: {  	s5 =	sadd.s32 @!p1 $0x10, s5;
	s20 =	simm.s32 @!p1 $0x8100  }
0xe9: {  	[tilespmem:s20], [sflag:$0x1] =	stream.linear.gather @!p1 [hbm4b:s5+s11], $0x80, $0x38;
	[tilespmem:$0x13200] =	vst v63  }
0xea: {  	_ =	swait.ge [sflag:s8], $0x2000  }
0xeb: {  	[sflag:s8] =	ssyncset.done $0x0  }
0xec: {  	[sflag:s8] =	ssyncadd.s32 $0xFFFFE000  }
0xed: {  	_ =	swait.ge [sflag:s8], $0x80  }
0xee: {  	[sflag:s8] =	ssyncset.done $0x0  }
0xef: {  	[sflag:s8] =	ssyncadd.s32 $0xFFFFFF80  }
0xf0: {  	_ =	swait.ge [sflag:s8], $0x80  }
0xf1: {  	[sflag:s8] =	ssyncset.done $0x0  }
0xf2: {  	[sflag:s8] =	ssyncadd.s32 $0xFFFFFF80  }
0xf3: {  	[spmem:s2] =	stream.indirect.scatter.add.f32 [tilespmem:s29], [sflag:$0x4], $0x40, s30, s1, $0xb8;
	[tilespmem:$0x13200] =	vst v63  }
0xf4: {  	_ = 	snop  }
0xf5: {  	[spmem:s2] =	stream.indirect.scatter.add.f32 [tilespmem:s29], [sflag:$0x4], $0x40, s31, s1, $0xb8;
	[tilespmem:$0x13200] =	vst v63  }
.Ltmp1:
0xf6: {  	_ =	swait.ge [sflag:s14], $0x2000;
	(pc) =	sbr.rel @p0 .LBB2_4-.Ltmp1, $4  }
0xf7: {  	[sflag:s14] =	ssyncset.done $0x0  }
0xf8: {  	[sflag:s14] =	ssyncadd.s32 $0xFFFFE000  }
0xf9: {  	_ =	swait.ge [sflag:s14], $0x2000  }
0xfa: {  	s19 =	sadd.s32 $0x800, s19;
	[sflag:s14] =	ssyncset.done $0x0  }
0xfb: {  	[sflag:s14] =	ssyncadd.s32 $0xFFFFE000  }
0xfc: {  	[bflag:$0x0] =	sbarrier.arrive $0xFFFF  }
0xfd: {  	s5 =	rddreg [dreg:$0xb]  }
0xfe: {  	[hbm:s5], [sflag:s7] =	dma.local [spmem:s22], $0x2C00  }
0xff: {  	_ =	swait.ge [sflag:s25], $0x2C00  }
0x100: {  	[sflag:s25] =	ssyncset.done $0x0  }
0x101: {  	[sflag:s25] =	ssyncadd.s32 $0xFFFFD400  }
0x102: {  	[bflag:$0x0] =	sbarrier.arrive $0xFFFF  }
0x103: {  	[spmem:s22], [sflag:s7] =	dma.local [hbm:s6], $0x2C00  }
0x104: {  	_ =	swait.ge [sflag:s25], $0x2C00  }
0x105: {  	[sflag:s25] =	ssyncset.done $0x0  }
0x106: {  	[sflag:s25] =	ssyncadd.s32 $0xFFFFD400  }
0x107: {  	[bflag:$0x0] =	sbarrier.arrive $0xFFFF  }
0x108: {  	s23 =	rddreg [dreg:$0x4]  }
0x109: {  	s11 =	simm.s32 $0x0;
	s5 =	sadd.s32 s23, s12  }
0x10a: {  	[tilespmem:s11], [sflag:$0x1] =	stream.linear.gather [hbm4b:s5+s11], $0x2000, $0x38;
	[tilespmem:$0x13200] =	vst v63  }
0x10b: {  	_ = 	snop  }
0x10c: {  	[tilespmem:s26], [sflag:$0x1] =	stream.linear.gather [hbm4b:s9+s11], $0x80, $0x38;
	[tilespmem:$0x13200] =	vst v63  }
0x10d: {  	_ = 	snop  }
0x10e: {  	[tilespmem:s28], [sflag:$0x1] =	stream.linear.gather [hbm4b:s10+s11], $0x80, $0x38;
	[tilespmem:$0x13200] =	vst v63  }
0x10f: {  	s23 =	sadd.s32 s12, s16  }
0x110: {  	[tilespmem:s29], [sflag:$0x2] =	stream.linear.gather [hbm4b:s23+s3], $0x2000, $0x38;
	[tilespmem:$0x13200] =	vst v63  }
0x111: {  	s24 =	sadd.s32 $0x0, s15  }
0x112: {  	[tilespmem:s30], [sflag:$0x2] =	stream.linear.gather [hbm4b:s24+s3], $0x80, $0x38;
	[tilespmem:$0x13200] =	vst v63  }
0x113: {  	s5 =	sadd.s32 $0x10, s24  }
0x114: {  	[tilespmem:s31], [sflag:$0x2] =	stream.linear.gather [hbm4b:s5+s3], $0x80, $0x38;
	[tilespmem:$0x13200] =	vst v63  }
0x115: {  	_ =	swait.ge [sflag:s0], $0x2000  }
0x116: {  	[sflag:s0] =	ssyncset.done $0x0  }
0x117: {  	[sflag:s0] =	ssyncadd.s32 $0xFFFFE000  }
0x118: {  	_ =	swait.ge [sflag:s0], $0x80  }
0x119: {  	[sflag:s0] =	ssyncset.done $0x0  }
0x11a: {  	[sflag:s0] =	ssyncadd.s32 $0xFFFFFF80  }
0x11b: {  	_ =	swait.ge [sflag:s0], $0x80  }
0x11c: {  	[sflag:s0] =	ssyncset.done $0x0  }
0x11d: {  	[sflag:s0] =	ssyncadd.s32 $0xFFFFFF80  }
0x11e: {  	[spmem:s2] =	stream.indirect.scatter.add.f32 [tilespmem:s3], [sflag:$0x3], $0x40, s26, s1, $0xb8;
	[tilespmem:$0x13200] =	vst v63  }
0x11f: {  	_ = 	snop  }
0x120: {  	[spmem:s2] =	stream.indirect.scatter.add.f32 [tilespmem:s3], [sflag:$0x3], $0x40, s28, s1, $0xb8;
	[tilespmem:$0x13200] =	vst v63  }
0x121: {  	_ =	swait.ge [sflag:s4], $0x2000  }
0x122: {  	[sflag:s4] =	ssyncset.done $0x0  }
0x123: {  	[sflag:s4] =	ssyncadd.s32 $0xFFFFE000  }
0x124: {  	_ =	swait.ge [sflag:s4], $0x2000  }
0x125: {  	p0 =	por $0x0, $0x0;
	[sflag:s4] =	ssyncset.done $0x0  }
0x126: {  	s11 =	simm.s32 @!p0 $0x0;
	s5 =	sadd.s32 s12, s18;
	[sflag:s4] =	ssyncadd.s32 $0xFFFFE000  }
0x127: {  	[tilespmem:s11], [sflag:$0x1] =	stream.linear.gather @!p0 [hbm4b:s5+s11], $0x2000, $0x38;
	[tilespmem:$0x13200] =	vst v63  }
0x128: {  	s19 =	sadd.s32 @!p0 $0x0, s17;
	s20 =	simm.s32 @!p0 $0x8000  }
0x129: {  	[tilespmem:s20], [sflag:$0x1] =	stream.linear.gather @!p0 [hbm4b:s19+s11], $0x80, $0x38;
	[tilespmem:$0x13200] =	vst v63  }
0x12a: {  	s19 =	sadd.s32 @!p0 $0x10, s19;
	s20 =	simm.s32 @!p0 $0x8100  }
0x12b: {  	[tilespmem:s20], [sflag:$0x1] =	stream.linear.gather @!p0 [hbm4b:s19+s11], $0x80, $0x38;
	[tilespmem:$0x13200] =	vst v63  }
0x12c: {  	_ =	swait.ge [sflag:s8], $0x2000  }
0x12d: {  	[sflag:s8] =	ssyncset.done $0x0  }
0x12e: {  	[sflag:s8] =	ssyncadd.s32 $0xFFFFE000  }
0x12f: {  	_ =	swait.ge [sflag:s8], $0x80  }
0x130: {  	[sflag:s8] =	ssyncset.done $0x0  }
0x131: {  	[sflag:s8] =	ssyncadd.s32 $0xFFFFFF80  }
0x132: {  	_ =	swait.ge [sflag:s8], $0x80  }
0x133: {  	[sflag:s8] =	ssyncset.done $0x0  }
0x134: {  	[sflag:s8] =	ssyncadd.s32 $0xFFFFFF80  }
0x135: {  	[spmem:s2] =	stream.indirect.scatter.add.f32 [tilespmem:s29], [sflag:$0x4], $0x40, s30, s1, $0xb8;
	[tilespmem:$0x13200] =	vst v63  }
0x136: {  	_ = 	snop  }
0x137: {  	[spmem:s2] =	stream.indirect.scatter.add.f32 [tilespmem:s29], [sflag:$0x4], $0x40, s31, s1, $0xb8;
	[tilespmem:$0x13200] =	vst v63  }
0x138: {  	_ =	swait.ge [sflag:s14], $0x2000  }
0x139: {  	[sflag:s14] =	ssyncset.done $0x0  }
0x13a: {  	[sflag:s14] =	ssyncadd.s32 $0xFFFFE000  }
0x13b: {  	_ =	swait.ge [sflag:s14], $0x2000  }
0x13c: {  	s24 =	simm.s32 $0x40;
	s19 =	sadd.s32 $0x800, s5;
	[sflag:s14] =	ssyncset.done $0x0  }
.LBB2_6:
0x13d: {  	[sflag:s14] =	ssyncadd.s32 $0xFFFFE000  }
0x13e: {  	s23 =	sadd.s32 $0x800, s23;
	s5 =	smov.u32 s24;
	s24 =	sadd.s32 $0x40, s24  }
0x13f: {  	[tilespmem:s29], [sflag:$0x2] =	stream.linear.gather [hbm4b:s23+s3], $0x2000, $0x38;
	[tilespmem:$0x13200] =	vst v63  }
0x140: {  	s11 =	sadd.s32 s5, s15;
	p0 =	sne.s32 s24, $0xA00  }
0x141: {  	[tilespmem:s30], [sflag:$0x2] =	stream.linear.gather [hbm4b:s11+s3], $0x80, $0x38;
	[tilespmem:$0x13200] =	vst v63  }
0x142: {  	s11 =	sadd.s32 $0x10, s11  }
0x143: {  	[tilespmem:s31], [sflag:$0x2] =	stream.linear.gather [hbm4b:s11+s3], $0x80, $0x38;
	[tilespmem:$0x13200] =	vst v63  }
0x144: {  	_ =	swait.ge [sflag:s0], $0x2000  }
0x145: {  	[sflag:s0] =	ssyncset.done $0x0  }
0x146: {  	[sflag:s0] =	ssyncadd.s32 $0xFFFFE000  }
0x147: {  	_ =	swait.ge [sflag:s0], $0x80  }
0x148: {  	[sflag:s0] =	ssyncset.done $0x0  }
0x149: {  	[sflag:s0] =	ssyncadd.s32 $0xFFFFFF80  }
0x14a: {  	_ =	swait.ge [sflag:s0], $0x80  }
0x14b: {  	[sflag:s0] =	ssyncset.done $0x0  }
0x14c: {  	[sflag:s0] =	ssyncadd.s32 $0xFFFFFF80  }
0x14d: {  	[spmem:s2] =	stream.indirect.scatter.add.f32 [tilespmem:s3], [sflag:$0x3], $0x40, s26, s1, $0xb8;
	[tilespmem:$0x13200] =	vst v63  }
0x14e: {  	_ = 	snop  }
0x14f: {  	[spmem:s2] =	stream.indirect.scatter.add.f32 [tilespmem:s3], [sflag:$0x3], $0x40, s28, s1, $0xb8;
	[tilespmem:$0x13200] =	vst v63  }
0x150: {  	_ =	swait.ge [sflag:s4], $0x2000  }
0x151: {  	[sflag:s4] =	ssyncset.done $0x0  }
0x152: {  	[sflag:s4] =	ssyncadd.s32 $0xFFFFE000  }
0x153: {  	_ =	swait.ge [sflag:s4], $0x2000  }
0x154: {  	p1 =	seq.s32 s5, $0x9C0;
	[sflag:s4] =	ssyncset.done $0x0  }
0x155: {  	s11 =	simm.s32 @!p1 $0x0;
	[sflag:s4] =	ssyncadd.s32 $0xFFFFE000  }
0x156: {  	[tilespmem:s11], [sflag:$0x1] =	stream.linear.gather @!p1 [hbm4b:s19+s11], $0x2000, $0x38;
	[tilespmem:$0x13200] =	vst v63  }
0x157: {  	s5 =	sadd.s32 @!p1 s5, s17;
	s20 =	simm.s32 @!p1 $0x8000  }
0x158: {  	[tilespmem:s20], [sflag:$0x1] =	stream.linear.gather @!p1 [hbm4b:s5+s11], $0x80, $0x38;
	[tilespmem:$0x13200] =	vst v63  }
0x159: {  	s5 =	sadd.s32 @!p1 $0x10, s5;
	s20 =	simm.s32 @!p1 $0x8100  }
0x15a: {  	[tilespmem:s20], [sflag:$0x1] =	stream.linear.gather @!p1 [hbm4b:s5+s11], $0x80, $0x38;
	[tilespmem:$0x13200] =	vst v63  }
0x15b: {  	_ =	swait.ge [sflag:s8], $0x2000  }
0x15c: {  	[sflag:s8] =	ssyncset.done $0x0  }
0x15d: {  	[sflag:s8] =	ssyncadd.s32 $0xFFFFE000  }
0x15e: {  	_ =	swait.ge [sflag:s8], $0x80  }
0x15f: {  	[sflag:s8] =	ssyncset.done $0x0  }
0x160: {  	[sflag:s8] =	ssyncadd.s32 $0xFFFFFF80  }
0x161: {  	_ =	swait.ge [sflag:s8], $0x80  }
0x162: {  	[sflag:s8] =	ssyncset.done $0x0  }
0x163: {  	[sflag:s8] =	ssyncadd.s32 $0xFFFFFF80  }
0x164: {  	[spmem:s2] =	stream.indirect.scatter.add.f32 [tilespmem:s29], [sflag:$0x4], $0x40, s30, s1, $0xb8;
	[tilespmem:$0x13200] =	vst v63  }
0x165: {  	_ = 	snop  }
0x166: {  	[spmem:s2] =	stream.indirect.scatter.add.f32 [tilespmem:s29], [sflag:$0x4], $0x40, s31, s1, $0xb8;
	[tilespmem:$0x13200] =	vst v63  }
.Ltmp2:
0x167: {  	_ =	swait.ge [sflag:s14], $0x2000;
	(pc) =	sbr.rel @p0 .LBB2_6-.Ltmp2, $4  }
0x168: {  	[sflag:s14] =	ssyncset.done $0x0  }
0x169: {  	[sflag:s14] =	ssyncadd.s32 $0xFFFFE000  }
0x16a: {  	_ =	swait.ge [sflag:s14], $0x2000  }
0x16b: {  	s19 =	sadd.s32 $0x800, s19;
	[sflag:s14] =	ssyncset.done $0x0  }
0x16c: {  	[sflag:s14] =	ssyncadd.s32 $0xFFFFE000  }
0x16d: {  	[bflag:$0x0] =	sbarrier.arrive $0xFFFF  }
0x16e: {  	s5 =	rddreg [dreg:$0xc]  }
0x16f: {  	[hbm:s5], [sflag:s7] =	dma.local [spmem:s22], $0x2C00  }
0x170: {  	_ =	swait.ge [sflag:s25], $0x2C00  }
0x171: {  	[sflag:s25] =	ssyncset.done $0x0  }
0x172: {  	[sflag:s25] =	ssyncadd.s32 $0xFFFFD400  }
0x173: {  	[bflag:$0x0] =	sbarrier.arrive $0xFFFF  }
0x174: {  	[spmem:s22], [sflag:s7] =	dma.local [hbm:s6], $0x2C00  }
0x175: {  	_ =	swait.ge [sflag:s25], $0x2C00  }
0x176: {  	[sflag:s25] =	ssyncset.done $0x0  }
0x177: {  	[sflag:s25] =	ssyncadd.s32 $0xFFFFD400  }
0x178: {  	[bflag:$0x0] =	sbarrier.arrive $0xFFFF  }
0x179: {  	s23 =	rddreg [dreg:$0x4]  }
0x17a: {  	s11 =	simm.s32 $0x0;
	s5 =	sadd.s32 s23, s13  }
0x17b: {  	[tilespmem:s11], [sflag:$0x1] =	stream.linear.gather [hbm4b:s5+s11], $0x2000, $0x38;
	[tilespmem:$0x13200] =	vst v63  }
0x17c: {  	_ = 	snop  }
0x17d: {  	[tilespmem:s26], [sflag:$0x1] =	stream.linear.gather [hbm4b:s9+s11], $0x80, $0x38;
	[tilespmem:$0x13200] =	vst v63  }
0x17e: {  	_ = 	snop  }
0x17f: {  	[tilespmem:s28], [sflag:$0x1] =	stream.linear.gather [hbm4b:s10+s11], $0x80, $0x38;
	[tilespmem:$0x13200] =	vst v63  }
0x180: {  	s23 =	sadd.s32 s13, s16  }
0x181: {  	[tilespmem:s29], [sflag:$0x2] =	stream.linear.gather [hbm4b:s23+s3], $0x2000, $0x38;
	[tilespmem:$0x13200] =	vst v63  }
0x182: {  	s24 =	sadd.s32 $0x0, s15  }
0x183: {  	[tilespmem:s30], [sflag:$0x2] =	stream.linear.gather [hbm4b:s24+s3], $0x80, $0x38;
	[tilespmem:$0x13200] =	vst v63  }
0x184: {  	s5 =	sadd.s32 $0x10, s24  }
0x185: {  	[tilespmem:s31], [sflag:$0x2] =	stream.linear.gather [hbm4b:s5+s3], $0x80, $0x38;
	[tilespmem:$0x13200] =	vst v63  }
0x186: {  	_ =	swait.ge [sflag:s0], $0x2000  }
0x187: {  	[sflag:s0] =	ssyncset.done $0x0  }
0x188: {  	[sflag:s0] =	ssyncadd.s32 $0xFFFFE000  }
0x189: {  	_ =	swait.ge [sflag:s0], $0x80  }
0x18a: {  	[sflag:s0] =	ssyncset.done $0x0  }
0x18b: {  	[sflag:s0] =	ssyncadd.s32 $0xFFFFFF80  }
0x18c: {  	_ =	swait.ge [sflag:s0], $0x80  }
0x18d: {  	[sflag:s0] =	ssyncset.done $0x0  }
0x18e: {  	[sflag:s0] =	ssyncadd.s32 $0xFFFFFF80  }
0x18f: {  	[spmem:s2] =	stream.indirect.scatter.add.f32 [tilespmem:s3], [sflag:$0x3], $0x40, s26, s1, $0xb8;
	[tilespmem:$0x13200] =	vst v63  }
0x190: {  	_ = 	snop  }
0x191: {  	[spmem:s2] =	stream.indirect.scatter.add.f32 [tilespmem:s3], [sflag:$0x3], $0x40, s28, s1, $0xb8;
	[tilespmem:$0x13200] =	vst v63  }
0x192: {  	_ =	swait.ge [sflag:s4], $0x2000  }
0x193: {  	[sflag:s4] =	ssyncset.done $0x0  }
0x194: {  	[sflag:s4] =	ssyncadd.s32 $0xFFFFE000  }
0x195: {  	_ =	swait.ge [sflag:s4], $0x2000  }
0x196: {  	p0 =	por $0x0, $0x0;
	[sflag:s4] =	ssyncset.done $0x0  }
0x197: {  	s11 =	simm.s32 @!p0 $0x0;
	s5 =	sadd.s32 s13, s18;
	[sflag:s4] =	ssyncadd.s32 $0xFFFFE000  }
0x198: {  	[tilespmem:s11], [sflag:$0x1] =	stream.linear.gather @!p0 [hbm4b:s5+s11], $0x2000, $0x38;
	[tilespmem:$0x13200] =	vst v63  }
0x199: {  	s19 =	sadd.s32 @!p0 $0x0, s17;
	s20 =	simm.s32 @!p0 $0x8000  }
0x19a: {  	[tilespmem:s20], [sflag:$0x1] =	stream.linear.gather @!p0 [hbm4b:s19+s11], $0x80, $0x38;
	[tilespmem:$0x13200] =	vst v63  }
0x19b: {  	s19 =	sadd.s32 @!p0 $0x10, s19;
	s20 =	simm.s32 @!p0 $0x8100  }
0x19c: {  	[tilespmem:s20], [sflag:$0x1] =	stream.linear.gather @!p0 [hbm4b:s19+s11], $0x80, $0x38;
	[tilespmem:$0x13200] =	vst v63  }
0x19d: {  	_ =	swait.ge [sflag:s8], $0x2000  }
0x19e: {  	[sflag:s8] =	ssyncset.done $0x0  }
0x19f: {  	[sflag:s8] =	ssyncadd.s32 $0xFFFFE000  }
0x1a0: {  	_ =	swait.ge [sflag:s8], $0x80  }
0x1a1: {  	[sflag:s8] =	ssyncset.done $0x0  }
0x1a2: {  	[sflag:s8] =	ssyncadd.s32 $0xFFFFFF80  }
0x1a3: {  	_ =	swait.ge [sflag:s8], $0x80  }
0x1a4: {  	[sflag:s8] =	ssyncset.done $0x0  }
0x1a5: {  	[sflag:s8] =	ssyncadd.s32 $0xFFFFFF80  }
0x1a6: {  	[spmem:s2] =	stream.indirect.scatter.add.f32 [tilespmem:s29], [sflag:$0x4], $0x40, s30, s1, $0xb8;
	[tilespmem:$0x13200] =	vst v63  }
0x1a7: {  	_ = 	snop  }
0x1a8: {  	[spmem:s2] =	stream.indirect.scatter.add.f32 [tilespmem:s29], [sflag:$0x4], $0x40, s31, s1, $0xb8;
	[tilespmem:$0x13200] =	vst v63  }
0x1a9: {  	_ =	swait.ge [sflag:s14], $0x2000  }
0x1aa: {  	[sflag:s14] =	ssyncset.done $0x0  }
0x1ab: {  	[sflag:s14] =	ssyncadd.s32 $0xFFFFE000  }
0x1ac: {  	_ =	swait.ge [sflag:s14], $0x2000  }
0x1ad: {  	s24 =	simm.s32 $0x40;
	s19 =	sadd.s32 $0x800, s5;
	[sflag:s14] =	ssyncset.done $0x0  }
.LBB2_8:
0x1ae: {  	[sflag:s14] =	ssyncadd.s32 $0xFFFFE000  }
0x1af: {  	s23 =	sadd.s32 $0x800, s23;
	s5 =	smov.u32 s24;
	s24 =	sadd.s32 $0x40, s24  }
0x1b0: {  	[tilespmem:s29], [sflag:$0x2] =	stream.linear.gather [hbm4b:s23+s3], $0x2000, $0x38;
	[tilespmem:$0x13200] =	vst v63  }
0x1b1: {  	s11 =	sadd.s32 s5, s15;
	p0 =	sne.s32 s24, $0xA00  }
0x1b2: {  	[tilespmem:s30], [sflag:$0x2] =	stream.linear.gather [hbm4b:s11+s3], $0x80, $0x38;
	[tilespmem:$0x13200] =	vst v63  }
0x1b3: {  	s11 =	sadd.s32 $0x10, s11  }
0x1b4: {  	[tilespmem:s31], [sflag:$0x2] =	stream.linear.gather [hbm4b:s11+s3], $0x80, $0x38;
	[tilespmem:$0x13200] =	vst v63  }
0x1b5: {  	_ =	swait.ge [sflag:s0], $0x2000  }
0x1b6: {  	[sflag:s0] =	ssyncset.done $0x0  }
0x1b7: {  	[sflag:s0] =	ssyncadd.s32 $0xFFFFE000  }
0x1b8: {  	_ =	swait.ge [sflag:s0], $0x80  }
0x1b9: {  	[sflag:s0] =	ssyncset.done $0x0  }
0x1ba: {  	[sflag:s0] =	ssyncadd.s32 $0xFFFFFF80  }
0x1bb: {  	_ =	swait.ge [sflag:s0], $0x80  }
0x1bc: {  	[sflag:s0] =	ssyncset.done $0x0  }
0x1bd: {  	[sflag:s0] =	ssyncadd.s32 $0xFFFFFF80  }
0x1be: {  	[spmem:s2] =	stream.indirect.scatter.add.f32 [tilespmem:s3], [sflag:$0x3], $0x40, s26, s1, $0xb8;
	[tilespmem:$0x13200] =	vst v63  }
0x1bf: {  	_ = 	snop  }
0x1c0: {  	[spmem:s2] =	stream.indirect.scatter.add.f32 [tilespmem:s3], [sflag:$0x3], $0x40, s28, s1, $0xb8;
	[tilespmem:$0x13200] =	vst v63  }
0x1c1: {  	_ =	swait.ge [sflag:s4], $0x2000  }
0x1c2: {  	[sflag:s4] =	ssyncset.done $0x0  }
0x1c3: {  	[sflag:s4] =	ssyncadd.s32 $0xFFFFE000  }
0x1c4: {  	_ =	swait.ge [sflag:s4], $0x2000  }
0x1c5: {  	p1 =	seq.s32 s5, $0x9C0;
	[sflag:s4] =	ssyncset.done $0x0  }
0x1c6: {  	s11 =	simm.s32 @!p1 $0x0;
	[sflag:s4] =	ssyncadd.s32 $0xFFFFE000  }
0x1c7: {  	[tilespmem:s11], [sflag:$0x1] =	stream.linear.gather @!p1 [hbm4b:s19+s11], $0x2000, $0x38;
	[tilespmem:$0x13200] =	vst v63  }
0x1c8: {  	s5 =	sadd.s32 @!p1 s5, s17;
	s20 =	simm.s32 @!p1 $0x8000  }
0x1c9: {  	[tilespmem:s20], [sflag:$0x1] =	stream.linear.gather @!p1 [hbm4b:s5+s11], $0x80, $0x38;
	[tilespmem:$0x13200] =	vst v63  }
0x1ca: {  	s5 =	sadd.s32 @!p1 $0x10, s5;
	s20 =	simm.s32 @!p1 $0x8100  }
0x1cb: {  	[tilespmem:s20], [sflag:$0x1] =	stream.linear.gather @!p1 [hbm4b:s5+s11], $0x80, $0x38;
	[tilespmem:$0x13200] =	vst v63  }
0x1cc: {  	_ =	swait.ge [sflag:s8], $0x2000  }
0x1cd: {  	[sflag:s8] =	ssyncset.done $0x0  }
0x1ce: {  	[sflag:s8] =	ssyncadd.s32 $0xFFFFE000  }
0x1cf: {  	_ =	swait.ge [sflag:s8], $0x80  }
0x1d0: {  	[sflag:s8] =	ssyncset.done $0x0  }
0x1d1: {  	[sflag:s8] =	ssyncadd.s32 $0xFFFFFF80  }
0x1d2: {  	_ =	swait.ge [sflag:s8], $0x80  }
0x1d3: {  	[sflag:s8] =	ssyncset.done $0x0  }
0x1d4: {  	[sflag:s8] =	ssyncadd.s32 $0xFFFFFF80  }
0x1d5: {  	[spmem:s2] =	stream.indirect.scatter.add.f32 [tilespmem:s29], [sflag:$0x4], $0x40, s30, s1, $0xb8;
	[tilespmem:$0x13200] =	vst v63  }
0x1d6: {  	_ = 	snop  }
0x1d7: {  	[spmem:s2] =	stream.indirect.scatter.add.f32 [tilespmem:s29], [sflag:$0x4], $0x40, s31, s1, $0xb8;
	[tilespmem:$0x13200] =	vst v63  }
.Ltmp3:
0x1d8: {  	_ =	swait.ge [sflag:s14], $0x2000;
	(pc) =	sbr.rel @p0 .LBB2_8-.Ltmp3, $4  }
0x1d9: {  	[sflag:s14] =	ssyncset.done $0x0  }
0x1da: {  	[sflag:s14] =	ssyncadd.s32 $0xFFFFE000  }
0x1db: {  	_ =	swait.ge [sflag:s14], $0x2000  }
0x1dc: {  	s19 =	sadd.s32 $0x800, s19;
	[sflag:s14] =	ssyncset.done $0x0  }
0x1dd: {  	[sflag:s14] =	ssyncadd.s32 $0xFFFFE000  }
0x1de: {  	[bflag:$0x0] =	sbarrier.arrive $0xFFFF  }
0x1df: {  	s5 =	rddreg [dreg:$0xd]  }
0x1e0: {  	[hbm:s5], [sflag:s7] =	dma.local [spmem:s22], $0x2C00  }
0x1e1: {  	_ =	swait.ge [sflag:s25], $0x2C00  }
0x1e2: {  	s21 =	sadd.s32 $0x1, s21;
	s24 =	rddreg [dreg:$0x7]  }
0x1e3: {  	p0 =	sne.s32 s21, s24  }
.Ltmp4:
0x1e4: {  	_ = 	snop;
	(pc) =	sbr.rel @p0 .LBB2_1-.Ltmp4, $3  }
0x1e5: {  	[sflag:s25] =	ssyncset.done $0x0  }
0x1e6: {  	[sflag:s25] =	ssyncadd.s32 $0xFFFFD400  }
0x1e7: {  	[bflag:$0x0] =	sbarrier.arrive $0xFFFF;
	_ =	sdelay $0x1  }
0x1e8: {  	_ =	sfence.sel $0x180000  }
0x1e9: {  	[bflag:$0x0] =	sbarrier.arrive $0xFFFF  }
0x1ea: {  	_ =	strace $0x90000047  }
0x1eb: {  	s0 =	stileid.u32;
	[bflag:$0x2] =	sbarrier.arrive $0xFFFF  }
0x1ec: {  	p0 =	sne.s32 s0, $0x0;
	s0 =	rddreg [dreg:$0x2]  }
0x1ed: {  	s0 =	sadd.s32 @!p0 $0x100000, s0  }
0x1ee: {  	[sflag:s0] =	ssyncadd.tile.s32 @!p0 $0x1;
	_ =	shalt  }
.Lfunc_end2:
_tile_overlayer_lowered:
.L_overlay_start_2:
0x1ef: {  	(tag) =	ssettag $0x2  }
0x1f0: {  	s0 =	rddreg [dreg:$0x0];
	s2 =	stileid.u32  }
0x1f1: {  	s1 =	rddreg [dreg:$0x1];
	p0 =	sne.s32 s2, $0x0  }
0x1f2: {  	s3 =	rddreg [dreg:$0x2];
	[bflag:$0x3] =	sbarrier.arrive $0xFFFF;
	s2 =	simm.s32 @!p0 $0x1C05  }
0x1f3: {  	[timem:s3], [sflag:s2] =	dma.local @!p0 [hbm:s0], s1  }
0x1f4: {  	s0 =	simm.s32 @!p0 $0x5  }
0x1f5: {  	_ =	swait.ge @!p0 [sflag:s0], s1  }
0x1f6: {  	s1 =	ssub.s32 @!p0 $0x0, s1;
	[sflag:s0] =	ssyncset.done @!p0 $0x0  }
0x1f7: {  	[sflag:s0] =	ssyncadd.s32 @!p0 s1  }
0x1f8: {  	[bflag:$0x3] =	sbarrier.arrive $0xFFFF  }
0x1f9: {  	_ =	shalt  }

</sc_bundles>
